<compile_context>
chip_gen: v7x
topology: tpu7x:2x2x1
jax: 0.10.2.dev20260603
libtpu: 0.0.44.dev20260713+nightly
codegen_flags: <defaults>
</compile_context>

<pallas_src>
import jax
import jax.numpy as jnp
from jax import lax
from jax.experimental import pallas as pl
from jax.experimental.pallas import tpu as pltpu
from jax.experimental.pallas import tpu_sc as plsc

N_CORES = 2
N_SUBCORES = 16
LANES = 16
NW = N_CORES * N_SUBCORES
NBUF = 16


def _mf_body(uid_hbm, iid_hbm, utab_hbm, itab_hbm, bu_hbm, bi_hbm, bias_hbm,
             out_hbm, uidx_v, iidx_v, blk_v, out_v, bias_v, bu_v, bi_v,
             sems, bsem):
    bpw = out_v.shape[0]
    wid = lax.axis_index("s") * N_CORES + lax.axis_index("c")
    base = wid * bpw

    pltpu.sync_copy(uid_hbm.at[pl.ds(base, bpw)], uidx_v)
    pltpu.sync_copy(iid_hbm.at[pl.ds(base, bpw)], iidx_v)
    pltpu.sync_copy(bias_hbm, bias_v)

    cbu = pltpu.async_copy(bu_hbm.at[0].at[uidx_v], bu_v, bsem)
    cbi = pltpu.async_copy(bi_hbm.at[0].at[iidx_v], bi_v, bsem)

    lanes = lax.iota(jnp.int32, LANES)

    def read_idx(ref, i):
        return plsc.load_gather(ref, [jnp.full((LANES,), i, jnp.int32)])[0]

    def start(i, slot):
        ru = read_idx(uidx_v, i)
        ri = read_idx(iidx_v, i)
        ub = pl.multiple_of((ru // 128) * 128, 128)
        ib = pl.multiple_of((ri // 128) * 128, 128)
        pltpu.async_copy(utab_hbm.at[:, pl.ds(ub, 128)], blk_v.at[slot, 0],
                         sems.at[slot])
        pltpu.async_copy(itab_hbm.at[:, pl.ds(ib, 128)], blk_v.at[slot, 1],
                         sems.at[slot])

    def wait_and_use(i, slot):
        ru = read_idx(uidx_v, i)
        ri = read_idx(iidx_v, i)
        pltpu.make_async_copy(utab_hbm.at[:, pl.ds(0, 128)],
                              blk_v.at[slot, 0], sems.at[slot]).wait()
        pltpu.make_async_copy(utab_hbm.at[:, pl.ds(0, 128)],
                              blk_v.at[slot, 1], sems.at[slot]).wait()
        ucol = plsc.load_gather(blk_v, [jnp.full((LANES,), slot, jnp.int32),
                                        jnp.full((LANES,), 0, jnp.int32),
                                        lanes,
                                        jnp.full((LANES,), ru % 128,
                                                 jnp.int32)])
        icol = plsc.load_gather(blk_v, [jnp.full((LANES,), slot, jnp.int32),
                                        jnp.full((LANES,), 1, jnp.int32),
                                        lanes,
                                        jnp.full((LANES,), ri % 128,
                                                 jnp.int32)])
        dot = jnp.sum(ucol * icol)
        plsc.store_scatter(out_v, [jnp.full((LANES,), i, jnp.int32)],
                           jnp.full((LANES,), dot, jnp.float32),
                           mask=lanes == 0)

    for b in range(NBUF):
        start(b, b)

    def body(i, _):
        slot = lax.rem(i, NBUF)
        wait_and_use(i, slot)

        @pl.when(i + NBUF < bpw)
        def _():
            start(i + NBUF, slot)

        return 0

    lax.fori_loop(0, bpw, body, 0)

    cbu.wait()
    cbi.wait()
    bias_vec = bias_v[...]
    for g in range(bpw // LANES):
        sl = pl.ds(g * LANES, LANES)
        out_v[sl] = out_v[sl] + bu_v[sl] + bi_v[sl] + bias_vec

    pltpu.sync_copy(out_v, out_hbm.at[pl.ds(base, bpw)])


def kernel(train_x, user_emb, item_emb, bias_user, bias_item, bias):
    batch = train_x.shape[0]
    k_dim = user_emb.shape[1]
    bpw = batch // NW

    uid = train_x[:, 0].astype(jnp.int32)
    iid = train_x[:, 1].astype(jnp.int32)
    utab = user_emb.T
    itab = item_emb.T
    bu = bias_user.T
    bi = bias_item.T

    mesh = plsc.VectorSubcoreMesh(core_axis_name="c", subcore_axis_name="s")
    f = pl.kernel(
        _mf_body,
        mesh=mesh,
        compiler_params=pltpu.CompilerParams(
            needs_layout_passes=False, use_tc_tiling_on_sc=True),
        out_type=jax.ShapeDtypeStruct((batch,), jnp.float32),
        scratch_types=[
            pltpu.VMEM((bpw,), jnp.int32),
            pltpu.VMEM((bpw,), jnp.int32),
            pltpu.VMEM((NBUF, 2, k_dim, 128), jnp.float32),
            pltpu.VMEM((bpw,), jnp.float32),
            pltpu.VMEM((LANES,), jnp.float32),
            pltpu.VMEM((bpw,), jnp.float32),
            pltpu.VMEM((bpw,), jnp.float32),
            pltpu.SemaphoreType.DMA((NBUF,)),
            pltpu.SemaphoreType.DMA,
        ],
    )
    return f(uid, iid, utab, itab, bu, bi,
             jnp.broadcast_to(bias, (LANES,)))

# --- scband reference (transcript-rebuilt; emitter-appended) ---
"""Pipeline reference for scband-mf-32392643346738 (READ-ONLY COPY).

The authoritative reference and input builder live on the scoring server;
editing this copy changes nothing except your own understanding.
"""

import jax, jax.numpy as jnp
import numpy as np

N_USER = 1000000
N_ITEM = 1000000
K = 16
BATCH = 16384

def setup_inputs(seed: int = 0) -> dict:
    key = jax.random.key(seed)
    k1, k2, k3, k4, k5 = jax.random.split(key, 5)
    train_x = jax.random.randint(k1, (BATCH, 2), 0, N_USER, dtype=jnp.int64) if jax.config.jax_enable_x64 else jax.random.randint(k1, (BATCH, 2), 0, N_USER, dtype=jnp.int32)
    user_emb = jax.random.normal(k2, (N_USER, K), dtype=jnp.float32) * 0.05
    item_emb = jax.random.normal(k3, (N_ITEM, K), dtype=jnp.float32) * 0.05
    bias_user = jax.random.normal(k4, (N_USER, 1), dtype=jnp.float32) * 0.05
    bias_item = jax.random.normal(k5, (N_ITEM, 1), dtype=jnp.float32) * 0.05
    bias = jnp.ones((1,), dtype=jnp.float32)
    return {
        "train_x": train_x,
        "user_emb": user_emb,
        "item_emb": item_emb,
        "bias_user": bias_user,
        "bias_item": bias_item,
        "bias": bias,
    }

def reference(train_x, user_emb, item_emb, bias_user, bias_item, bias):
    user_id = train_x[:, 0]
    item_id = train_x[:, 1]
    vector_user = jnp.take(user_emb, user_id, axis=0)      # [B, K]
    vector_item = jnp.take(item_emb, item_id, axis=0)      # [B, K]
    b_user = jnp.take(bias_user, user_id, axis=0).squeeze(-1)  # [B]
    b_item = jnp.take(bias_item, item_id, axis=0).squeeze(-1)  # [B]
    ui_interaction = jnp.sum(vector_user * vector_item, axis=1)  # [B]
    prediction = bias[0] + b_user + b_item + ui_interaction
    return prediction

if __name__ == "__main__":
    import jax
    _d = setup_inputs()
    print(jax.jit(kernel)(*tuple(_d.values())))

</pallas_src>

<mosaic_0001>
#map = affine_map<(d0, d1) -> (0)>
#map1 = affine_map<(d0, d1) -> (0, 0)>
module attributes {stable_mosaic.version = 14 : i64} {
  func.func @_mf_body(%arg0: i32, %arg1: i32, %arg2: memref<16384xi32, #tpu.memory_space<hbm>>, %arg3: memref<16384xi32, #tpu.memory_space<hbm>>, %arg4: memref<16x1000000xf32, #tpu.memory_space<hbm>>, %arg5: memref<16x1000000xf32, #tpu.memory_space<hbm>>, %arg6: memref<1x1000000xf32, #tpu.memory_space<hbm>>, %arg7: memref<1x1000000xf32, #tpu.memory_space<hbm>>, %arg8: memref<16xf32, #tpu.memory_space<hbm>>, %arg9: memref<16384xf32, #tpu.memory_space<hbm>>, %arg10: memref<512xi32, #tpu.memory_space<vmem>>, %arg11: memref<512xi32, #tpu.memory_space<vmem>>, %arg12: memref<16x2x16x128xf32, #tpu.memory_space<vmem>>, %arg13: memref<512xf32, #tpu.memory_space<vmem>>, %arg14: memref<16xf32, #tpu.memory_space<vmem>>, %arg15: memref<512xf32, #tpu.memory_space<vmem>>, %arg16: memref<512xf32, #tpu.memory_space<vmem>>, %arg17: memref<16x!tpu.dma_semaphore, #tpu.memory_space<semaphore_mem>>, %arg18: memref<!tpu.dma_semaphore, #tpu.memory_space<semaphore_mem>>) attributes {dimension_semantics = [#tpu.dimension_semantics<core_parallel>, #tpu.dimension_semantics<subcore_parallel>], iteration_bounds = array<i64: 2, 16>, scalar_prefetch = 0 : i64, scratch_operands = 9 : i64, tpu.core_type = #tpu.core_type<sc_vector_subcore>, window_params = [{transform_indices = #map}, {transform_indices = #map}, {transform_indices = #map1}, {transform_indices = #map1}, {transform_indices = #map1}, {transform_indices = #map1}, {transform_indices = #map}, {transform_indices = #map}]} {
    %mul3A = arith.constant 2 : i32
    %mul3A_0 = arith.muli %arg1, %mul3A : i32
    %add3A = arith.addi %mul3A_0, %arg0 : i32
    %mul3A_1 = arith.constant 512 : i32
    %mul3A_2 = arith.muli %add3A, %mul3A_1 : i32
    "tpu.region"() ({
      %run_scoped3A = tpu.sem_alloc : memref<!tpu.dma_semaphore, #tpu.memory_space<semaphore_mem>>
      %dma_start3A_1938 = tpu.memref_slice %arg2[%mul3A_2] : memref<16384xi32, #tpu.memory_space<hbm>> -> memref<512xi32, #tpu.memory_space<hbm>>
      %dma_start3A_1939 = tpu.memref_slice %arg2[%mul3A_2] : memref<16384xi32, #tpu.memory_space<hbm>> -> memref<512xi32, #tpu.memory_space<hbm>>
      tpu.enqueue_dma source(%dma_start3A_1939 : memref<512xi32, #tpu.memory_space<hbm>>) target(%arg10 : memref<512xi32, #tpu.memory_space<vmem>>) target_semaphore(%run_scoped3A : memref<!tpu.dma_semaphore, #tpu.memory_space<semaphore_mem>>)
      %dma_wait3A_1940 = tpu.memref_slice %arg2[%mul3A_2] : memref<16384xi32, #tpu.memory_space<hbm>> -> memref<512xi32, #tpu.memory_space<hbm>>
      %dma_wait3A_1941 = tpu.memref_slice %arg2[%mul3A_2] : memref<16384xi32, #tpu.memory_space<hbm>> -> memref<512xi32, #tpu.memory_space<hbm>>
      tpu.wait_dma2 semaphore(%run_scoped3A : memref<!tpu.dma_semaphore, #tpu.memory_space<semaphore_mem>>) src(%dma_wait3A_1941 : memref<512xi32, #tpu.memory_space<hbm>>) dst(%arg10 : memref<512xi32, #tpu.memory_space<vmem>>)
      tpu.yield
    }) : () -> ()
    "tpu.region"() ({
      %run_scoped3A = tpu.sem_alloc : memref<!tpu.dma_semaphore, #tpu.memory_space<semaphore_mem>>
      %dma_start3A_1938 = tpu.memref_slice %arg3[%mul3A_2] : memref<16384xi32, #tpu.memory_space<hbm>> -> memref<512xi32, #tpu.memory_space<hbm>>
      %dma_start3A_1939 = tpu.memref_slice %arg3[%mul3A_2] : memref<16384xi32, #tpu.memory_space<hbm>> -> memref<512xi32, #tpu.memory_space<hbm>>
      tpu.enqueue_dma source(%dma_start3A_1939 : memref<512xi32, #tpu.memory_space<hbm>>) target(%arg11 : memref<512xi32, #tpu.memory_space<vmem>>) target_semaphore(%run_scoped3A : memref<!tpu.dma_semaphore, #tpu.memory_space<semaphore_mem>>)
      %dma_wait3A_1940 = tpu.memref_slice %arg3[%mul3A_2] : memref<16384xi32, #tpu.memory_space<hbm>> -> memref<512xi32, #tpu.memory_space<hbm>>
      %dma_wait3A_1941 = tpu.memref_slice %arg3[%mul3A_2] : memref<16384xi32, #tpu.memory_space<hbm>> -> memref<512xi32, #tpu.memory_space<hbm>>
      tpu.wait_dma2 semaphore(%run_scoped3A : memref<!tpu.dma_semaphore, #tpu.memory_space<semaphore_mem>>) src(%dma_wait3A_1941 : memref<512xi32, #tpu.memory_space<hbm>>) dst(%arg11 : memref<512xi32, #tpu.memory_space<vmem>>)
      tpu.yield
    }) : () -> ()
    "tpu.region"() ({
      %run_scoped3A = tpu.sem_alloc : memref<!tpu.dma_semaphore, #tpu.memory_space<semaphore_mem>>
      tpu.enqueue_dma source(%arg8 : memref<16xf32, #tpu.memory_space<hbm>>) target(%arg14 : memref<16xf32, #tpu.memory_space<vmem>>) target_semaphore(%run_scoped3A : memref<!tpu.dma_semaphore, #tpu.memory_space<semaphore_mem>>)
      tpu.wait_dma2 semaphore(%run_scoped3A : memref<!tpu.dma_semaphore, #tpu.memory_space<semaphore_mem>>) src(%arg8 : memref<16xf32, #tpu.memory_space<hbm>>) dst(%arg14 : memref<16xf32, #tpu.memory_space<vmem>>)
      tpu.yield
    }) : () -> ()
    %dma_start3A = arith.constant 0 : i32
    %dma_start3A_3 = arith.constant 0 : i32
    %dma_start3A_4 = tpu.memref_slice %arg6[%dma_start3A, %dma_start3A_3] : memref<1x1000000xf32, #tpu.memory_space<hbm>> -> memref<1x1000000xf32, #tpu.memory_space<hbm>>
    %dma_start3A_5 = tpu.memref_squeeze %dma_start3A_4 : memref<1x1000000xf32, #tpu.memory_space<hbm>> -> memref<1000000xf32, #tpu.memory_space<hbm>>
    %dma_start3A_6 = arith.constant 0 : i32
    %dma_start3A_7 = tpu.memref_slice %dma_start3A_5[%dma_start3A_6] : memref<1000000xf32, #tpu.memory_space<hbm>> -> memref<1000000xf32, #tpu.memory_space<hbm>>
    tpu.enqueue_indirect_dma source(%dma_start3A_7 : memref<1000000xf32, #tpu.memory_space<hbm>>) target(%arg15 : memref<512xf32, #tpu.memory_space<vmem>>) offsets(%arg10 : memref<512xi32, #tpu.memory_space<vmem>>) semaphore(%arg18 : memref<!tpu.dma_semaphore, #tpu.memory_space<semaphore_mem>>)
    %dma_start3A_8 = arith.constant 0 : i32
    %dma_start3A_9 = arith.constant 0 : i32
    %dma_start3A_10 = tpu.memref_slice %arg7[%dma_start3A_8, %dma_start3A_9] : memref<1x1000000xf32, #tpu.memory_space<hbm>> -> memref<1x1000000xf32, #tpu.memory_space<hbm>>
    %dma_start3A_11 = tpu.memref_squeeze %dma_start3A_10 : memref<1x1000000xf32, #tpu.memory_space<hbm>> -> memref<1000000xf32, #tpu.memory_space<hbm>>
    %dma_start3A_12 = arith.constant 0 : i32
    %dma_start3A_13 = tpu.memref_slice %dma_start3A_11[%dma_start3A_12] : memref<1000000xf32, #tpu.memory_space<hbm>> -> memref<1000000xf32, #tpu.memory_space<hbm>>
    tpu.enqueue_indirect_dma source(%dma_start3A_13 : memref<1000000xf32, #tpu.memory_space<hbm>>) target(%arg16 : memref<512xf32, #tpu.memory_space<vmem>>) offsets(%arg11 : memref<512xi32, #tpu.memory_space<vmem>>) semaphore(%arg18 : memref<!tpu.dma_semaphore, #tpu.memory_space<semaphore_mem>>)
    %iota3A = tpu.iota {dimensions = array<i32: 0>} : vector<16xi32>
    %broadcast_in_dim3A = arith.constant 0 : i32
    %broadcast_in_dim3A_14 = vector.broadcast %broadcast_in_dim3A : i32 to vector<16xi32>
    %gather3A = tpu.vector_load_idx %arg10[%broadcast_in_dim3A_14] : memref<512xi32, #tpu.memory_space<vmem>>[vector<16xi32>], vector<16xi32>,
    %slice3A = vector.extract_strided_slice %gather3A {offsets = [0], sizes = [1], strides = [1]} : vector<16xi32> to vector<1xi32>
    %squeeze3A = vector.extract %slice3A[0] : i32 from vector<1xi32>
    %broadcast_in_dim3A_15 = arith.constant 0 : i32
    %broadcast_in_dim3A_16 = vector.broadcast %broadcast_in_dim3A_15 : i32 to vector<16xi32>
    %gather3A_17 = tpu.vector_load_idx %arg11[%broadcast_in_dim3A_16] : memref<512xi32, #tpu.memory_space<vmem>>[vector<16xi32>], vector<16xi32>,
    %slice3A_18 = vector.extract_strided_slice %gather3A_17 {offsets = [0], sizes = [1], strides = [1]} : vector<16xi32> to vector<1xi32>
    %squeeze3A_19 = vector.extract %slice3A_18[0] : i32 from vector<1xi32>
    %jit3A = arith.constant 128 : i32
    %div3A = arith.divsi %squeeze3A, %jit3A : i32
    %sign3A = arith.constant 0 : i32
    %sign3A_20 = arith.cmpi sgt, %squeeze3A, %sign3A : i32
    %sign3A_21 = arith.extui %sign3A_20 : i1 to i32
    %sign3A_22 = arith.constant 0 : i32
    %sign3A_23 = arith.cmpi slt, %squeeze3A, %sign3A_22 : i32
    %sign3A_24 = arith.extui %sign3A_23 : i1 to i32
    %sign3A_25 = arith.subi %sign3A_21, %sign3A_24 : i32
    %sign3A_26 = arith.constant 0 : i32
    %sign3A_27 = arith.cmpi sgt, %jit3A, %sign3A_26 : i32
    %sign3A_28 = arith.extui %sign3A_27 : i1 to i32
    %sign3A_29 = arith.constant 0 : i32
    %sign3A_30 = arith.cmpi slt, %jit3A, %sign3A_29 : i32
    %sign3A_31 = arith.extui %sign3A_30 : i1 to i32
    %sign3A_32 = arith.subi %sign3A_28, %sign3A_31 : i32
    %ne3A = arith.cmpi ne, %sign3A_25, %sign3A_32 : i32
    %rem3A = arith.remsi %squeeze3A, %jit3A : i32
    %ne3A_33 = arith.constant 0 : i32
    %ne3A_34 = arith.cmpi ne, %rem3A, %ne3A_33 : i32
    %and3A = arith.andi %ne3A, %ne3A_34 : i1
    %sub3A = arith.constant 1 : i32
    %sub3A_35 = arith.subi %div3A, %sub3A : i32
    %select_n3A = arith.select %and3A, %sub3A_35, %div3A : i32
    %mul3A_36 = arith.constant 128 : i32
    %mul3A_37 = arith.muli %select_n3A, %mul3A_36 : i32
    %multiple_of3A = tpu.assume_multiple %mul3A_37, 128 : i32
    %jit3A_38 = arith.constant 128 : i32
    %div3A_39 = arith.divsi %squeeze3A_19, %jit3A_38 : i32
    %sign3A_40 = arith.constant 0 : i32
    %sign3A_41 = arith.cmpi sgt, %squeeze3A_19, %sign3A_40 : i32
    %sign3A_42 = arith.extui %sign3A_41 : i1 to i32
    %sign3A_43 = arith.constant 0 : i32
    %sign3A_44 = arith.cmpi slt, %squeeze3A_19, %sign3A_43 : i32
    %sign3A_45 = arith.extui %sign3A_44 : i1 to i32
    %sign3A_46 = arith.subi %sign3A_42, %sign3A_45 : i32
    %sign3A_47 = arith.constant 0 : i32
    %sign3A_48 = arith.cmpi sgt, %jit3A_38, %sign3A_47 : i32
    %sign3A_49 = arith.extui %sign3A_48 : i1 to i32
    %sign3A_50 = arith.constant 0 : i32
    %sign3A_51 = arith.cmpi slt, %jit3A_38, %sign3A_50 : i32
    %sign3A_52 = arith.extui %sign3A_51 : i1 to i32
    %sign3A_53 = arith.subi %sign3A_49, %sign3A_52 : i32
    %ne3A_54 = arith.cmpi ne, %sign3A_46, %sign3A_53 : i32
    %rem3A_55 = arith.remsi %squeeze3A_19, %jit3A_38 : i32
    %ne3A_56 = arith.constant 0 : i32
    %ne3A_57 = arith.cmpi ne, %rem3A_55, %ne3A_56 : i32
    %and3A_58 = arith.andi %ne3A_54, %ne3A_57 : i1
    %sub3A_59 = arith.constant 1 : i32
    %sub3A_60 = arith.subi %div3A_39, %sub3A_59 : i32
    %select_n3A_61 = arith.select %and3A_58, %sub3A_60, %div3A_39 : i32
    %mul3A_62 = arith.constant 128 : i32
    %mul3A_63 = arith.muli %select_n3A_61, %mul3A_62 : i32
    %multiple_of3A_64 = tpu.assume_multiple %mul3A_63, 128 : i32
    %dma_start3A_65 = arith.constant 0 : i32
    %dma_start3A_66 = arith.constant 0 : i32
    %dma_start3A_67 = arith.constant 0 : i32
    %dma_start3A_68 = arith.constant 0 : i32
    %dma_start3A_69 = arith.constant 0 : i32
    %dma_start3A_70 = tpu.memref_slice %arg12[%dma_start3A_65, %dma_start3A_66, %dma_start3A_68, %dma_start3A_69] : memref<16x2x16x128xf32, #tpu.memory_space<vmem>> -> memref<1x1x16x128xf32, #tpu.memory_space<vmem>>
    %dma_start3A_71 = tpu.memref_squeeze %dma_start3A_70 : memref<1x1x16x128xf32, #tpu.memory_space<vmem>> -> memref<16x128xf32, #tpu.memory_space<vmem>>
    %dma_start3A_72 = arith.constant 0 : i32
    %dma_start3A_73 = tpu.memref_slice %arg4[%dma_start3A_72, %multiple_of3A] : memref<16x1000000xf32, #tpu.memory_space<hbm>> -> memref<16x128xf32, #tpu.memory_space<hbm>>
    %dma_start3A_74 = tpu.memref_slice %arg17[%dma_start3A_67] : memref<16x!tpu.dma_semaphore, #tpu.memory_space<semaphore_mem>> -> memref<1x!tpu.dma_semaphore, #tpu.memory_space<semaphore_mem>>
    %dma_start3A_75 = tpu.memref_squeeze %dma_start3A_74 : memref<1x!tpu.dma_semaphore, #tpu.memory_space<semaphore_mem>> -> memref<!tpu.dma_semaphore, #tpu.memory_space<semaphore_mem>>
    %dma_start3A_76 = arith.constant 0 : i32
    %dma_start3A_77 = arith.constant 0 : i32
    %dma_start3A_78 = tpu.memref_slice %arg12[%dma_start3A_65, %dma_start3A_66, %dma_start3A_76, %dma_start3A_77] : memref<16x2x16x128xf32, #tpu.memory_space<vmem>> -> memref<1x1x16x128xf32, #tpu.memory_space<vmem>>
    %dma_start3A_79 = tpu.memref_squeeze %dma_start3A_78 : memref<1x1x16x128xf32, #tpu.memory_space<vmem>> -> memref<16x128xf32, #tpu.memory_space<vmem>>
    %dma_start3A_80 = arith.constant 0 : i32
    %dma_start3A_81 = tpu.memref_slice %arg4[%dma_start3A_80, %multiple_of3A] : memref<16x1000000xf32, #tpu.memory_space<hbm>> -> memref<16x128xf32, #tpu.memory_space<hbm>>
    tpu.enqueue_dma source(%dma_start3A_81 : memref<16x128xf32, #tpu.memory_space<hbm>>) target(%dma_start3A_79 : memref<16x128xf32, #tpu.memory_space<vmem>>) target_semaphore(%dma_start3A_75 : memref<!tpu.dma_semaphore, #tpu.memory_space<semaphore_mem>>)
    %dma_start3A_82 = arith.constant 0 : i32
    %dma_start3A_83 = arith.constant 1 : i32
    %dma_start3A_84 = arith.constant 0 : i32
    %dma_start3A_85 = arith.constant 0 : i32
    %dma_start3A_86 = arith.constant 0 : i32
    %dma_start3A_87 = tpu.memref_slice %arg12[%dma_start3A_82, %dma_start3A_83, %dma_start3A_85, %dma_start3A_86] : memref<16x2x16x128xf32, #tpu.memory_space<vmem>> -> memref<1x1x16x128xf32, #tpu.memory_space<vmem>>
    %dma_start3A_88 = tpu.memref_squeeze %dma_start3A_87 : memref<1x1x16x128xf32, #tpu.memory_space<vmem>> -> memref<16x128xf32, #tpu.memory_space<vmem>>
    %dma_start3A_89 = arith.constant 0 : i32
    %dma_start3A_90 = tpu.memref_slice %arg5[%dma_start3A_89, %multiple_of3A_64] : memref<16x1000000xf32, #tpu.memory_space<hbm>> -> memref<16x128xf32, #tpu.memory_space<hbm>>
    %dma_start3A_91 = tpu.memref_slice %arg17[%dma_start3A_84] : memref<16x!tpu.dma_semaphore, #tpu.memory_space<semaphore_mem>> -> memref<1x!tpu.dma_semaphore, #tpu.memory_space<semaphore_mem>>
    %dma_start3A_92 = tpu.memref_squeeze %dma_start3A_91 : memref<1x!tpu.dma_semaphore, #tpu.memory_space<semaphore_mem>> -> memref<!tpu.dma_semaphore, #tpu.memory_space<semaphore_mem>>
    %dma_start3A_93 = arith.constant 0 : i32
    %dma_start3A_94 = arith.constant 0 : i32
    %dma_start3A_95 = tpu.memref_slice %arg12[%dma_start3A_82, %dma_start3A_83, %dma_start3A_93, %dma_start3A_94] : memref<16x2x16x128xf32, #tpu.memory_space<vmem>> -> memref<1x1x16x128xf32, #tpu.memory_space<vmem>>
    %dma_start3A_96 = tpu.memref_squeeze %dma_start3A_95 : memref<1x1x16x128xf32, #tpu.memory_space<vmem>> -> memref<16x128xf32, #tpu.memory_space<vmem>>
    %dma_start3A_97 = arith.constant 0 : i32
    %dma_start3A_98 = tpu.memref_slice %arg5[%dma_start3A_97, %multiple_of3A_64] : memref<16x1000000xf32, #tpu.memory_space<hbm>> -> memref<16x128xf32, #tpu.memory_space<hbm>>
    tpu.enqueue_dma source(%dma_start3A_98 : memref<16x128xf32, #tpu.memory_space<hbm>>) target(%dma_start3A_96 : memref<16x128xf32, #tpu.memory_space<vmem>>) target_semaphore(%dma_start3A_92 : memref<!tpu.dma_semaphore, #tpu.memory_space<semaphore_mem>>)
    %broadcast_in_dim3A_99 = arith.constant 1 : i32
    %broadcast_in_dim3A_100 = vector.broadcast %broadcast_in_dim3A_99 : i32 to vector<16xi32>
    %gather3A_101 = tpu.vector_load_idx %arg10[%broadcast_in_dim3A_100] : memref<512xi32, #tpu.memory_space<vmem>>[vector<16xi32>], vector<16xi32>,
    %slice3A_102 = vector.extract_strided_slice %gather3A_101 {offsets = [0], sizes = [1], strides = [1]} : vector<16xi32> to vector<1xi32>
    %squeeze3A_103 = vector.extract %slice3A_102[0] : i32 from vector<1xi32>
    %broadcast_in_dim3A_104 = arith.constant 1 : i32
    %broadcast_in_dim3A_105 = vector.broadcast %broadcast_in_dim3A_104 : i32 to vector<16xi32>
    %gather3A_106 = tpu.vector_load_idx %arg11[%broadcast_in_dim3A_105] : memref<512xi32, #tpu.memory_space<vmem>>[vector<16xi32>], vector<16xi32>,
    %slice3A_107 = vector.extract_strided_slice %gather3A_106 {offsets = [0], sizes = [1], strides = [1]} : vector<16xi32> to vector<1xi32>
    %squeeze3A_108 = vector.extract %slice3A_107[0] : i32 from vector<1xi32>
    %jit3A_109 = arith.constant 128 : i32
    %div3A_110 = arith.divsi %squeeze3A_103, %jit3A_109 : i32
    %sign3A_111 = arith.constant 0 : i32
    %sign3A_112 = arith.cmpi sgt, %squeeze3A_103, %sign3A_111 : i32
    %sign3A_113 = arith.extui %sign3A_112 : i1 to i32
    %sign3A_114 = arith.constant 0 : i32
    %sign3A_115 = arith.cmpi slt, %squeeze3A_103, %sign3A_114 : i32
    %sign3A_116 = arith.extui %sign3A_115 : i1 to i32
    %sign3A_117 = arith.subi %sign3A_113, %sign3A_116 : i32
    %sign3A_118 = arith.constant 0 : i32
    %sign3A_119 = arith.cmpi sgt, %jit3A_109, %sign3A_118 : i32
    %sign3A_120 = arith.extui %sign3A_119 : i1 to i32
    %sign3A_121 = arith.constant 0 : i32
    %sign3A_122 = arith.cmpi slt, %jit3A_109, %sign3A_121 : i32
    %sign3A_123 = arith.extui %sign3A_122 : i1 to i32
    %sign3A_124 = arith.subi %sign3A_120, %sign3A_123 : i32
    %ne3A_125 = arith.cmpi ne, %sign3A_117, %sign3A_124 : i32
    %rem3A_126 = arith.remsi %squeeze3A_103, %jit3A_109 : i32
    %ne3A_127 = arith.constant 0 : i32
    %ne3A_128 = arith.cmpi ne, %rem3A_126, %ne3A_127 : i32
    %and3A_129 = arith.andi %ne3A_125, %ne3A_128 : i1
    %sub3A_130 = arith.constant 1 : i32
    %sub3A_131 = arith.subi %div3A_110, %sub3A_130 : i32
    %select_n3A_132 = arith.select %and3A_129, %sub3A_131, %div3A_110 : i32
    %mul3A_133 = arith.constant 128 : i32
    %mul3A_134 = arith.muli %select_n3A_132, %mul3A_133 : i32
    %multiple_of3A_135 = tpu.assume_multiple %mul3A_134, 128 : i32
    %jit3A_136 = arith.constant 128 : i32
    %div3A_137 = arith.divsi %squeeze3A_108, %jit3A_136 : i32
    %sign3A_138 = arith.constant 0 : i32
    %sign3A_139 = arith.cmpi sgt, %squeeze3A_108, %sign3A_138 : i32
    %sign3A_140 = arith.extui %sign3A_139 : i1 to i32
    %sign3A_141 = arith.constant 0 : i32
    %sign3A_142 = arith.cmpi slt, %squeeze3A_108, %sign3A_141 : i32
    %sign3A_143 = arith.extui %sign3A_142 : i1 to i32
    %sign3A_144 = arith.subi %sign3A_140, %sign3A_143 : i32
    %sign3A_145 = arith.constant 0 : i32
    %sign3A_146 = arith.cmpi sgt, %jit3A_136, %sign3A_145 : i32
    %sign3A_147 = arith.extui %sign3A_146 : i1 to i32
    %sign3A_148 = arith.constant 0 : i32
    %sign3A_149 = arith.cmpi slt, %jit3A_136, %sign3A_148 : i32
    %sign3A_150 = arith.extui %sign3A_149 : i1 to i32
    %sign3A_151 = arith.subi %sign3A_147, %sign3A_150 : i32
    %ne3A_152 = arith.cmpi ne, %sign3A_144, %sign3A_151 : i32
    %rem3A_153 = arith.remsi %squeeze3A_108, %jit3A_136 : i32
    %ne3A_154 = arith.constant 0 : i32
    %ne3A_155 = arith.cmpi ne, %rem3A_153, %ne3A_154 : i32
    %and3A_156 = arith.andi %ne3A_152, %ne3A_155 : i1
    %sub3A_157 = arith.constant 1 : i32
    %sub3A_158 = arith.subi %div3A_137, %sub3A_157 : i32
    %select_n3A_159 = arith.select %and3A_156, %sub3A_158, %div3A_137 : i32
    %mul3A_160 = arith.constant 128 : i32
    %mul3A_161 = arith.muli %select_n3A_159, %mul3A_160 : i32
    %multiple_of3A_162 = tpu.assume_multiple %mul3A_161, 128 : i32
    %dma_start3A_163 = arith.constant 1 : i32
    %dma_start3A_164 = arith.constant 0 : i32
    %dma_start3A_165 = arith.constant 1 : i32
    %dma_start3A_166 = arith.constant 0 : i32
    %dma_start3A_167 = arith.constant 0 : i32
    %dma_start3A_168 = tpu.memref_slice %arg12[%dma_start3A_163, %dma_start3A_164, %dma_start3A_166, %dma_start3A_167] : memref<16x2x16x128xf32, #tpu.memory_space<vmem>> -> memref<1x1x16x128xf32, #tpu.memory_space<vmem>>
    %dma_start3A_169 = tpu.memref_squeeze %dma_start3A_168 : memref<1x1x16x128xf32, #tpu.memory_space<vmem>> -> memref<16x128xf32, #tpu.memory_space<vmem>>
    %dma_start3A_170 = arith.constant 0 : i32
    %dma_start3A_171 = tpu.memref_slice %arg4[%dma_start3A_170, %multiple_of3A_135] : memref<16x1000000xf32, #tpu.memory_space<hbm>> -> memref<16x128xf32, #tpu.memory_space<hbm>>
    %dma_start3A_172 = tpu.memref_slice %arg17[%dma_start3A_165] : memref<16x!tpu.dma_semaphore, #tpu.memory_space<semaphore_mem>> -> memref<1x!tpu.dma_semaphore, #tpu.memory_space<semaphore_mem>>
    %dma_start3A_173 = tpu.memref_squeeze %dma_start3A_172 : memref<1x!tpu.dma_semaphore, #tpu.memory_space<semaphore_mem>> -> memref<!tpu.dma_semaphore, #tpu.memory_space<semaphore_mem>>
    %dma_start3A_174 = arith.constant 0 : i32
    %dma_start3A_175 = arith.constant 0 : i32
    %dma_start3A_176 = tpu.memref_slice %arg12[%dma_start3A_163, %dma_start3A_164, %dma_start3A_174, %dma_start3A_175] : memref<16x2x16x128xf32, #tpu.memory_space<vmem>> -> memref<1x1x16x128xf32, #tpu.memory_space<vmem>>
    %dma_start3A_177 = tpu.memref_squeeze %dma_start3A_176 : memref<1x1x16x128xf32, #tpu.memory_space<vmem>> -> memref<16x128xf32, #tpu.memory_space<vmem>>
    %dma_start3A_178 = arith.constant 0 : i32
    %dma_start3A_179 = tpu.memref_slice %arg4[%dma_start3A_178, %multiple_of3A_135] : memref<16x1000000xf32, #tpu.memory_space<hbm>> -> memref<16x128xf32, #tpu.memory_space<hbm>>
    tpu.enqueue_dma source(%dma_start3A_179 : memref<16x128xf32, #tpu.memory_space<hbm>>) target(%dma_start3A_177 : memref<16x128xf32, #tpu.memory_space<vmem>>) target_semaphore(%dma_start3A_173 : memref<!tpu.dma_semaphore, #tpu.memory_space<semaphore_mem>>)
    %dma_start3A_180 = arith.constant 1 : i32
    %dma_start3A_181 = arith.constant 1 : i32
    %dma_start3A_182 = arith.constant 1 : i32
    %dma_start3A_183 = arith.constant 0 : i32
    %dma_start3A_184 = arith.constant 0 : i32
    %dma_start3A_185 = tpu.memref_slice %arg12[%dma_start3A_180, %dma_start3A_181, %dma_start3A_183, %dma_start3A_184] : memref<16x2x16x128xf32, #tpu.memory_space<vmem>> -> memref<1x1x16x128xf32, #tpu.memory_space<vmem>>
    %dma_start3A_186 = tpu.memref_squeeze %dma_start3A_185 : memref<1x1x16x128xf32, #tpu.memory_space<vmem>> -> memref<16x128xf32, #tpu.memory_space<vmem>>
    %dma_start3A_187 = arith.constant 0 : i32
    %dma_start3A_188 = tpu.memref_slice %arg5[%dma_start3A_187, %multiple_of3A_162] : memref<16x1000000xf32, #tpu.memory_space<hbm>> -> memref<16x128xf32, #tpu.memory_space<hbm>>
    %dma_start3A_189 = tpu.memref_slice %arg17[%dma_start3A_182] : memref<16x!tpu.dma_semaphore, #tpu.memory_space<semaphore_mem>> -> memref<1x!tpu.dma_semaphore, #tpu.memory_space<semaphore_mem>>
    %dma_start3A_190 = tpu.memref_squeeze %dma_start3A_189 : memref<1x!tpu.dma_semaphore, #tpu.memory_space<semaphore_mem>> -> memref<!tpu.dma_semaphore, #tpu.memory_space<semaphore_mem>>
    %dma_start3A_191 = arith.constant 0 : i32
    %dma_start3A_192 = arith.constant 0 : i32
    %dma_start3A_193 = tpu.memref_slice %arg12[%dma_start3A_180, %dma_start3A_181, %dma_start3A_191, %dma_start3A_192] : memref<16x2x16x128xf32, #tpu.memory_space<vmem>> -> memref<1x1x16x128xf32, #tpu.memory_space<vmem>>
    %dma_start3A_194 = tpu.memref_squeeze %dma_start3A_193 : memref<1x1x16x128xf32, #tpu.memory_space<vmem>> -> memref<16x128xf32, #tpu.memory_space<vmem>>
    %dma_start3A_195 = arith.constant 0 : i32
    %dma_start3A_196 = tpu.memref_slice %arg5[%dma_start3A_195, %multiple_of3A_162] : memref<16x1000000xf32, #tpu.memory_space<hbm>> -> memref<16x128xf32, #tpu.memory_space<hbm>>
    tpu.enqueue_dma source(%dma_start3A_196 : memref<16x128xf32, #tpu.memory_space<hbm>>) target(%dma_start3A_194 : memref<16x128xf32, #tpu.memory_space<vmem>>) target_semaphore(%dma_start3A_190 : memref<!tpu.dma_semaphore, #tpu.memory_space<semaphore_mem>>)
    %broadcast_in_dim3A_197 = arith.constant 2 : i32
    %broadcast_in_dim3A_198 = vector.broadcast %broadcast_in_dim3A_197 : i32 to vector<16xi32>
    %gather3A_199 = tpu.vector_load_idx %arg10[%broadcast_in_dim3A_198] : memref<512xi32, #tpu.memory_space<vmem>>[vector<16xi32>], vector<16xi32>,
    %slice3A_200 = vector.extract_strided_slice %gather3A_199 {offsets = [0], sizes = [1], strides = [1]} : vector<16xi32> to vector<1xi32>
    %squeeze3A_201 = vector.extract %slice3A_200[0] : i32 from vector<1xi32>
    %broadcast_in_dim3A_202 = arith.constant 2 : i32
    %broadcast_in_dim3A_203 = vector.broadcast %broadcast_in_dim3A_202 : i32 to vector<16xi32>
    %gather3A_204 = tpu.vector_load_idx %arg11[%broadcast_in_dim3A_203] : memref<512xi32, #tpu.memory_space<vmem>>[vector<16xi32>], vector<16xi32>,
    %slice3A_205 = vector.extract_strided_slice %gather3A_204 {offsets = [0], sizes = [1], strides = [1]} : vector<16xi32> to vector<1xi32>
    %squeeze3A_206 = vector.extract %slice3A_205[0] : i32 from vector<1xi32>
    %jit3A_207 = arith.constant 128 : i32
    %div3A_208 = arith.divsi %squeeze3A_201, %jit3A_207 : i32
    %sign3A_209 = arith.constant 0 : i32
    %sign3A_210 = arith.cmpi sgt, %squeeze3A_201, %sign3A_209 : i32
    %sign3A_211 = arith.extui %sign3A_210 : i1 to i32
    %sign3A_212 = arith.constant 0 : i32
    %sign3A_213 = arith.cmpi slt, %squeeze3A_201, %sign3A_212 : i32
    %sign3A_214 = arith.extui %sign3A_213 : i1 to i32
    %sign3A_215 = arith.subi %sign3A_211, %sign3A_214 : i32
    %sign3A_216 = arith.constant 0 : i32
    %sign3A_217 = arith.cmpi sgt, %jit3A_207, %sign3A_216 : i32
    %sign3A_218 = arith.extui %sign3A_217 : i1 to i32
    %sign3A_219 = arith.constant 0 : i32
    %sign3A_220 = arith.cmpi slt, %jit3A_207, %sign3A_219 : i32
    %sign3A_221 = arith.extui %sign3A_220 : i1 to i32
    %sign3A_222 = arith.subi %sign3A_218, %sign3A_221 : i32
    %ne3A_223 = arith.cmpi ne, %sign3A_215, %sign3A_222 : i32
    %rem3A_224 = arith.remsi %squeeze3A_201, %jit3A_207 : i32
    %ne3A_225 = arith.constant 0 : i32
    %ne3A_226 = arith.cmpi ne, %rem3A_224, %ne3A_225 : i32
    %and3A_227 = arith.andi %ne3A_223, %ne3A_226 : i1
    %sub3A_228 = arith.constant 1 : i32
    %sub3A_229 = arith.subi %div3A_208, %sub3A_228 : i32
    %select_n3A_230 = arith.select %and3A_227, %sub3A_229, %div3A_208 : i32
    %mul3A_231 = arith.constant 128 : i32
    %mul3A_232 = arith.muli %select_n3A_230, %mul3A_231 : i32
    %multiple_of3A_233 = tpu.assume_multiple %mul3A_232, 128 : i32
    %jit3A_234 = arith.constant 128 : i32
    %div3A_235 = arith.divsi %squeeze3A_206, %jit3A_234 : i32
    %sign3A_236 = arith.constant 0 : i32
    %sign3A_237 = arith.cmpi sgt, %squeeze3A_206, %sign3A_236 : i32
    %sign3A_238 = arith.extui %sign3A_237 : i1 to i32
    %sign3A_239 = arith.constant 0 : i32
    %sign3A_240 = arith.cmpi slt, %squeeze3A_206, %sign3A_239 : i32
    %sign3A_241 = arith.extui %sign3A_240 : i1 to i32
    %sign3A_242 = arith.subi %sign3A_238, %sign3A_241 : i32
    %sign3A_243 = arith.constant 0 : i32
    %sign3A_244 = arith.cmpi sgt, %jit3A_234, %sign3A_243 : i32
    %sign3A_245 = arith.extui %sign3A_244 : i1 to i32
    %sign3A_246 = arith.constant 0 : i32
    %sign3A_247 = arith.cmpi slt, %jit3A_234, %sign3A_246 : i32
    %sign3A_248 = arith.extui %sign3A_247 : i1 to i32
    %sign3A_249 = arith.subi %sign3A_245, %sign3A_248 : i32
    %ne3A_250 = arith.cmpi ne, %sign3A_242, %sign3A_249 : i32
    %rem3A_251 = arith.remsi %squeeze3A_206, %jit3A_234 : i32
    %ne3A_252 = arith.constant 0 : i32
    %ne3A_253 = arith.cmpi ne, %rem3A_251, %ne3A_252 : i32
    %and3A_254 = arith.andi %ne3A_250, %ne3A_253 : i1
    %sub3A_255 = arith.constant 1 : i32
    %sub3A_256 = arith.subi %div3A_235, %sub3A_255 : i32
    %select_n3A_257 = arith.select %and3A_254, %sub3A_256, %div3A_235 : i32
    %mul3A_258 = arith.constant 128 : i32
    %mul3A_259 = arith.muli %select_n3A_257, %mul3A_258 : i32
    %multiple_of3A_260 = tpu.assume_multiple %mul3A_259, 128 : i32
    %dma_start3A_261 = arith.constant 2 : i32
    %dma_start3A_262 = arith.constant 0 : i32
    %dma_start3A_263 = arith.constant 2 : i32
    %dma_start3A_264 = arith.constant 0 : i32
    %dma_start3A_265 = arith.constant 0 : i32
    %dma_start3A_266 = tpu.memref_slice %arg12[%dma_start3A_261, %dma_start3A_262, %dma_start3A_264, %dma_start3A_265] : memref<16x2x16x128xf32, #tpu.memory_space<vmem>> -> memref<1x1x16x128xf32, #tpu.memory_space<vmem>>
    %dma_start3A_267 = tpu.memref_squeeze %dma_start3A_266 : memref<1x1x16x128xf32, #tpu.memory_space<vmem>> -> memref<16x128xf32, #tpu.memory_space<vmem>>
    %dma_start3A_268 = arith.constant 0 : i32
    %dma_start3A_269 = tpu.memref_slice %arg4[%dma_start3A_268, %multiple_of3A_233] : memref<16x1000000xf32, #tpu.memory_space<hbm>> -> memref<16x128xf32, #tpu.memory_space<hbm>>
    %dma_start3A_270 = tpu.memref_slice %arg17[%dma_start3A_263] : memref<16x!tpu.dma_semaphore, #tpu.memory_space<semaphore_mem>> -> memref<1x!tpu.dma_semaphore, #tpu.memory_space<semaphore_mem>>
    %dma_start3A_271 = tpu.memref_squeeze %dma_start3A_270 : memref<1x!tpu.dma_semaphore, #tpu.memory_space<semaphore_mem>> -> memref<!tpu.dma_semaphore, #tpu.memory_space<semaphore_mem>>
    %dma_start3A_272 = arith.constant 0 : i32
    %dma_start3A_273 = arith.constant 0 : i32
    %dma_start3A_274 = tpu.memref_slice %arg12[%dma_start3A_261, %dma_start3A_262, %dma_start3A_272, %dma_start3A_273] : memref<16x2x16x128xf32, #tpu.memory_space<vmem>> -> memref<1x1x16x128xf32, #tpu.memory_space<vmem>>
    %dma_start3A_275 = tpu.memref_squeeze %dma_start3A_274 : memref<1x1x16x128xf32, #tpu.memory_space<vmem>> -> memref<16x128xf32, #tpu.memory_space<vmem>>
    %dma_start3A_276 = arith.constant 0 : i32
    %dma_start3A_277 = tpu.memref_slice %arg4[%dma_start3A_276, %multiple_of3A_233] : memref<16x1000000xf32, #tpu.memory_space<hbm>> -> memref<16x128xf32, #tpu.memory_space<hbm>>
    tpu.enqueue_dma source(%dma_start3A_277 : memref<16x128xf32, #tpu.memory_space<hbm>>) target(%dma_start3A_275 : memref<16x128xf32, #tpu.memory_space<vmem>>) target_semaphore(%dma_start3A_271 : memref<!tpu.dma_semaphore, #tpu.memory_space<semaphore_mem>>)
    %dma_start3A_278 = arith.constant 2 : i32
    %dma_start3A_279 = arith.constant 1 : i32
    %dma_start3A_280 = arith.constant 2 : i32
    %dma_start3A_281 = arith.constant 0 : i32
    %dma_start3A_282 = arith.constant 0 : i32
    %dma_start3A_283 = tpu.memref_slice %arg12[%dma_start3A_278, %dma_start3A_279, %dma_start3A_281, %dma_start3A_282] : memref<16x2x16x128xf32, #tpu.memory_space<vmem>> -> memref<1x1x16x128xf32, #tpu.memory_space<vmem>>
    %dma_start3A_284 = tpu.memref_squeeze %dma_start3A_283 : memref<1x1x16x128xf32, #tpu.memory_space<vmem>> -> memref<16x128xf32, #tpu.memory_space<vmem>>
    %dma_start3A_285 = arith.constant 0 : i32
    %dma_start3A_286 = tpu.memref_slice %arg5[%dma_start3A_285, %multiple_of3A_260] : memref<16x1000000xf32, #tpu.memory_space<hbm>> -> memref<16x128xf32, #tpu.memory_space<hbm>>
    %dma_start3A_287 = tpu.memref_slice %arg17[%dma_start3A_280] : memref<16x!tpu.dma_semaphore, #tpu.memory_space<semaphore_mem>> -> memref<1x!tpu.dma_semaphore, #tpu.memory_space<semaphore_mem>>
    %dma_start3A_288 = tpu.memref_squeeze %dma_start3A_287 : memref<1x!tpu.dma_semaphore, #tpu.memory_space<semaphore_mem>> -> memref<!tpu.dma_semaphore, #tpu.memory_space<semaphore_mem>>
    %dma_start3A_289 = arith.constant 0 : i32
    %dma_start3A_290 = arith.constant 0 : i32
    %dma_start3A_291 = tpu.memref_slice %arg12[%dma_start3A_278, %dma_start3A_279, %dma_start3A_289, %dma_start3A_290] : memref<16x2x16x128xf32, #tpu.memory_space<vmem>> -> memref<1x1x16x128xf32, #tpu.memory_space<vmem>>
    %dma_start3A_292 = tpu.memref_squeeze %dma_start3A_291 : memref<1x1x16x128xf32, #tpu.memory_space<vmem>> -> memref<16x128xf32, #tpu.memory_space<vmem>>
    %dma_start3A_293 = arith.constant 0 : i32
    %dma_start3A_294 = tpu.memref_slice %arg5[%dma_start3A_293, %multiple_of3A_260] : memref<16x1000000xf32, #tpu.memory_space<hbm>> -> memref<16x128xf32, #tpu.memory_space<hbm>>
    tpu.enqueue_dma source(%dma_start3A_294 : memref<16x128xf32, #tpu.memory_space<hbm>>) target(%dma_start3A_292 : memref<16x128xf32, #tpu.memory_space<vmem>>) target_semaphore(%dma_start3A_288 : memref<!tpu.dma_semaphore, #tpu.memory_space<semaphore_mem>>)
    %broadcast_in_dim3A_295 = arith.constant 3 : i32
    %broadcast_in_dim3A_296 = vector.broadcast %broadcast_in_dim3A_295 : i32 to vector<16xi32>
    %gather3A_297 = tpu.vector_load_idx %arg10[%broadcast_in_dim3A_296] : memref<512xi32, #tpu.memory_space<vmem>>[vector<16xi32>], vector<16xi32>,
    %slice3A_298 = vector.extract_strided_slice %gather3A_297 {offsets = [0], sizes = [1], strides = [1]} : vector<16xi32> to vector<1xi32>
    %squeeze3A_299 = vector.extract %slice3A_298[0] : i32 from vector<1xi32>
    %broadcast_in_dim3A_300 = arith.constant 3 : i32
    %broadcast_in_dim3A_301 = vector.broadcast %broadcast_in_dim3A_300 : i32 to vector<16xi32>
    %gather3A_302 = tpu.vector_load_idx %arg11[%broadcast_in_dim3A_301] : memref<512xi32, #tpu.memory_space<vmem>>[vector<16xi32>], vector<16xi32>,
    %slice3A_303 = vector.extract_strided_slice %gather3A_302 {offsets = [0], sizes = [1], strides = [1]} : vector<16xi32> to vector<1xi32>
    %squeeze3A_304 = vector.extract %slice3A_303[0] : i32 from vector<1xi32>
    %jit3A_305 = arith.constant 128 : i32
    %div3A_306 = arith.divsi %squeeze3A_299, %jit3A_305 : i32
    %sign3A_307 = arith.constant 0 : i32
    %sign3A_308 = arith.cmpi sgt, %squeeze3A_299, %sign3A_307 : i32
    %sign3A_309 = arith.extui %sign3A_308 : i1 to i32
    %sign3A_310 = arith.constant 0 : i32
    %sign3A_311 = arith.cmpi slt, %squeeze3A_299, %sign3A_310 : i32
    %sign3A_312 = arith.extui %sign3A_311 : i1 to i32
    %sign3A_313 = arith.subi %sign3A_309, %sign3A_312 : i32
    %sign3A_314 = arith.constant 0 : i32
    %sign3A_315 = arith.cmpi sgt, %jit3A_305, %sign3A_314 : i32
    %sign3A_316 = arith.extui %sign3A_315 : i1 to i32
    %sign3A_317 = arith.constant 0 : i32
    %sign3A_318 = arith.cmpi slt, %jit3A_305, %sign3A_317 : i32
    %sign3A_319 = arith.extui %sign3A_318 : i1 to i32
    %sign3A_320 = arith.subi %sign3A_316, %sign3A_319 : i32
    %ne3A_321 = arith.cmpi ne, %sign3A_313, %sign3A_320 : i32
    %rem3A_322 = arith.remsi %squeeze3A_299, %jit3A_305 : i32
    %ne3A_323 = arith.constant 0 : i32
    %ne3A_324 = arith.cmpi ne, %rem3A_322, %ne3A_323 : i32
    %and3A_325 = arith.andi %ne3A_321, %ne3A_324 : i1
    %sub3A_326 = arith.constant 1 : i32
    %sub3A_327 = arith.subi %div3A_306, %sub3A_326 : i32
    %select_n3A_328 = arith.select %and3A_325, %sub3A_327, %div3A_306 : i32
    %mul3A_329 = arith.constant 128 : i32
    %mul3A_330 = arith.muli %select_n3A_328, %mul3A_329 : i32
    %multiple_of3A_331 = tpu.assume_multiple %mul3A_330, 128 : i32
    %jit3A_332 = arith.constant 128 : i32
    %div3A_333 = arith.divsi %squeeze3A_304, %jit3A_332 : i32
    %sign3A_334 = arith.constant 0 : i32
    %sign3A_335 = arith.cmpi sgt, %squeeze3A_304, %sign3A_334 : i32
    %sign3A_336 = arith.extui %sign3A_335 : i1 to i32
    %sign3A_337 = arith.constant 0 : i32
    %sign3A_338 = arith.cmpi slt, %squeeze3A_304, %sign3A_337 : i32
    %sign3A_339 = arith.extui %sign3A_338 : i1 to i32
    %sign3A_340 = arith.subi %sign3A_336, %sign3A_339 : i32
    %sign3A_341 = arith.constant 0 : i32
    %sign3A_342 = arith.cmpi sgt, %jit3A_332, %sign3A_341 : i32
    %sign3A_343 = arith.extui %sign3A_342 : i1 to i32
    %sign3A_344 = arith.constant 0 : i32
    %sign3A_345 = arith.cmpi slt, %jit3A_332, %sign3A_344 : i32
    %sign3A_346 = arith.extui %sign3A_345 : i1 to i32
    %sign3A_347 = arith.subi %sign3A_343, %sign3A_346 : i32
    %ne3A_348 = arith.cmpi ne, %sign3A_340, %sign3A_347 : i32
    %rem3A_349 = arith.remsi %squeeze3A_304, %jit3A_332 : i32
    %ne3A_350 = arith.constant 0 : i32
    %ne3A_351 = arith.cmpi ne, %rem3A_349, %ne3A_350 : i32
    %and3A_352 = arith.andi %ne3A_348, %ne3A_351 : i1
    %sub3A_353 = arith.constant 1 : i32
    %sub3A_354 = arith.subi %div3A_333, %sub3A_353 : i32
    %select_n3A_355 = arith.select %and3A_352, %sub3A_354, %div3A_333 : i32
    %mul3A_356 = arith.constant 128 : i32
    %mul3A_357 = arith.muli %select_n3A_355, %mul3A_356 : i32
    %multiple_of3A_358 = tpu.assume_multiple %mul3A_357, 128 : i32
    %dma_start3A_359 = arith.constant 3 : i32
    %dma_start3A_360 = arith.constant 0 : i32
    %dma_start3A_361 = arith.constant 3 : i32
    %dma_start3A_362 = arith.constant 0 : i32
    %dma_start3A_363 = arith.constant 0 : i32
    %dma_start3A_364 = tpu.memref_slice %arg12[%dma_start3A_359, %dma_start3A_360, %dma_start3A_362, %dma_start3A_363] : memref<16x2x16x128xf32, #tpu.memory_space<vmem>> -> memref<1x1x16x128xf32, #tpu.memory_space<vmem>>
    %dma_start3A_365 = tpu.memref_squeeze %dma_start3A_364 : memref<1x1x16x128xf32, #tpu.memory_space<vmem>> -> memref<16x128xf32, #tpu.memory_space<vmem>>
    %dma_start3A_366 = arith.constant 0 : i32
    %dma_start3A_367 = tpu.memref_slice %arg4[%dma_start3A_366, %multiple_of3A_331] : memref<16x1000000xf32, #tpu.memory_space<hbm>> -> memref<16x128xf32, #tpu.memory_space<hbm>>
    %dma_start3A_368 = tpu.memref_slice %arg17[%dma_start3A_361] : memref<16x!tpu.dma_semaphore, #tpu.memory_space<semaphore_mem>> -> memref<1x!tpu.dma_semaphore, #tpu.memory_space<semaphore_mem>>
    %dma_start3A_369 = tpu.memref_squeeze %dma_start3A_368 : memref<1x!tpu.dma_semaphore, #tpu.memory_space<semaphore_mem>> -> memref<!tpu.dma_semaphore, #tpu.memory_space<semaphore_mem>>
    %dma_start3A_370 = arith.constant 0 : i32
    %dma_start3A_371 = arith.constant 0 : i32
    %dma_start3A_372 = tpu.memref_slice %arg12[%dma_start3A_359, %dma_start3A_360, %dma_start3A_370, %dma_start3A_371] : memref<16x2x16x128xf32, #tpu.memory_space<vmem>> -> memref<1x1x16x128xf32, #tpu.memory_space<vmem>>
    %dma_start3A_373 = tpu.memref_squeeze %dma_start3A_372 : memref<1x1x16x128xf32, #tpu.memory_space<vmem>> -> memref<16x128xf32, #tpu.memory_space<vmem>>
    %dma_start3A_374 = arith.constant 0 : i32
    %dma_start3A_375 = tpu.memref_slice %arg4[%dma_start3A_374, %multiple_of3A_331] : memref<16x1000000xf32, #tpu.memory_space<hbm>> -> memref<16x128xf32, #tpu.memory_space<hbm>>
    tpu.enqueue_dma source(%dma_start3A_375 : memref<16x128xf32, #tpu.memory_space<hbm>>) target(%dma_start3A_373 : memref<16x128xf32, #tpu.memory_space<vmem>>) target_semaphore(%dma_start3A_369 : memref<!tpu.dma_semaphore, #tpu.memory_space<semaphore_mem>>)
    %dma_start3A_376 = arith.constant 3 : i32
    %dma_start3A_377 = arith.constant 1 : i32
    %dma_start3A_378 = arith.constant 3 : i32
    %dma_start3A_379 = arith.constant 0 : i32
    %dma_start3A_380 = arith.constant 0 : i32
    %dma_start3A_381 = tpu.memref_slice %arg12[%dma_start3A_376, %dma_start3A_377, %dma_start3A_379, %dma_start3A_380] : memref<16x2x16x128xf32, #tpu.memory_space<vmem>> -> memref<1x1x16x128xf32, #tpu.memory_space<vmem>>
    %dma_start3A_382 = tpu.memref_squeeze %dma_start3A_381 : memref<1x1x16x128xf32, #tpu.memory_space<vmem>> -> memref<16x128xf32, #tpu.memory_space<vmem>>
    %dma_start3A_383 = arith.constant 0 : i32
    %dma_start3A_384 = tpu.memref_slice %arg5[%dma_start3A_383, %multiple_of3A_358] : memref<16x1000000xf32, #tpu.memory_space<hbm>> -> memref<16x128xf32, #tpu.memory_space<hbm>>
    %dma_start3A_385 = tpu.memref_slice %arg17[%dma_start3A_378] : memref<16x!tpu.dma_semaphore, #tpu.memory_space<semaphore_mem>> -> memref<1x!tpu.dma_semaphore, #tpu.memory_space<semaphore_mem>>
    %dma_start3A_386 = tpu.memref_squeeze %dma_start3A_385 : memref<1x!tpu.dma_semaphore, #tpu.memory_space<semaphore_mem>> -> memref<!tpu.dma_semaphore, #tpu.memory_space<semaphore_mem>>
    %dma_start3A_387 = arith.constant 0 : i32
    %dma_start3A_388 = arith.constant 0 : i32
    %dma_start3A_389 = tpu.memref_slice %arg12[%dma_start3A_376, %dma_start3A_377, %dma_start3A_387, %dma_start3A_388] : memref<16x2x16x128xf32, #tpu.memory_space<vmem>> -> memref<1x1x16x128xf32, #tpu.memory_space<vmem>>
    %dma_start3A_390 = tpu.memref_squeeze %dma_start3A_389 : memref<1x1x16x128xf32, #tpu.memory_space<vmem>> -> memref<16x128xf32, #tpu.memory_space<vmem>>
    %dma_start3A_391 = arith.constant 0 : i32
    %dma_start3A_392 = tpu.memref_slice %arg5[%dma_start3A_391, %multiple_of3A_358] : memref<16x1000000xf32, #tpu.memory_space<hbm>> -> memref<16x128xf32, #tpu.memory_space<hbm>>
    tpu.enqueue_dma source(%dma_start3A_392 : memref<16x128xf32, #tpu.memory_space<hbm>>) target(%dma_start3A_390 : memref<16x128xf32, #tpu.memory_space<vmem>>) target_semaphore(%dma_start3A_386 : memref<!tpu.dma_semaphore, #tpu.memory_space<semaphore_mem>>)
    %broadcast_in_dim3A_393 = arith.constant 4 : i32
    %broadcast_in_dim3A_394 = vector.broadcast %broadcast_in_dim3A_393 : i32 to vector<16xi32>
    %gather3A_395 = tpu.vector_load_idx %arg10[%broadcast_in_dim3A_394] : memref<512xi32, #tpu.memory_space<vmem>>[vector<16xi32>], vector<16xi32>,
    %slice3A_396 = vector.extract_strided_slice %gather3A_395 {offsets = [0], sizes = [1], strides = [1]} : vector<16xi32> to vector<1xi32>
    %squeeze3A_397 = vector.extract %slice3A_396[0] : i32 from vector<1xi32>
    %broadcast_in_dim3A_398 = arith.constant 4 : i32
    %broadcast_in_dim3A_399 = vector.broadcast %broadcast_in_dim3A_398 : i32 to vector<16xi32>
    %gather3A_400 = tpu.vector_load_idx %arg11[%broadcast_in_dim3A_399] : memref<512xi32, #tpu.memory_space<vmem>>[vector<16xi32>], vector<16xi32>,
    %slice3A_401 = vector.extract_strided_slice %gather3A_400 {offsets = [0], sizes = [1], strides = [1]} : vector<16xi32> to vector<1xi32>
    %squeeze3A_402 = vector.extract %slice3A_401[0] : i32 from vector<1xi32>
    %jit3A_403 = arith.constant 128 : i32
    %div3A_404 = arith.divsi %squeeze3A_397, %jit3A_403 : i32
    %sign3A_405 = arith.constant 0 : i32
    %sign3A_406 = arith.cmpi sgt, %squeeze3A_397, %sign3A_405 : i32
    %sign3A_407 = arith.extui %sign3A_406 : i1 to i32
    %sign3A_408 = arith.constant 0 : i32
    %sign3A_409 = arith.cmpi slt, %squeeze3A_397, %sign3A_408 : i32
    %sign3A_410 = arith.extui %sign3A_409 : i1 to i32
    %sign3A_411 = arith.subi %sign3A_407, %sign3A_410 : i32
    %sign3A_412 = arith.constant 0 : i32
    %sign3A_413 = arith.cmpi sgt, %jit3A_403, %sign3A_412 : i32
    %sign3A_414 = arith.extui %sign3A_413 : i1 to i32
    %sign3A_415 = arith.constant 0 : i32
    %sign3A_416 = arith.cmpi slt, %jit3A_403, %sign3A_415 : i32
    %sign3A_417 = arith.extui %sign3A_416 : i1 to i32
    %sign3A_418 = arith.subi %sign3A_414, %sign3A_417 : i32
    %ne3A_419 = arith.cmpi ne, %sign3A_411, %sign3A_418 : i32
    %rem3A_420 = arith.remsi %squeeze3A_397, %jit3A_403 : i32
    %ne3A_421 = arith.constant 0 : i32
    %ne3A_422 = arith.cmpi ne, %rem3A_420, %ne3A_421 : i32
    %and3A_423 = arith.andi %ne3A_419, %ne3A_422 : i1
    %sub3A_424 = arith.constant 1 : i32
    %sub3A_425 = arith.subi %div3A_404, %sub3A_424 : i32
    %select_n3A_426 = arith.select %and3A_423, %sub3A_425, %div3A_404 : i32
    %mul3A_427 = arith.constant 128 : i32
    %mul3A_428 = arith.muli %select_n3A_426, %mul3A_427 : i32
    %multiple_of3A_429 = tpu.assume_multiple %mul3A_428, 128 : i32
    %jit3A_430 = arith.constant 128 : i32
    %div3A_431 = arith.divsi %squeeze3A_402, %jit3A_430 : i32
    %sign3A_432 = arith.constant 0 : i32
    %sign3A_433 = arith.cmpi sgt, %squeeze3A_402, %sign3A_432 : i32
    %sign3A_434 = arith.extui %sign3A_433 : i1 to i32
    %sign3A_435 = arith.constant 0 : i32
    %sign3A_436 = arith.cmpi slt, %squeeze3A_402, %sign3A_435 : i32
    %sign3A_437 = arith.extui %sign3A_436 : i1 to i32
    %sign3A_438 = arith.subi %sign3A_434, %sign3A_437 : i32
    %sign3A_439 = arith.constant 0 : i32
    %sign3A_440 = arith.cmpi sgt, %jit3A_430, %sign3A_439 : i32
    %sign3A_441 = arith.extui %sign3A_440 : i1 to i32
    %sign3A_442 = arith.constant 0 : i32
    %sign3A_443 = arith.cmpi slt, %jit3A_430, %sign3A_442 : i32
    %sign3A_444 = arith.extui %sign3A_443 : i1 to i32
    %sign3A_445 = arith.subi %sign3A_441, %sign3A_444 : i32
    %ne3A_446 = arith.cmpi ne, %sign3A_438, %sign3A_445 : i32
    %rem3A_447 = arith.remsi %squeeze3A_402, %jit3A_430 : i32
    %ne3A_448 = arith.constant 0 : i32
    %ne3A_449 = arith.cmpi ne, %rem3A_447, %ne3A_448 : i32
    %and3A_450 = arith.andi %ne3A_446, %ne3A_449 : i1
    %sub3A_451 = arith.constant 1 : i32
    %sub3A_452 = arith.subi %div3A_431, %sub3A_451 : i32
    %select_n3A_453 = arith.select %and3A_450, %sub3A_452, %div3A_431 : i32
    %mul3A_454 = arith.constant 128 : i32
    %mul3A_455 = arith.muli %select_n3A_453, %mul3A_454 : i32
    %multiple_of3A_456 = tpu.assume_multiple %mul3A_455, 128 : i32
    %dma_start3A_457 = arith.constant 4 : i32
    %dma_start3A_458 = arith.constant 0 : i32
    %dma_start3A_459 = arith.constant 4 : i32
    %dma_start3A_460 = arith.constant 0 : i32
    %dma_start3A_461 = arith.constant 0 : i32
    %dma_start3A_462 = tpu.memref_slice %arg12[%dma_start3A_457, %dma_start3A_458, %dma_start3A_460, %dma_start3A_461] : memref<16x2x16x128xf32, #tpu.memory_space<vmem>> -> memref<1x1x16x128xf32, #tpu.memory_space<vmem>>
    %dma_start3A_463 = tpu.memref_squeeze %dma_start3A_462 : memref<1x1x16x128xf32, #tpu.memory_space<vmem>> -> memref<16x128xf32, #tpu.memory_space<vmem>>
    %dma_start3A_464 = arith.constant 0 : i32
    %dma_start3A_465 = tpu.memref_slice %arg4[%dma_start3A_464, %multiple_of3A_429] : memref<16x1000000xf32, #tpu.memory_space<hbm>> -> memref<16x128xf32, #tpu.memory_space<hbm>>
    %dma_start3A_466 = tpu.memref_slice %arg17[%dma_start3A_459] : memref<16x!tpu.dma_semaphore, #tpu.memory_space<semaphore_mem>> -> memref<1x!tpu.dma_semaphore, #tpu.memory_space<semaphore_mem>>
    %dma_start3A_467 = tpu.memref_squeeze %dma_start3A_466 : memref<1x!tpu.dma_semaphore, #tpu.memory_space<semaphore_mem>> -> memref<!tpu.dma_semaphore, #tpu.memory_space<semaphore_mem>>
    %dma_start3A_468 = arith.constant 0 : i32
    %dma_start3A_469 = arith.constant 0 : i32
    %dma_start3A_470 = tpu.memref_slice %arg12[%dma_start3A_457, %dma_start3A_458, %dma_start3A_468, %dma_start3A_469] : memref<16x2x16x128xf32, #tpu.memory_space<vmem>> -> memref<1x1x16x128xf32, #tpu.memory_space<vmem>>
    %dma_start3A_471 = tpu.memref_squeeze %dma_start3A_470 : memref<1x1x16x128xf32, #tpu.memory_space<vmem>> -> memref<16x128xf32, #tpu.memory_space<vmem>>
    %dma_start3A_472 = arith.constant 0 : i32
    %dma_start3A_473 = tpu.memref_slice %arg4[%dma_start3A_472, %multiple_of3A_429] : memref<16x1000000xf32, #tpu.memory_space<hbm>> -> memref<16x128xf32, #tpu.memory_space<hbm>>
    tpu.enqueue_dma source(%dma_start3A_473 : memref<16x128xf32, #tpu.memory_space<hbm>>) target(%dma_start3A_471 : memref<16x128xf32, #tpu.memory_space<vmem>>) target_semaphore(%dma_start3A_467 : memref<!tpu.dma_semaphore, #tpu.memory_space<semaphore_mem>>)
    %dma_start3A_474 = arith.constant 4 : i32
    %dma_start3A_475 = arith.constant 1 : i32
    %dma_start3A_476 = arith.constant 4 : i32
    %dma_start3A_477 = arith.constant 0 : i32
    %dma_start3A_478 = arith.constant 0 : i32
    %dma_start3A_479 = tpu.memref_slice %arg12[%dma_start3A_474, %dma_start3A_475, %dma_start3A_477, %dma_start3A_478] : memref<16x2x16x128xf32, #tpu.memory_space<vmem>> -> memref<1x1x16x128xf32, #tpu.memory_space<vmem>>
    %dma_start3A_480 = tpu.memref_squeeze %dma_start3A_479 : memref<1x1x16x128xf32, #tpu.memory_space<vmem>> -> memref<16x128xf32, #tpu.memory_space<vmem>>
    %dma_start3A_481 = arith.constant 0 : i32
    %dma_start3A_482 = tpu.memref_slice %arg5[%dma_start3A_481, %multiple_of3A_456] : memref<16x1000000xf32, #tpu.memory_space<hbm>> -> memref<16x128xf32, #tpu.memory_space<hbm>>
    %dma_start3A_483 = tpu.memref_slice %arg17[%dma_start3A_476] : memref<16x!tpu.dma_semaphore, #tpu.memory_space<semaphore_mem>> -> memref<1x!tpu.dma_semaphore, #tpu.memory_space<semaphore_mem>>
    %dma_start3A_484 = tpu.memref_squeeze %dma_start3A_483 : memref<1x!tpu.dma_semaphore, #tpu.memory_space<semaphore_mem>> -> memref<!tpu.dma_semaphore, #tpu.memory_space<semaphore_mem>>
    %dma_start3A_485 = arith.constant 0 : i32
    %dma_start3A_486 = arith.constant 0 : i32
    %dma_start3A_487 = tpu.memref_slice %arg12[%dma_start3A_474, %dma_start3A_475, %dma_start3A_485, %dma_start3A_486] : memref<16x2x16x128xf32, #tpu.memory_space<vmem>> -> memref<1x1x16x128xf32, #tpu.memory_space<vmem>>
    %dma_start3A_488 = tpu.memref_squeeze %dma_start3A_487 : memref<1x1x16x128xf32, #tpu.memory_space<vmem>> -> memref<16x128xf32, #tpu.memory_space<vmem>>
    %dma_start3A_489 = arith.constant 0 : i32
    %dma_start3A_490 = tpu.memref_slice %arg5[%dma_start3A_489, %multiple_of3A_456] : memref<16x1000000xf32, #tpu.memory_space<hbm>> -> memref<16x128xf32, #tpu.memory_space<hbm>>
    tpu.enqueue_dma source(%dma_start3A_490 : memref<16x128xf32, #tpu.memory_space<hbm>>) target(%dma_start3A_488 : memref<16x128xf32, #tpu.memory_space<vmem>>) target_semaphore(%dma_start3A_484 : memref<!tpu.dma_semaphore, #tpu.memory_space<semaphore_mem>>)
    %broadcast_in_dim3A_491 = arith.constant 5 : i32
    %broadcast_in_dim3A_492 = vector.broadcast %broadcast_in_dim3A_491 : i32 to vector<16xi32>
    %gather3A_493 = tpu.vector_load_idx %arg10[%broadcast_in_dim3A_492] : memref<512xi32, #tpu.memory_space<vmem>>[vector<16xi32>], vector<16xi32>,
    %slice3A_494 = vector.extract_strided_slice %gather3A_493 {offsets = [0], sizes = [1], strides = [1]} : vector<16xi32> to vector<1xi32>
    %squeeze3A_495 = vector.extract %slice3A_494[0] : i32 from vector<1xi32>
    %broadcast_in_dim3A_496 = arith.constant 5 : i32
    %broadcast_in_dim3A_497 = vector.broadcast %broadcast_in_dim3A_496 : i32 to vector<16xi32>
    %gather3A_498 = tpu.vector_load_idx %arg11[%broadcast_in_dim3A_497] : memref<512xi32, #tpu.memory_space<vmem>>[vector<16xi32>], vector<16xi32>,
    %slice3A_499 = vector.extract_strided_slice %gather3A_498 {offsets = [0], sizes = [1], strides = [1]} : vector<16xi32> to vector<1xi32>
    %squeeze3A_500 = vector.extract %slice3A_499[0] : i32 from vector<1xi32>
    %jit3A_501 = arith.constant 128 : i32
    %div3A_502 = arith.divsi %squeeze3A_495, %jit3A_501 : i32
    %sign3A_503 = arith.constant 0 : i32
    %sign3A_504 = arith.cmpi sgt, %squeeze3A_495, %sign3A_503 : i32
    %sign3A_505 = arith.extui %sign3A_504 : i1 to i32
    %sign3A_506 = arith.constant 0 : i32
    %sign3A_507 = arith.cmpi slt, %squeeze3A_495, %sign3A_506 : i32
    %sign3A_508 = arith.extui %sign3A_507 : i1 to i32
    %sign3A_509 = arith.subi %sign3A_505, %sign3A_508 : i32
    %sign3A_510 = arith.constant 0 : i32
    %sign3A_511 = arith.cmpi sgt, %jit3A_501, %sign3A_510 : i32
    %sign3A_512 = arith.extui %sign3A_511 : i1 to i32
    %sign3A_513 = arith.constant 0 : i32
    %sign3A_514 = arith.cmpi slt, %jit3A_501, %sign3A_513 : i32
    %sign3A_515 = arith.extui %sign3A_514 : i1 to i32
    %sign3A_516 = arith.subi %sign3A_512, %sign3A_515 : i32
    %ne3A_517 = arith.cmpi ne, %sign3A_509, %sign3A_516 : i32
    %rem3A_518 = arith.remsi %squeeze3A_495, %jit3A_501 : i32
    %ne3A_519 = arith.constant 0 : i32
    %ne3A_520 = arith.cmpi ne, %rem3A_518, %ne3A_519 : i32
    %and3A_521 = arith.andi %ne3A_517, %ne3A_520 : i1
    %sub3A_522 = arith.constant 1 : i32
    %sub3A_523 = arith.subi %div3A_502, %sub3A_522 : i32
    %select_n3A_524 = arith.select %and3A_521, %sub3A_523, %div3A_502 : i32
    %mul3A_525 = arith.constant 128 : i32
    %mul3A_526 = arith.muli %select_n3A_524, %mul3A_525 : i32
    %multiple_of3A_527 = tpu.assume_multiple %mul3A_526, 128 : i32
    %jit3A_528 = arith.constant 128 : i32
    %div3A_529 = arith.divsi %squeeze3A_500, %jit3A_528 : i32
    %sign3A_530 = arith.constant 0 : i32
    %sign3A_531 = arith.cmpi sgt, %squeeze3A_500, %sign3A_530 : i32
    %sign3A_532 = arith.extui %sign3A_531 : i1 to i32
    %sign3A_533 = arith.constant 0 : i32
    %sign3A_534 = arith.cmpi slt, %squeeze3A_500, %sign3A_533 : i32
    %sign3A_535 = arith.extui %sign3A_534 : i1 to i32
    %sign3A_536 = arith.subi %sign3A_532, %sign3A_535 : i32
    %sign3A_537 = arith.constant 0 : i32
    %sign3A_538 = arith.cmpi sgt, %jit3A_528, %sign3A_537 : i32
    %sign3A_539 = arith.extui %sign3A_538 : i1 to i32
    %sign3A_540 = arith.constant 0 : i32
    %sign3A_541 = arith.cmpi slt, %jit3A_528, %sign3A_540 : i32
    %sign3A_542 = arith.extui %sign3A_541 : i1 to i32
    %sign3A_543 = arith.subi %sign3A_539, %sign3A_542 : i32
    %ne3A_544 = arith.cmpi ne, %sign3A_536, %sign3A_543 : i32
    %rem3A_545 = arith.remsi %squeeze3A_500, %jit3A_528 : i32
    %ne3A_546 = arith.constant 0 : i32
    %ne3A_547 = arith.cmpi ne, %rem3A_545, %ne3A_546 : i32
    %and3A_548 = arith.andi %ne3A_544, %ne3A_547 : i1
    %sub3A_549 = arith.constant 1 : i32
    %sub3A_550 = arith.subi %div3A_529, %sub3A_549 : i32
    %select_n3A_551 = arith.select %and3A_548, %sub3A_550, %div3A_529 : i32
    %mul3A_552 = arith.constant 128 : i32
    %mul3A_553 = arith.muli %select_n3A_551, %mul3A_552 : i32
    %multiple_of3A_554 = tpu.assume_multiple %mul3A_553, 128 : i32
    %dma_start3A_555 = arith.constant 5 : i32
    %dma_start3A_556 = arith.constant 0 : i32
    %dma_start3A_557 = arith.constant 5 : i32
    %dma_start3A_558 = arith.constant 0 : i32
    %dma_start3A_559 = arith.constant 0 : i32
    %dma_start3A_560 = tpu.memref_slice %arg12[%dma_start3A_555, %dma_start3A_556, %dma_start3A_558, %dma_start3A_559] : memref<16x2x16x128xf32, #tpu.memory_space<vmem>> -> memref<1x1x16x128xf32, #tpu.memory_space<vmem>>
    %dma_start3A_561 = tpu.memref_squeeze %dma_start3A_560 : memref<1x1x16x128xf32, #tpu.memory_space<vmem>> -> memref<16x128xf32, #tpu.memory_space<vmem>>
    %dma_start3A_562 = arith.constant 0 : i32
    %dma_start3A_563 = tpu.memref_slice %arg4[%dma_start3A_562, %multiple_of3A_527] : memref<16x1000000xf32, #tpu.memory_space<hbm>> -> memref<16x128xf32, #tpu.memory_space<hbm>>
    %dma_start3A_564 = tpu.memref_slice %arg17[%dma_start3A_557] : memref<16x!tpu.dma_semaphore, #tpu.memory_space<semaphore_mem>> -> memref<1x!tpu.dma_semaphore, #tpu.memory_space<semaphore_mem>>
    %dma_start3A_565 = tpu.memref_squeeze %dma_start3A_564 : memref<1x!tpu.dma_semaphore, #tpu.memory_space<semaphore_mem>> -> memref<!tpu.dma_semaphore, #tpu.memory_space<semaphore_mem>>
    %dma_start3A_566 = arith.constant 0 : i32
    %dma_start3A_567 = arith.constant 0 : i32
    %dma_start3A_568 = tpu.memref_slice %arg12[%dma_start3A_555, %dma_start3A_556, %dma_start3A_566, %dma_start3A_567] : memref<16x2x16x128xf32, #tpu.memory_space<vmem>> -> memref<1x1x16x128xf32, #tpu.memory_space<vmem>>
    %dma_start3A_569 = tpu.memref_squeeze %dma_start3A_568 : memref<1x1x16x128xf32, #tpu.memory_space<vmem>> -> memref<16x128xf32, #tpu.memory_space<vmem>>
    %dma_start3A_570 = arith.constant 0 : i32
    %dma_start3A_571 = tpu.memref_slice %arg4[%dma_start3A_570, %multiple_of3A_527] : memref<16x1000000xf32, #tpu.memory_space<hbm>> -> memref<16x128xf32, #tpu.memory_space<hbm>>
    tpu.enqueue_dma source(%dma_start3A_571 : memref<16x128xf32, #tpu.memory_space<hbm>>) target(%dma_start3A_569 : memref<16x128xf32, #tpu.memory_space<vmem>>) target_semaphore(%dma_start3A_565 : memref<!tpu.dma_semaphore, #tpu.memory_space<semaphore_mem>>)
    %dma_start3A_572 = arith.constant 5 : i32
    %dma_start3A_573 = arith.constant 1 : i32
    %dma_start3A_574 = arith.constant 5 : i32
    %dma_start3A_575 = arith.constant 0 : i32
    %dma_start3A_576 = arith.constant 0 : i32
    %dma_start3A_577 = tpu.memref_slice %arg12[%dma_start3A_572, %dma_start3A_573, %dma_start3A_575, %dma_start3A_576] : memref<16x2x16x128xf32, #tpu.memory_space<vmem>> -> memref<1x1x16x128xf32, #tpu.memory_space<vmem>>
    %dma_start3A_578 = tpu.memref_squeeze %dma_start3A_577 : memref<1x1x16x128xf32, #tpu.memory_space<vmem>> -> memref<16x128xf32, #tpu.memory_space<vmem>>
    %dma_start3A_579 = arith.constant 0 : i32
    %dma_start3A_580 = tpu.memref_slice %arg5[%dma_start3A_579, %multiple_of3A_554] : memref<16x1000000xf32, #tpu.memory_space<hbm>> -> memref<16x128xf32, #tpu.memory_space<hbm>>
    %dma_start3A_581 = tpu.memref_slice %arg17[%dma_start3A_574] : memref<16x!tpu.dma_semaphore, #tpu.memory_space<semaphore_mem>> -> memref<1x!tpu.dma_semaphore, #tpu.memory_space<semaphore_mem>>
    %dma_start3A_582 = tpu.memref_squeeze %dma_start3A_581 : memref<1x!tpu.dma_semaphore, #tpu.memory_space<semaphore_mem>> -> memref<!tpu.dma_semaphore, #tpu.memory_space<semaphore_mem>>
    %dma_start3A_583 = arith.constant 0 : i32
    %dma_start3A_584 = arith.constant 0 : i32
    %dma_start3A_585 = tpu.memref_slice %arg12[%dma_start3A_572, %dma_start3A_573, %dma_start3A_583, %dma_start3A_584] : memref<16x2x16x128xf32, #tpu.memory_space<vmem>> -> memref<1x1x16x128xf32, #tpu.memory_space<vmem>>
    %dma_start3A_586 = tpu.memref_squeeze %dma_start3A_585 : memref<1x1x16x128xf32, #tpu.memory_space<vmem>> -> memref<16x128xf32, #tpu.memory_space<vmem>>
    %dma_start3A_587 = arith.constant 0 : i32
    %dma_start3A_588 = tpu.memref_slice %arg5[%dma_start3A_587, %multiple_of3A_554] : memref<16x1000000xf32, #tpu.memory_space<hbm>> -> memref<16x128xf32, #tpu.memory_space<hbm>>
    tpu.enqueue_dma source(%dma_start3A_588 : memref<16x128xf32, #tpu.memory_space<hbm>>) target(%dma_start3A_586 : memref<16x128xf32, #tpu.memory_space<vmem>>) target_semaphore(%dma_start3A_582 : memref<!tpu.dma_semaphore, #tpu.memory_space<semaphore_mem>>)
    %broadcast_in_dim3A_589 = arith.constant 6 : i32
    %broadcast_in_dim3A_590 = vector.broadcast %broadcast_in_dim3A_589 : i32 to vector<16xi32>
    %gather3A_591 = tpu.vector_load_idx %arg10[%broadcast_in_dim3A_590] : memref<512xi32, #tpu.memory_space<vmem>>[vector<16xi32>], vector<16xi32>,
    %slice3A_592 = vector.extract_strided_slice %gather3A_591 {offsets = [0], sizes = [1], strides = [1]} : vector<16xi32> to vector<1xi32>
    %squeeze3A_593 = vector.extract %slice3A_592[0] : i32 from vector<1xi32>
    %broadcast_in_dim3A_594 = arith.constant 6 : i32
    %broadcast_in_dim3A_595 = vector.broadcast %broadcast_in_dim3A_594 : i32 to vector<16xi32>
    %gather3A_596 = tpu.vector_load_idx %arg11[%broadcast_in_dim3A_595] : memref<512xi32, #tpu.memory_space<vmem>>[vector<16xi32>], vector<16xi32>,
    %slice3A_597 = vector.extract_strided_slice %gather3A_596 {offsets = [0], sizes = [1], strides = [1]} : vector<16xi32> to vector<1xi32>
    %squeeze3A_598 = vector.extract %slice3A_597[0] : i32 from vector<1xi32>
    %jit3A_599 = arith.constant 128 : i32
    %div3A_600 = arith.divsi %squeeze3A_593, %jit3A_599 : i32
    %sign3A_601 = arith.constant 0 : i32
    %sign3A_602 = arith.cmpi sgt, %squeeze3A_593, %sign3A_601 : i32
    %sign3A_603 = arith.extui %sign3A_602 : i1 to i32
    %sign3A_604 = arith.constant 0 : i32
    %sign3A_605 = arith.cmpi slt, %squeeze3A_593, %sign3A_604 : i32
    %sign3A_606 = arith.extui %sign3A_605 : i1 to i32
    %sign3A_607 = arith.subi %sign3A_603, %sign3A_606 : i32
    %sign3A_608 = arith.constant 0 : i32
    %sign3A_609 = arith.cmpi sgt, %jit3A_599, %sign3A_608 : i32
    %sign3A_610 = arith.extui %sign3A_609 : i1 to i32
    %sign3A_611 = arith.constant 0 : i32
    %sign3A_612 = arith.cmpi slt, %jit3A_599, %sign3A_611 : i32
    %sign3A_613 = arith.extui %sign3A_612 : i1 to i32
    %sign3A_614 = arith.subi %sign3A_610, %sign3A_613 : i32
    %ne3A_615 = arith.cmpi ne, %sign3A_607, %sign3A_614 : i32
    %rem3A_616 = arith.remsi %squeeze3A_593, %jit3A_599 : i32
    %ne3A_617 = arith.constant 0 : i32
    %ne3A_618 = arith.cmpi ne, %rem3A_616, %ne3A_617 : i32
    %and3A_619 = arith.andi %ne3A_615, %ne3A_618 : i1
    %sub3A_620 = arith.constant 1 : i32
    %sub3A_621 = arith.subi %div3A_600, %sub3A_620 : i32
    %select_n3A_622 = arith.select %and3A_619, %sub3A_621, %div3A_600 : i32
    %mul3A_623 = arith.constant 128 : i32
    %mul3A_624 = arith.muli %select_n3A_622, %mul3A_623 : i32
    %multiple_of3A_625 = tpu.assume_multiple %mul3A_624, 128 : i32
    %jit3A_626 = arith.constant 128 : i32
    %div3A_627 = arith.divsi %squeeze3A_598, %jit3A_626 : i32
    %sign3A_628 = arith.constant 0 : i32
    %sign3A_629 = arith.cmpi sgt, %squeeze3A_598, %sign3A_628 : i32
    %sign3A_630 = arith.extui %sign3A_629 : i1 to i32
    %sign3A_631 = arith.constant 0 : i32
    %sign3A_632 = arith.cmpi slt, %squeeze3A_598, %sign3A_631 : i32
    %sign3A_633 = arith.extui %sign3A_632 : i1 to i32
    %sign3A_634 = arith.subi %sign3A_630, %sign3A_633 : i32
    %sign3A_635 = arith.constant 0 : i32
    %sign3A_636 = arith.cmpi sgt, %jit3A_626, %sign3A_635 : i32
    %sign3A_637 = arith.extui %sign3A_636 : i1 to i32
    %sign3A_638 = arith.constant 0 : i32
    %sign3A_639 = arith.cmpi slt, %jit3A_626, %sign3A_638 : i32
    %sign3A_640 = arith.extui %sign3A_639 : i1 to i32
    %sign3A_641 = arith.subi %sign3A_637, %sign3A_640 : i32
    %ne3A_642 = arith.cmpi ne, %sign3A_634, %sign3A_641 : i32
    %rem3A_643 = arith.remsi %squeeze3A_598, %jit3A_626 : i32
    %ne3A_644 = arith.constant 0 : i32
    %ne3A_645 = arith.cmpi ne, %rem3A_643, %ne3A_644 : i32
    %and3A_646 = arith.andi %ne3A_642, %ne3A_645 : i1
    %sub3A_647 = arith.constant 1 : i32
    %sub3A_648 = arith.subi %div3A_627, %sub3A_647 : i32
    %select_n3A_649 = arith.select %and3A_646, %sub3A_648, %div3A_627 : i32
    %mul3A_650 = arith.constant 128 : i32
    %mul3A_651 = arith.muli %select_n3A_649, %mul3A_650 : i32
    %multiple_of3A_652 = tpu.assume_multiple %mul3A_651, 128 : i32
    %dma_start3A_653 = arith.constant 6 : i32
    %dma_start3A_654 = arith.constant 0 : i32
    %dma_start3A_655 = arith.constant 6 : i32
    %dma_start3A_656 = arith.constant 0 : i32
    %dma_start3A_657 = arith.constant 0 : i32
    %dma_start3A_658 = tpu.memref_slice %arg12[%dma_start3A_653, %dma_start3A_654, %dma_start3A_656, %dma_start3A_657] : memref<16x2x16x128xf32, #tpu.memory_space<vmem>> -> memref<1x1x16x128xf32, #tpu.memory_space<vmem>>
    %dma_start3A_659 = tpu.memref_squeeze %dma_start3A_658 : memref<1x1x16x128xf32, #tpu.memory_space<vmem>> -> memref<16x128xf32, #tpu.memory_space<vmem>>
    %dma_start3A_660 = arith.constant 0 : i32
    %dma_start3A_661 = tpu.memref_slice %arg4[%dma_start3A_660, %multiple_of3A_625] : memref<16x1000000xf32, #tpu.memory_space<hbm>> -> memref<16x128xf32, #tpu.memory_space<hbm>>
    %dma_start3A_662 = tpu.memref_slice %arg17[%dma_start3A_655] : memref<16x!tpu.dma_semaphore, #tpu.memory_space<semaphore_mem>> -> memref<1x!tpu.dma_semaphore, #tpu.memory_space<semaphore_mem>>
    %dma_start3A_663 = tpu.memref_squeeze %dma_start3A_662 : memref<1x!tpu.dma_semaphore, #tpu.memory_space<semaphore_mem>> -> memref<!tpu.dma_semaphore, #tpu.memory_space<semaphore_mem>>
    %dma_start3A_664 = arith.constant 0 : i32
    %dma_start3A_665 = arith.constant 0 : i32
    %dma_start3A_666 = tpu.memref_slice %arg12[%dma_start3A_653, %dma_start3A_654, %dma_start3A_664, %dma_start3A_665] : memref<16x2x16x128xf32, #tpu.memory_space<vmem>> -> memref<1x1x16x128xf32, #tpu.memory_space<vmem>>
    %dma_start3A_667 = tpu.memref_squeeze %dma_start3A_666 : memref<1x1x16x128xf32, #tpu.memory_space<vmem>> -> memref<16x128xf32, #tpu.memory_space<vmem>>
    %dma_start3A_668 = arith.constant 0 : i32
    %dma_start3A_669 = tpu.memref_slice %arg4[%dma_start3A_668, %multiple_of3A_625] : memref<16x1000000xf32, #tpu.memory_space<hbm>> -> memref<16x128xf32, #tpu.memory_space<hbm>>
    tpu.enqueue_dma source(%dma_start3A_669 : memref<16x128xf32, #tpu.memory_space<hbm>>) target(%dma_start3A_667 : memref<16x128xf32, #tpu.memory_space<vmem>>) target_semaphore(%dma_start3A_663 : memref<!tpu.dma_semaphore, #tpu.memory_space<semaphore_mem>>)
    %dma_start3A_670 = arith.constant 6 : i32
    %dma_start3A_671 = arith.constant 1 : i32
    %dma_start3A_672 = arith.constant 6 : i32
    %dma_start3A_673 = arith.constant 0 : i32
    %dma_start3A_674 = arith.constant 0 : i32
    %dma_start3A_675 = tpu.memref_slice %arg12[%dma_start3A_670, %dma_start3A_671, %dma_start3A_673, %dma_start3A_674] : memref<16x2x16x128xf32, #tpu.memory_space<vmem>> -> memref<1x1x16x128xf32, #tpu.memory_space<vmem>>
    %dma_start3A_676 = tpu.memref_squeeze %dma_start3A_675 : memref<1x1x16x128xf32, #tpu.memory_space<vmem>> -> memref<16x128xf32, #tpu.memory_space<vmem>>
    %dma_start3A_677 = arith.constant 0 : i32
    %dma_start3A_678 = tpu.memref_slice %arg5[%dma_start3A_677, %multiple_of3A_652] : memref<16x1000000xf32, #tpu.memory_space<hbm>> -> memref<16x128xf32, #tpu.memory_space<hbm>>
    %dma_start3A_679 = tpu.memref_slice %arg17[%dma_start3A_672] : memref<16x!tpu.dma_semaphore, #tpu.memory_space<semaphore_mem>> -> memref<1x!tpu.dma_semaphore, #tpu.memory_space<semaphore_mem>>
    %dma_start3A_680 = tpu.memref_squeeze %dma_start3A_679 : memref<1x!tpu.dma_semaphore, #tpu.memory_space<semaphore_mem>> -> memref<!tpu.dma_semaphore, #tpu.memory_space<semaphore_mem>>
    %dma_start3A_681 = arith.constant 0 : i32
    %dma_start3A_682 = arith.constant 0 : i32
    %dma_start3A_683 = tpu.memref_slice %arg12[%dma_start3A_670, %dma_start3A_671, %dma_start3A_681, %dma_start3A_682] : memref<16x2x16x128xf32, #tpu.memory_space<vmem>> -> memref<1x1x16x128xf32, #tpu.memory_space<vmem>>
    %dma_start3A_684 = tpu.memref_squeeze %dma_start3A_683 : memref<1x1x16x128xf32, #tpu.memory_space<vmem>> -> memref<16x128xf32, #tpu.memory_space<vmem>>
    %dma_start3A_685 = arith.constant 0 : i32
    %dma_start3A_686 = tpu.memref_slice %arg5[%dma_start3A_685, %multiple_of3A_652] : memref<16x1000000xf32, #tpu.memory_space<hbm>> -> memref<16x128xf32, #tpu.memory_space<hbm>>
    tpu.enqueue_dma source(%dma_start3A_686 : memref<16x128xf32, #tpu.memory_space<hbm>>) target(%dma_start3A_684 : memref<16x128xf32, #tpu.memory_space<vmem>>) target_semaphore(%dma_start3A_680 : memref<!tpu.dma_semaphore, #tpu.memory_space<semaphore_mem>>)
    %broadcast_in_dim3A_687 = arith.constant 7 : i32
    %broadcast_in_dim3A_688 = vector.broadcast %broadcast_in_dim3A_687 : i32 to vector<16xi32>
    %gather3A_689 = tpu.vector_load_idx %arg10[%broadcast_in_dim3A_688] : memref<512xi32, #tpu.memory_space<vmem>>[vector<16xi32>], vector<16xi32>,
    %slice3A_690 = vector.extract_strided_slice %gather3A_689 {offsets = [0], sizes = [1], strides = [1]} : vector<16xi32> to vector<1xi32>
    %squeeze3A_691 = vector.extract %slice3A_690[0] : i32 from vector<1xi32>
    %broadcast_in_dim3A_692 = arith.constant 7 : i32
    %broadcast_in_dim3A_693 = vector.broadcast %broadcast_in_dim3A_692 : i32 to vector<16xi32>
    %gather3A_694 = tpu.vector_load_idx %arg11[%broadcast_in_dim3A_693] : memref<512xi32, #tpu.memory_space<vmem>>[vector<16xi32>], vector<16xi32>,
    %slice3A_695 = vector.extract_strided_slice %gather3A_694 {offsets = [0], sizes = [1], strides = [1]} : vector<16xi32> to vector<1xi32>
    %squeeze3A_696 = vector.extract %slice3A_695[0] : i32 from vector<1xi32>
    %jit3A_697 = arith.constant 128 : i32
    %div3A_698 = arith.divsi %squeeze3A_691, %jit3A_697 : i32
    %sign3A_699 = arith.constant 0 : i32
    %sign3A_700 = arith.cmpi sgt, %squeeze3A_691, %sign3A_699 : i32
    %sign3A_701 = arith.extui %sign3A_700 : i1 to i32
    %sign3A_702 = arith.constant 0 : i32
    %sign3A_703 = arith.cmpi slt, %squeeze3A_691, %sign3A_702 : i32
    %sign3A_704 = arith.extui %sign3A_703 : i1 to i32
    %sign3A_705 = arith.subi %sign3A_701, %sign3A_704 : i32
    %sign3A_706 = arith.constant 0 : i32
    %sign3A_707 = arith.cmpi sgt, %jit3A_697, %sign3A_706 : i32
    %sign3A_708 = arith.extui %sign3A_707 : i1 to i32
    %sign3A_709 = arith.constant 0 : i32
    %sign3A_710 = arith.cmpi slt, %jit3A_697, %sign3A_709 : i32
    %sign3A_711 = arith.extui %sign3A_710 : i1 to i32
    %sign3A_712 = arith.subi %sign3A_708, %sign3A_711 : i32
    %ne3A_713 = arith.cmpi ne, %sign3A_705, %sign3A_712 : i32
    %rem3A_714 = arith.remsi %squeeze3A_691, %jit3A_697 : i32
    %ne3A_715 = arith.constant 0 : i32
    %ne3A_716 = arith.cmpi ne, %rem3A_714, %ne3A_715 : i32
    %and3A_717 = arith.andi %ne3A_713, %ne3A_716 : i1
    %sub3A_718 = arith.constant 1 : i32
    %sub3A_719 = arith.subi %div3A_698, %sub3A_718 : i32
    %select_n3A_720 = arith.select %and3A_717, %sub3A_719, %div3A_698 : i32
    %mul3A_721 = arith.constant 128 : i32
    %mul3A_722 = arith.muli %select_n3A_720, %mul3A_721 : i32
    %multiple_of3A_723 = tpu.assume_multiple %mul3A_722, 128 : i32
    %jit3A_724 = arith.constant 128 : i32
    %div3A_725 = arith.divsi %squeeze3A_696, %jit3A_724 : i32
    %sign3A_726 = arith.constant 0 : i32
    %sign3A_727 = arith.cmpi sgt, %squeeze3A_696, %sign3A_726 : i32
    %sign3A_728 = arith.extui %sign3A_727 : i1 to i32
    %sign3A_729 = arith.constant 0 : i32
    %sign3A_730 = arith.cmpi slt, %squeeze3A_696, %sign3A_729 : i32
    %sign3A_731 = arith.extui %sign3A_730 : i1 to i32
    %sign3A_732 = arith.subi %sign3A_728, %sign3A_731 : i32
    %sign3A_733 = arith.constant 0 : i32
    %sign3A_734 = arith.cmpi sgt, %jit3A_724, %sign3A_733 : i32
    %sign3A_735 = arith.extui %sign3A_734 : i1 to i32
    %sign3A_736 = arith.constant 0 : i32
    %sign3A_737 = arith.cmpi slt, %jit3A_724, %sign3A_736 : i32
    %sign3A_738 = arith.extui %sign3A_737 : i1 to i32
    %sign3A_739 = arith.subi %sign3A_735, %sign3A_738 : i32
    %ne3A_740 = arith.cmpi ne, %sign3A_732, %sign3A_739 : i32
    %rem3A_741 = arith.remsi %squeeze3A_696, %jit3A_724 : i32
    %ne3A_742 = arith.constant 0 : i32
    %ne3A_743 = arith.cmpi ne, %rem3A_741, %ne3A_742 : i32
    %and3A_744 = arith.andi %ne3A_740, %ne3A_743 : i1
    %sub3A_745 = arith.constant 1 : i32
    %sub3A_746 = arith.subi %div3A_725, %sub3A_745 : i32
    %select_n3A_747 = arith.select %and3A_744, %sub3A_746, %div3A_725 : i32
    %mul3A_748 = arith.constant 128 : i32
    %mul3A_749 = arith.muli %select_n3A_747, %mul3A_748 : i32
    %multiple_of3A_750 = tpu.assume_multiple %mul3A_749, 128 : i32
    %dma_start3A_751 = arith.constant 7 : i32
    %dma_start3A_752 = arith.constant 0 : i32
    %dma_start3A_753 = arith.constant 7 : i32
    %dma_start3A_754 = arith.constant 0 : i32
    %dma_start3A_755 = arith.constant 0 : i32
    %dma_start3A_756 = tpu.memref_slice %arg12[%dma_start3A_751, %dma_start3A_752, %dma_start3A_754, %dma_start3A_755] : memref<16x2x16x128xf32, #tpu.memory_space<vmem>> -> memref<1x1x16x128xf32, #tpu.memory_space<vmem>>
    %dma_start3A_757 = tpu.memref_squeeze %dma_start3A_756 : memref<1x1x16x128xf32, #tpu.memory_space<vmem>> -> memref<16x128xf32, #tpu.memory_space<vmem>>
    %dma_start3A_758 = arith.constant 0 : i32
    %dma_start3A_759 = tpu.memref_slice %arg4[%dma_start3A_758, %multiple_of3A_723] : memref<16x1000000xf32, #tpu.memory_space<hbm>> -> memref<16x128xf32, #tpu.memory_space<hbm>>
    %dma_start3A_760 = tpu.memref_slice %arg17[%dma_start3A_753] : memref<16x!tpu.dma_semaphore, #tpu.memory_space<semaphore_mem>> -> memref<1x!tpu.dma_semaphore, #tpu.memory_space<semaphore_mem>>
    %dma_start3A_761 = tpu.memref_squeeze %dma_start3A_760 : memref<1x!tpu.dma_semaphore, #tpu.memory_space<semaphore_mem>> -> memref<!tpu.dma_semaphore, #tpu.memory_space<semaphore_mem>>
    %dma_start3A_762 = arith.constant 0 : i32
    %dma_start3A_763 = arith.constant 0 : i32
    %dma_start3A_764 = tpu.memref_slice %arg12[%dma_start3A_751, %dma_start3A_752, %dma_start3A_762, %dma_start3A_763] : memref<16x2x16x128xf32, #tpu.memory_space<vmem>> -> memref<1x1x16x128xf32, #tpu.memory_space<vmem>>
    %dma_start3A_765 = tpu.memref_squeeze %dma_start3A_764 : memref<1x1x16x128xf32, #tpu.memory_space<vmem>> -> memref<16x128xf32, #tpu.memory_space<vmem>>
    %dma_start3A_766 = arith.constant 0 : i32
    %dma_start3A_767 = tpu.memref_slice %arg4[%dma_start3A_766, %multiple_of3A_723] : memref<16x1000000xf32, #tpu.memory_space<hbm>> -> memref<16x128xf32, #tpu.memory_space<hbm>>
    tpu.enqueue_dma source(%dma_start3A_767 : memref<16x128xf32, #tpu.memory_space<hbm>>) target(%dma_start3A_765 : memref<16x128xf32, #tpu.memory_space<vmem>>) target_semaphore(%dma_start3A_761 : memref<!tpu.dma_semaphore, #tpu.memory_space<semaphore_mem>>)
    %dma_start3A_768 = arith.constant 7 : i32
    %dma_start3A_769 = arith.constant 1 : i32
    %dma_start3A_770 = arith.constant 7 : i32
    %dma_start3A_771 = arith.constant 0 : i32
    %dma_start3A_772 = arith.constant 0 : i32
    %dma_start3A_773 = tpu.memref_slice %arg12[%dma_start3A_768, %dma_start3A_769, %dma_start3A_771, %dma_start3A_772] : memref<16x2x16x128xf32, #tpu.memory_space<vmem>> -> memref<1x1x16x128xf32, #tpu.memory_space<vmem>>
    %dma_start3A_774 = tpu.memref_squeeze %dma_start3A_773 : memref<1x1x16x128xf32, #tpu.memory_space<vmem>> -> memref<16x128xf32, #tpu.memory_space<vmem>>
    %dma_start3A_775 = arith.constant 0 : i32
    %dma_start3A_776 = tpu.memref_slice %arg5[%dma_start3A_775, %multiple_of3A_750] : memref<16x1000000xf32, #tpu.memory_space<hbm>> -> memref<16x128xf32, #tpu.memory_space<hbm>>
    %dma_start3A_777 = tpu.memref_slice %arg17[%dma_start3A_770] : memref<16x!tpu.dma_semaphore, #tpu.memory_space<semaphore_mem>> -> memref<1x!tpu.dma_semaphore, #tpu.memory_space<semaphore_mem>>
    %dma_start3A_778 = tpu.memref_squeeze %dma_start3A_777 : memref<1x!tpu.dma_semaphore, #tpu.memory_space<semaphore_mem>> -> memref<!tpu.dma_semaphore, #tpu.memory_space<semaphore_mem>>
    %dma_start3A_779 = arith.constant 0 : i32
    %dma_start3A_780 = arith.constant 0 : i32
    %dma_start3A_781 = tpu.memref_slice %arg12[%dma_start3A_768, %dma_start3A_769, %dma_start3A_779, %dma_start3A_780] : memref<16x2x16x128xf32, #tpu.memory_space<vmem>> -> memref<1x1x16x128xf32, #tpu.memory_space<vmem>>
    %dma_start3A_782 = tpu.memref_squeeze %dma_start3A_781 : memref<1x1x16x128xf32, #tpu.memory_space<vmem>> -> memref<16x128xf32, #tpu.memory_space<vmem>>
    %dma_start3A_783 = arith.constant 0 : i32
    %dma_start3A_784 = tpu.memref_slice %arg5[%dma_start3A_783, %multiple_of3A_750] : memref<16x1000000xf32, #tpu.memory_space<hbm>> -> memref<16x128xf32, #tpu.memory_space<hbm>>
    tpu.enqueue_dma source(%dma_start3A_784 : memref<16x128xf32, #tpu.memory_space<hbm>>) target(%dma_start3A_782 : memref<16x128xf32, #tpu.memory_space<vmem>>) target_semaphore(%dma_start3A_778 : memref<!tpu.dma_semaphore, #tpu.memory_space<semaphore_mem>>)
    %broadcast_in_dim3A_785 = arith.constant 8 : i32
    %broadcast_in_dim3A_786 = vector.broadcast %broadcast_in_dim3A_785 : i32 to vector<16xi32>
    %gather3A_787 = tpu.vector_load_idx %arg10[%broadcast_in_dim3A_786] : memref<512xi32, #tpu.memory_space<vmem>>[vector<16xi32>], vector<16xi32>,
    %slice3A_788 = vector.extract_strided_slice %gather3A_787 {offsets = [0], sizes = [1], strides = [1]} : vector<16xi32> to vector<1xi32>
    %squeeze3A_789 = vector.extract %slice3A_788[0] : i32 from vector<1xi32>
    %broadcast_in_dim3A_790 = arith.constant 8 : i32
    %broadcast_in_dim3A_791 = vector.broadcast %broadcast_in_dim3A_790 : i32 to vector<16xi32>
    %gather3A_792 = tpu.vector_load_idx %arg11[%broadcast_in_dim3A_791] : memref<512xi32, #tpu.memory_space<vmem>>[vector<16xi32>], vector<16xi32>,
    %slice3A_793 = vector.extract_strided_slice %gather3A_792 {offsets = [0], sizes = [1], strides = [1]} : vector<16xi32> to vector<1xi32>
    %squeeze3A_794 = vector.extract %slice3A_793[0] : i32 from vector<1xi32>
    %jit3A_795 = arith.constant 128 : i32
    %div3A_796 = arith.divsi %squeeze3A_789, %jit3A_795 : i32
    %sign3A_797 = arith.constant 0 : i32
    %sign3A_798 = arith.cmpi sgt, %squeeze3A_789, %sign3A_797 : i32
    %sign3A_799 = arith.extui %sign3A_798 : i1 to i32
    %sign3A_800 = arith.constant 0 : i32
    %sign3A_801 = arith.cmpi slt, %squeeze3A_789, %sign3A_800 : i32
    %sign3A_802 = arith.extui %sign3A_801 : i1 to i32
    %sign3A_803 = arith.subi %sign3A_799, %sign3A_802 : i32
    %sign3A_804 = arith.constant 0 : i32
    %sign3A_805 = arith.cmpi sgt, %jit3A_795, %sign3A_804 : i32
    %sign3A_806 = arith.extui %sign3A_805 : i1 to i32
    %sign3A_807 = arith.constant 0 : i32
    %sign3A_808 = arith.cmpi slt, %jit3A_795, %sign3A_807 : i32
    %sign3A_809 = arith.extui %sign3A_808 : i1 to i32
    %sign3A_810 = arith.subi %sign3A_806, %sign3A_809 : i32
    %ne3A_811 = arith.cmpi ne, %sign3A_803, %sign3A_810 : i32
    %rem3A_812 = arith.remsi %squeeze3A_789, %jit3A_795 : i32
    %ne3A_813 = arith.constant 0 : i32
    %ne3A_814 = arith.cmpi ne, %rem3A_812, %ne3A_813 : i32
    %and3A_815 = arith.andi %ne3A_811, %ne3A_814 : i1
    %sub3A_816 = arith.constant 1 : i32
    %sub3A_817 = arith.subi %div3A_796, %sub3A_816 : i32
    %select_n3A_818 = arith.select %and3A_815, %sub3A_817, %div3A_796 : i32
    %mul3A_819 = arith.constant 128 : i32
    %mul3A_820 = arith.muli %select_n3A_818, %mul3A_819 : i32
    %multiple_of3A_821 = tpu.assume_multiple %mul3A_820, 128 : i32
    %jit3A_822 = arith.constant 128 : i32
    %div3A_823 = arith.divsi %squeeze3A_794, %jit3A_822 : i32
    %sign3A_824 = arith.constant 0 : i32
    %sign3A_825 = arith.cmpi sgt, %squeeze3A_794, %sign3A_824 : i32
    %sign3A_826 = arith.extui %sign3A_825 : i1 to i32
    %sign3A_827 = arith.constant 0 : i32
    %sign3A_828 = arith.cmpi slt, %squeeze3A_794, %sign3A_827 : i32
    %sign3A_829 = arith.extui %sign3A_828 : i1 to i32
    %sign3A_830 = arith.subi %sign3A_826, %sign3A_829 : i32
    %sign3A_831 = arith.constant 0 : i32
    %sign3A_832 = arith.cmpi sgt, %jit3A_822, %sign3A_831 : i32
    %sign3A_833 = arith.extui %sign3A_832 : i1 to i32
    %sign3A_834 = arith.constant 0 : i32
    %sign3A_835 = arith.cmpi slt, %jit3A_822, %sign3A_834 : i32
    %sign3A_836 = arith.extui %sign3A_835 : i1 to i32
    %sign3A_837 = arith.subi %sign3A_833, %sign3A_836 : i32
    %ne3A_838 = arith.cmpi ne, %sign3A_830, %sign3A_837 : i32
    %rem3A_839 = arith.remsi %squeeze3A_794, %jit3A_822 : i32
    %ne3A_840 = arith.constant 0 : i32
    %ne3A_841 = arith.cmpi ne, %rem3A_839, %ne3A_840 : i32
    %and3A_842 = arith.andi %ne3A_838, %ne3A_841 : i1
    %sub3A_843 = arith.constant 1 : i32
    %sub3A_844 = arith.subi %div3A_823, %sub3A_843 : i32
    %select_n3A_845 = arith.select %and3A_842, %sub3A_844, %div3A_823 : i32
    %mul3A_846 = arith.constant 128 : i32
    %mul3A_847 = arith.muli %select_n3A_845, %mul3A_846 : i32
    %multiple_of3A_848 = tpu.assume_multiple %mul3A_847, 128 : i32
    %dma_start3A_849 = arith.constant 8 : i32
    %dma_start3A_850 = arith.constant 0 : i32
    %dma_start3A_851 = arith.constant 8 : i32
    %dma_start3A_852 = arith.constant 0 : i32
    %dma_start3A_853 = arith.constant 0 : i32
    %dma_start3A_854 = tpu.memref_slice %arg12[%dma_start3A_849, %dma_start3A_850, %dma_start3A_852, %dma_start3A_853] : memref<16x2x16x128xf32, #tpu.memory_space<vmem>> -> memref<1x1x16x128xf32, #tpu.memory_space<vmem>>
    %dma_start3A_855 = tpu.memref_squeeze %dma_start3A_854 : memref<1x1x16x128xf32, #tpu.memory_space<vmem>> -> memref<16x128xf32, #tpu.memory_space<vmem>>
    %dma_start3A_856 = arith.constant 0 : i32
    %dma_start3A_857 = tpu.memref_slice %arg4[%dma_start3A_856, %multiple_of3A_821] : memref<16x1000000xf32, #tpu.memory_space<hbm>> -> memref<16x128xf32, #tpu.memory_space<hbm>>
    %dma_start3A_858 = tpu.memref_slice %arg17[%dma_start3A_851] : memref<16x!tpu.dma_semaphore, #tpu.memory_space<semaphore_mem>> -> memref<1x!tpu.dma_semaphore, #tpu.memory_space<semaphore_mem>>
    %dma_start3A_859 = tpu.memref_squeeze %dma_start3A_858 : memref<1x!tpu.dma_semaphore, #tpu.memory_space<semaphore_mem>> -> memref<!tpu.dma_semaphore, #tpu.memory_space<semaphore_mem>>
    %dma_start3A_860 = arith.constant 0 : i32
    %dma_start3A_861 = arith.constant 0 : i32
    %dma_start3A_862 = tpu.memref_slice %arg12[%dma_start3A_849, %dma_start3A_850, %dma_start3A_860, %dma_start3A_861] : memref<16x2x16x128xf32, #tpu.memory_space<vmem>> -> memref<1x1x16x128xf32, #tpu.memory_space<vmem>>
    %dma_start3A_863 = tpu.memref_squeeze %dma_start3A_862 : memref<1x1x16x128xf32, #tpu.memory_space<vmem>> -> memref<16x128xf32, #tpu.memory_space<vmem>>
    %dma_start3A_864 = arith.constant 0 : i32
    %dma_start3A_865 = tpu.memref_slice %arg4[%dma_start3A_864, %multiple_of3A_821] : memref<16x1000000xf32, #tpu.memory_space<hbm>> -> memref<16x128xf32, #tpu.memory_space<hbm>>
    tpu.enqueue_dma source(%dma_start3A_865 : memref<16x128xf32, #tpu.memory_space<hbm>>) target(%dma_start3A_863 : memref<16x128xf32, #tpu.memory_space<vmem>>) target_semaphore(%dma_start3A_859 : memref<!tpu.dma_semaphore, #tpu.memory_space<semaphore_mem>>)
    %dma_start3A_866 = arith.constant 8 : i32
    %dma_start3A_867 = arith.constant 1 : i32
    %dma_start3A_868 = arith.constant 8 : i32
    %dma_start3A_869 = arith.constant 0 : i32
    %dma_start3A_870 = arith.constant 0 : i32
    %dma_start3A_871 = tpu.memref_slice %arg12[%dma_start3A_866, %dma_start3A_867, %dma_start3A_869, %dma_start3A_870] : memref<16x2x16x128xf32, #tpu.memory_space<vmem>> -> memref<1x1x16x128xf32, #tpu.memory_space<vmem>>
    %dma_start3A_872 = tpu.memref_squeeze %dma_start3A_871 : memref<1x1x16x128xf32, #tpu.memory_space<vmem>> -> memref<16x128xf32, #tpu.memory_space<vmem>>
    %dma_start3A_873 = arith.constant 0 : i32
    %dma_start3A_874 = tpu.memref_slice %arg5[%dma_start3A_873, %multiple_of3A_848] : memref<16x1000000xf32, #tpu.memory_space<hbm>> -> memref<16x128xf32, #tpu.memory_space<hbm>>
    %dma_start3A_875 = tpu.memref_slice %arg17[%dma_start3A_868] : memref<16x!tpu.dma_semaphore, #tpu.memory_space<semaphore_mem>> -> memref<1x!tpu.dma_semaphore, #tpu.memory_space<semaphore_mem>>
    %dma_start3A_876 = tpu.memref_squeeze %dma_start3A_875 : memref<1x!tpu.dma_semaphore, #tpu.memory_space<semaphore_mem>> -> memref<!tpu.dma_semaphore, #tpu.memory_space<semaphore_mem>>
    %dma_start3A_877 = arith.constant 0 : i32
    %dma_start3A_878 = arith.constant 0 : i32
    %dma_start3A_879 = tpu.memref_slice %arg12[%dma_start3A_866, %dma_start3A_867, %dma_start3A_877, %dma_start3A_878] : memref<16x2x16x128xf32, #tpu.memory_space<vmem>> -> memref<1x1x16x128xf32, #tpu.memory_space<vmem>>
    %dma_start3A_880 = tpu.memref_squeeze %dma_start3A_879 : memref<1x1x16x128xf32, #tpu.memory_space<vmem>> -> memref<16x128xf32, #tpu.memory_space<vmem>>
    %dma_start3A_881 = arith.constant 0 : i32
    %dma_start3A_882 = tpu.memref_slice %arg5[%dma_start3A_881, %multiple_of3A_848] : memref<16x1000000xf32, #tpu.memory_space<hbm>> -> memref<16x128xf32, #tpu.memory_space<hbm>>
    tpu.enqueue_dma source(%dma_start3A_882 : memref<16x128xf32, #tpu.memory_space<hbm>>) target(%dma_start3A_880 : memref<16x128xf32, #tpu.memory_space<vmem>>) target_semaphore(%dma_start3A_876 : memref<!tpu.dma_semaphore, #tpu.memory_space<semaphore_mem>>)
    %broadcast_in_dim3A_883 = arith.constant 9 : i32
    %broadcast_in_dim3A_884 = vector.broadcast %broadcast_in_dim3A_883 : i32 to vector<16xi32>
    %gather3A_885 = tpu.vector_load_idx %arg10[%broadcast_in_dim3A_884] : memref<512xi32, #tpu.memory_space<vmem>>[vector<16xi32>], vector<16xi32>,
    %slice3A_886 = vector.extract_strided_slice %gather3A_885 {offsets = [0], sizes = [1], strides = [1]} : vector<16xi32> to vector<1xi32>
    %squeeze3A_887 = vector.extract %slice3A_886[0] : i32 from vector<1xi32>
    %broadcast_in_dim3A_888 = arith.constant 9 : i32
    %broadcast_in_dim3A_889 = vector.broadcast %broadcast_in_dim3A_888 : i32 to vector<16xi32>
    %gather3A_890 = tpu.vector_load_idx %arg11[%broadcast_in_dim3A_889] : memref<512xi32, #tpu.memory_space<vmem>>[vector<16xi32>], vector<16xi32>,
    %slice3A_891 = vector.extract_strided_slice %gather3A_890 {offsets = [0], sizes = [1], strides = [1]} : vector<16xi32> to vector<1xi32>
    %squeeze3A_892 = vector.extract %slice3A_891[0] : i32 from vector<1xi32>
    %jit3A_893 = arith.constant 128 : i32
    %div3A_894 = arith.divsi %squeeze3A_887, %jit3A_893 : i32
    %sign3A_895 = arith.constant 0 : i32
    %sign3A_896 = arith.cmpi sgt, %squeeze3A_887, %sign3A_895 : i32
    %sign3A_897 = arith.extui %sign3A_896 : i1 to i32
    %sign3A_898 = arith.constant 0 : i32
    %sign3A_899 = arith.cmpi slt, %squeeze3A_887, %sign3A_898 : i32
    %sign3A_900 = arith.extui %sign3A_899 : i1 to i32
    %sign3A_901 = arith.subi %sign3A_897, %sign3A_900 : i32
    %sign3A_902 = arith.constant 0 : i32
    %sign3A_903 = arith.cmpi sgt, %jit3A_893, %sign3A_902 : i32
    %sign3A_904 = arith.extui %sign3A_903 : i1 to i32
    %sign3A_905 = arith.constant 0 : i32
    %sign3A_906 = arith.cmpi slt, %jit3A_893, %sign3A_905 : i32
    %sign3A_907 = arith.extui %sign3A_906 : i1 to i32
    %sign3A_908 = arith.subi %sign3A_904, %sign3A_907 : i32
    %ne3A_909 = arith.cmpi ne, %sign3A_901, %sign3A_908 : i32
    %rem3A_910 = arith.remsi %squeeze3A_887, %jit3A_893 : i32
    %ne3A_911 = arith.constant 0 : i32
    %ne3A_912 = arith.cmpi ne, %rem3A_910, %ne3A_911 : i32
    %and3A_913 = arith.andi %ne3A_909, %ne3A_912 : i1
    %sub3A_914 = arith.constant 1 : i32
    %sub3A_915 = arith.subi %div3A_894, %sub3A_914 : i32
    %select_n3A_916 = arith.select %and3A_913, %sub3A_915, %div3A_894 : i32
    %mul3A_917 = arith.constant 128 : i32
    %mul3A_918 = arith.muli %select_n3A_916, %mul3A_917 : i32
    %multiple_of3A_919 = tpu.assume_multiple %mul3A_918, 128 : i32
    %jit3A_920 = arith.constant 128 : i32
    %div3A_921 = arith.divsi %squeeze3A_892, %jit3A_920 : i32
    %sign3A_922 = arith.constant 0 : i32
    %sign3A_923 = arith.cmpi sgt, %squeeze3A_892, %sign3A_922 : i32
    %sign3A_924 = arith.extui %sign3A_923 : i1 to i32
    %sign3A_925 = arith.constant 0 : i32
    %sign3A_926 = arith.cmpi slt, %squeeze3A_892, %sign3A_925 : i32
    %sign3A_927 = arith.extui %sign3A_926 : i1 to i32
    %sign3A_928 = arith.subi %sign3A_924, %sign3A_927 : i32
    %sign3A_929 = arith.constant 0 : i32
    %sign3A_930 = arith.cmpi sgt, %jit3A_920, %sign3A_929 : i32
    %sign3A_931 = arith.extui %sign3A_930 : i1 to i32
    %sign3A_932 = arith.constant 0 : i32
    %sign3A_933 = arith.cmpi slt, %jit3A_920, %sign3A_932 : i32
    %sign3A_934 = arith.extui %sign3A_933 : i1 to i32
    %sign3A_935 = arith.subi %sign3A_931, %sign3A_934 : i32
    %ne3A_936 = arith.cmpi ne, %sign3A_928, %sign3A_935 : i32
    %rem3A_937 = arith.remsi %squeeze3A_892, %jit3A_920 : i32
    %ne3A_938 = arith.constant 0 : i32
    %ne3A_939 = arith.cmpi ne, %rem3A_937, %ne3A_938 : i32
    %and3A_940 = arith.andi %ne3A_936, %ne3A_939 : i1
    %sub3A_941 = arith.constant 1 : i32
    %sub3A_942 = arith.subi %div3A_921, %sub3A_941 : i32
    %select_n3A_943 = arith.select %and3A_940, %sub3A_942, %div3A_921 : i32
    %mul3A_944 = arith.constant 128 : i32
    %mul3A_945 = arith.muli %select_n3A_943, %mul3A_944 : i32
    %multiple_of3A_946 = tpu.assume_multiple %mul3A_945, 128 : i32
    %dma_start3A_947 = arith.constant 9 : i32
    %dma_start3A_948 = arith.constant 0 : i32
    %dma_start3A_949 = arith.constant 9 : i32
    %dma_start3A_950 = arith.constant 0 : i32
    %dma_start3A_951 = arith.constant 0 : i32
    %dma_start3A_952 = tpu.memref_slice %arg12[%dma_start3A_947, %dma_start3A_948, %dma_start3A_950, %dma_start3A_951] : memref<16x2x16x128xf32, #tpu.memory_space<vmem>> -> memref<1x1x16x128xf32, #tpu.memory_space<vmem>>
    %dma_start3A_953 = tpu.memref_squeeze %dma_start3A_952 : memref<1x1x16x128xf32, #tpu.memory_space<vmem>> -> memref<16x128xf32, #tpu.memory_space<vmem>>
    %dma_start3A_954 = arith.constant 0 : i32
    %dma_start3A_955 = tpu.memref_slice %arg4[%dma_start3A_954, %multiple_of3A_919] : memref<16x1000000xf32, #tpu.memory_space<hbm>> -> memref<16x128xf32, #tpu.memory_space<hbm>>
    %dma_start3A_956 = tpu.memref_slice %arg17[%dma_start3A_949] : memref<16x!tpu.dma_semaphore, #tpu.memory_space<semaphore_mem>> -> memref<1x!tpu.dma_semaphore, #tpu.memory_space<semaphore_mem>>
    %dma_start3A_957 = tpu.memref_squeeze %dma_start3A_956 : memref<1x!tpu.dma_semaphore, #tpu.memory_space<semaphore_mem>> -> memref<!tpu.dma_semaphore, #tpu.memory_space<semaphore_mem>>
    %dma_start3A_958 = arith.constant 0 : i32
    %dma_start3A_959 = arith.constant 0 : i32
    %dma_start3A_960 = tpu.memref_slice %arg12[%dma_start3A_947, %dma_start3A_948, %dma_start3A_958, %dma_start3A_959] : memref<16x2x16x128xf32, #tpu.memory_space<vmem>> -> memref<1x1x16x128xf32, #tpu.memory_space<vmem>>
    %dma_start3A_961 = tpu.memref_squeeze %dma_start3A_960 : memref<1x1x16x128xf32, #tpu.memory_space<vmem>> -> memref<16x128xf32, #tpu.memory_space<vmem>>
    %dma_start3A_962 = arith.constant 0 : i32
    %dma_start3A_963 = tpu.memref_slice %arg4[%dma_start3A_962, %multiple_of3A_919] : memref<16x1000000xf32, #tpu.memory_space<hbm>> -> memref<16x128xf32, #tpu.memory_space<hbm>>
    tpu.enqueue_dma source(%dma_start3A_963 : memref<16x128xf32, #tpu.memory_space<hbm>>) target(%dma_start3A_961 : memref<16x128xf32, #tpu.memory_space<vmem>>) target_semaphore(%dma_start3A_957 : memref<!tpu.dma_semaphore, #tpu.memory_space<semaphore_mem>>)
    %dma_start3A_964 = arith.constant 9 : i32
    %dma_start3A_965 = arith.constant 1 : i32
    %dma_start3A_966 = arith.constant 9 : i32
    %dma_start3A_967 = arith.constant 0 : i32
    %dma_start3A_968 = arith.constant 0 : i32
    %dma_start3A_969 = tpu.memref_slice %arg12[%dma_start3A_964, %dma_start3A_965, %dma_start3A_967, %dma_start3A_968] : memref<16x2x16x128xf32, #tpu.memory_space<vmem>> -> memref<1x1x16x128xf32, #tpu.memory_space<vmem>>
    %dma_start3A_970 = tpu.memref_squeeze %dma_start3A_969 : memref<1x1x16x128xf32, #tpu.memory_space<vmem>> -> memref<16x128xf32, #tpu.memory_space<vmem>>
    %dma_start3A_971 = arith.constant 0 : i32
    %dma_start3A_972 = tpu.memref_slice %arg5[%dma_start3A_971, %multiple_of3A_946] : memref<16x1000000xf32, #tpu.memory_space<hbm>> -> memref<16x128xf32, #tpu.memory_space<hbm>>
    %dma_start3A_973 = tpu.memref_slice %arg17[%dma_start3A_966] : memref<16x!tpu.dma_semaphore, #tpu.memory_space<semaphore_mem>> -> memref<1x!tpu.dma_semaphore, #tpu.memory_space<semaphore_mem>>
    %dma_start3A_974 = tpu.memref_squeeze %dma_start3A_973 : memref<1x!tpu.dma_semaphore, #tpu.memory_space<semaphore_mem>> -> memref<!tpu.dma_semaphore, #tpu.memory_space<semaphore_mem>>
    %dma_start3A_975 = arith.constant 0 : i32
    %dma_start3A_976 = arith.constant 0 : i32
    %dma_start3A_977 = tpu.memref_slice %arg12[%dma_start3A_964, %dma_start3A_965, %dma_start3A_975, %dma_start3A_976] : memref<16x2x16x128xf32, #tpu.memory_space<vmem>> -> memref<1x1x16x128xf32, #tpu.memory_space<vmem>>
    %dma_start3A_978 = tpu.memref_squeeze %dma_start3A_977 : memref<1x1x16x128xf32, #tpu.memory_space<vmem>> -> memref<16x128xf32, #tpu.memory_space<vmem>>
    %dma_start3A_979 = arith.constant 0 : i32
    %dma_start3A_980 = tpu.memref_slice %arg5[%dma_start3A_979, %multiple_of3A_946] : memref<16x1000000xf32, #tpu.memory_space<hbm>> -> memref<16x128xf32, #tpu.memory_space<hbm>>
    tpu.enqueue_dma source(%dma_start3A_980 : memref<16x128xf32, #tpu.memory_space<hbm>>) target(%dma_start3A_978 : memref<16x128xf32, #tpu.memory_space<vmem>>) target_semaphore(%dma_start3A_974 : memref<!tpu.dma_semaphore, #tpu.memory_space<semaphore_mem>>)
    %broadcast_in_dim3A_981 = arith.constant 10 : i32
    %broadcast_in_dim3A_982 = vector.broadcast %broadcast_in_dim3A_981 : i32 to vector<16xi32>
    %gather3A_983 = tpu.vector_load_idx %arg10[%broadcast_in_dim3A_982] : memref<512xi32, #tpu.memory_space<vmem>>[vector<16xi32>], vector<16xi32>,
    %slice3A_984 = vector.extract_strided_slice %gather3A_983 {offsets = [0], sizes = [1], strides = [1]} : vector<16xi32> to vector<1xi32>
    %squeeze3A_985 = vector.extract %slice3A_984[0] : i32 from vector<1xi32>
    %broadcast_in_dim3A_986 = arith.constant 10 : i32
    %broadcast_in_dim3A_987 = vector.broadcast %broadcast_in_dim3A_986 : i32 to vector<16xi32>
    %gather3A_988 = tpu.vector_load_idx %arg11[%broadcast_in_dim3A_987] : memref<512xi32, #tpu.memory_space<vmem>>[vector<16xi32>], vector<16xi32>,
    %slice3A_989 = vector.extract_strided_slice %gather3A_988 {offsets = [0], sizes = [1], strides = [1]} : vector<16xi32> to vector<1xi32>
    %squeeze3A_990 = vector.extract %slice3A_989[0] : i32 from vector<1xi32>
    %jit3A_991 = arith.constant 128 : i32
    %div3A_992 = arith.divsi %squeeze3A_985, %jit3A_991 : i32
    %sign3A_993 = arith.constant 0 : i32
    %sign3A_994 = arith.cmpi sgt, %squeeze3A_985, %sign3A_993 : i32
    %sign3A_995 = arith.extui %sign3A_994 : i1 to i32
    %sign3A_996 = arith.constant 0 : i32
    %sign3A_997 = arith.cmpi slt, %squeeze3A_985, %sign3A_996 : i32
    %sign3A_998 = arith.extui %sign3A_997 : i1 to i32
    %sign3A_999 = arith.subi %sign3A_995, %sign3A_998 : i32
    %sign3A_1000 = arith.constant 0 : i32
    %sign3A_1001 = arith.cmpi sgt, %jit3A_991, %sign3A_1000 : i32
    %sign3A_1002 = arith.extui %sign3A_1001 : i1 to i32
    %sign3A_1003 = arith.constant 0 : i32
    %sign3A_1004 = arith.cmpi slt, %jit3A_991, %sign3A_1003 : i32
    %sign3A_1005 = arith.extui %sign3A_1004 : i1 to i32
    %sign3A_1006 = arith.subi %sign3A_1002, %sign3A_1005 : i32
    %ne3A_1007 = arith.cmpi ne, %sign3A_999, %sign3A_1006 : i32
    %rem3A_1008 = arith.remsi %squeeze3A_985, %jit3A_991 : i32
    %ne3A_1009 = arith.constant 0 : i32
    %ne3A_1010 = arith.cmpi ne, %rem3A_1008, %ne3A_1009 : i32
    %and3A_1011 = arith.andi %ne3A_1007, %ne3A_1010 : i1
    %sub3A_1012 = arith.constant 1 : i32
    %sub3A_1013 = arith.subi %div3A_992, %sub3A_1012 : i32
    %select_n3A_1014 = arith.select %and3A_1011, %sub3A_1013, %div3A_992 : i32
    %mul3A_1015 = arith.constant 128 : i32
    %mul3A_1016 = arith.muli %select_n3A_1014, %mul3A_1015 : i32
    %multiple_of3A_1017 = tpu.assume_multiple %mul3A_1016, 128 : i32
    %jit3A_1018 = arith.constant 128 : i32
    %div3A_1019 = arith.divsi %squeeze3A_990, %jit3A_1018 : i32
    %sign3A_1020 = arith.constant 0 : i32
    %sign3A_1021 = arith.cmpi sgt, %squeeze3A_990, %sign3A_1020 : i32
    %sign3A_1022 = arith.extui %sign3A_1021 : i1 to i32
    %sign3A_1023 = arith.constant 0 : i32
    %sign3A_1024 = arith.cmpi slt, %squeeze3A_990, %sign3A_1023 : i32
    %sign3A_1025 = arith.extui %sign3A_1024 : i1 to i32
    %sign3A_1026 = arith.subi %sign3A_1022, %sign3A_1025 : i32
    %sign3A_1027 = arith.constant 0 : i32
    %sign3A_1028 = arith.cmpi sgt, %jit3A_1018, %sign3A_1027 : i32
    %sign3A_1029 = arith.extui %sign3A_1028 : i1 to i32
    %sign3A_1030 = arith.constant 0 : i32
    %sign3A_1031 = arith.cmpi slt, %jit3A_1018, %sign3A_1030 : i32
    %sign3A_1032 = arith.extui %sign3A_1031 : i1 to i32
    %sign3A_1033 = arith.subi %sign3A_1029, %sign3A_1032 : i32
    %ne3A_1034 = arith.cmpi ne, %sign3A_1026, %sign3A_1033 : i32
    %rem3A_1035 = arith.remsi %squeeze3A_990, %jit3A_1018 : i32
    %ne3A_1036 = arith.constant 0 : i32
    %ne3A_1037 = arith.cmpi ne, %rem3A_1035, %ne3A_1036 : i32
    %and3A_1038 = arith.andi %ne3A_1034, %ne3A_1037 : i1
    %sub3A_1039 = arith.constant 1 : i32
    %sub3A_1040 = arith.subi %div3A_1019, %sub3A_1039 : i32
    %select_n3A_1041 = arith.select %and3A_1038, %sub3A_1040, %div3A_1019 : i32
    %mul3A_1042 = arith.constant 128 : i32
    %mul3A_1043 = arith.muli %select_n3A_1041, %mul3A_1042 : i32
    %multiple_of3A_1044 = tpu.assume_multiple %mul3A_1043, 128 : i32
    %dma_start3A_1045 = arith.constant 10 : i32
    %dma_start3A_1046 = arith.constant 0 : i32
    %dma_start3A_1047 = arith.constant 10 : i32
    %dma_start3A_1048 = arith.constant 0 : i32
    %dma_start3A_1049 = arith.constant 0 : i32
    %dma_start3A_1050 = tpu.memref_slice %arg12[%dma_start3A_1045, %dma_start3A_1046, %dma_start3A_1048, %dma_start3A_1049] : memref<16x2x16x128xf32, #tpu.memory_space<vmem>> -> memref<1x1x16x128xf32, #tpu.memory_space<vmem>>
    %dma_start3A_1051 = tpu.memref_squeeze %dma_start3A_1050 : memref<1x1x16x128xf32, #tpu.memory_space<vmem>> -> memref<16x128xf32, #tpu.memory_space<vmem>>
    %dma_start3A_1052 = arith.constant 0 : i32
    %dma_start3A_1053 = tpu.memref_slice %arg4[%dma_start3A_1052, %multiple_of3A_1017] : memref<16x1000000xf32, #tpu.memory_space<hbm>> -> memref<16x128xf32, #tpu.memory_space<hbm>>
    %dma_start3A_1054 = tpu.memref_slice %arg17[%dma_start3A_1047] : memref<16x!tpu.dma_semaphore, #tpu.memory_space<semaphore_mem>> -> memref<1x!tpu.dma_semaphore, #tpu.memory_space<semaphore_mem>>
    %dma_start3A_1055 = tpu.memref_squeeze %dma_start3A_1054 : memref<1x!tpu.dma_semaphore, #tpu.memory_space<semaphore_mem>> -> memref<!tpu.dma_semaphore, #tpu.memory_space<semaphore_mem>>
    %dma_start3A_1056 = arith.constant 0 : i32
    %dma_start3A_1057 = arith.constant 0 : i32
    %dma_start3A_1058 = tpu.memref_slice %arg12[%dma_start3A_1045, %dma_start3A_1046, %dma_start3A_1056, %dma_start3A_1057] : memref<16x2x16x128xf32, #tpu.memory_space<vmem>> -> memref<1x1x16x128xf32, #tpu.memory_space<vmem>>
    %dma_start3A_1059 = tpu.memref_squeeze %dma_start3A_1058 : memref<1x1x16x128xf32, #tpu.memory_space<vmem>> -> memref<16x128xf32, #tpu.memory_space<vmem>>
    %dma_start3A_1060 = arith.constant 0 : i32
    %dma_start3A_1061 = tpu.memref_slice %arg4[%dma_start3A_1060, %multiple_of3A_1017] : memref<16x1000000xf32, #tpu.memory_space<hbm>> -> memref<16x128xf32, #tpu.memory_space<hbm>>
    tpu.enqueue_dma source(%dma_start3A_1061 : memref<16x128xf32, #tpu.memory_space<hbm>>) target(%dma_start3A_1059 : memref<16x128xf32, #tpu.memory_space<vmem>>) target_semaphore(%dma_start3A_1055 : memref<!tpu.dma_semaphore, #tpu.memory_space<semaphore_mem>>)
    %dma_start3A_1062 = arith.constant 10 : i32
    %dma_start3A_1063 = arith.constant 1 : i32
    %dma_start3A_1064 = arith.constant 10 : i32
    %dma_start3A_1065 = arith.constant 0 : i32
    %dma_start3A_1066 = arith.constant 0 : i32
    %dma_start3A_1067 = tpu.memref_slice %arg12[%dma_start3A_1062, %dma_start3A_1063, %dma_start3A_1065, %dma_start3A_1066] : memref<16x2x16x128xf32, #tpu.memory_space<vmem>> -> memref<1x1x16x128xf32, #tpu.memory_space<vmem>>
    %dma_start3A_1068 = tpu.memref_squeeze %dma_start3A_1067 : memref<1x1x16x128xf32, #tpu.memory_space<vmem>> -> memref<16x128xf32, #tpu.memory_space<vmem>>
    %dma_start3A_1069 = arith.constant 0 : i32
    %dma_start3A_1070 = tpu.memref_slice %arg5[%dma_start3A_1069, %multiple_of3A_1044] : memref<16x1000000xf32, #tpu.memory_space<hbm>> -> memref<16x128xf32, #tpu.memory_space<hbm>>
    %dma_start3A_1071 = tpu.memref_slice %arg17[%dma_start3A_1064] : memref<16x!tpu.dma_semaphore, #tpu.memory_space<semaphore_mem>> -> memref<1x!tpu.dma_semaphore, #tpu.memory_space<semaphore_mem>>
    %dma_start3A_1072 = tpu.memref_squeeze %dma_start3A_1071 : memref<1x!tpu.dma_semaphore, #tpu.memory_space<semaphore_mem>> -> memref<!tpu.dma_semaphore, #tpu.memory_space<semaphore_mem>>
    %dma_start3A_1073 = arith.constant 0 : i32
    %dma_start3A_1074 = arith.constant 0 : i32
    %dma_start3A_1075 = tpu.memref_slice %arg12[%dma_start3A_1062, %dma_start3A_1063, %dma_start3A_1073, %dma_start3A_1074] : memref<16x2x16x128xf32, #tpu.memory_space<vmem>> -> memref<1x1x16x128xf32, #tpu.memory_space<vmem>>
    %dma_start3A_1076 = tpu.memref_squeeze %dma_start3A_1075 : memref<1x1x16x128xf32, #tpu.memory_space<vmem>> -> memref<16x128xf32, #tpu.memory_space<vmem>>
    %dma_start3A_1077 = arith.constant 0 : i32
    %dma_start3A_1078 = tpu.memref_slice %arg5[%dma_start3A_1077, %multiple_of3A_1044] : memref<16x1000000xf32, #tpu.memory_space<hbm>> -> memref<16x128xf32, #tpu.memory_space<hbm>>
    tpu.enqueue_dma source(%dma_start3A_1078 : memref<16x128xf32, #tpu.memory_space<hbm>>) target(%dma_start3A_1076 : memref<16x128xf32, #tpu.memory_space<vmem>>) target_semaphore(%dma_start3A_1072 : memref<!tpu.dma_semaphore, #tpu.memory_space<semaphore_mem>>)
    %broadcast_in_dim3A_1079 = arith.constant 11 : i32
    %broadcast_in_dim3A_1080 = vector.broadcast %broadcast_in_dim3A_1079 : i32 to vector<16xi32>
    %gather3A_1081 = tpu.vector_load_idx %arg10[%broadcast_in_dim3A_1080] : memref<512xi32, #tpu.memory_space<vmem>>[vector<16xi32>], vector<16xi32>,
    %slice3A_1082 = vector.extract_strided_slice %gather3A_1081 {offsets = [0], sizes = [1], strides = [1]} : vector<16xi32> to vector<1xi32>
    %squeeze3A_1083 = vector.extract %slice3A_1082[0] : i32 from vector<1xi32>
    %broadcast_in_dim3A_1084 = arith.constant 11 : i32
    %broadcast_in_dim3A_1085 = vector.broadcast %broadcast_in_dim3A_1084 : i32 to vector<16xi32>
    %gather3A_1086 = tpu.vector_load_idx %arg11[%broadcast_in_dim3A_1085] : memref<512xi32, #tpu.memory_space<vmem>>[vector<16xi32>], vector<16xi32>,
    %slice3A_1087 = vector.extract_strided_slice %gather3A_1086 {offsets = [0], sizes = [1], strides = [1]} : vector<16xi32> to vector<1xi32>
    %squeeze3A_1088 = vector.extract %slice3A_1087[0] : i32 from vector<1xi32>
    %jit3A_1089 = arith.constant 128 : i32
    %div3A_1090 = arith.divsi %squeeze3A_1083, %jit3A_1089 : i32
    %sign3A_1091 = arith.constant 0 : i32
    %sign3A_1092 = arith.cmpi sgt, %squeeze3A_1083, %sign3A_1091 : i32
    %sign3A_1093 = arith.extui %sign3A_1092 : i1 to i32
    %sign3A_1094 = arith.constant 0 : i32
    %sign3A_1095 = arith.cmpi slt, %squeeze3A_1083, %sign3A_1094 : i32
    %sign3A_1096 = arith.extui %sign3A_1095 : i1 to i32
    %sign3A_1097 = arith.subi %sign3A_1093, %sign3A_1096 : i32
    %sign3A_1098 = arith.constant 0 : i32
    %sign3A_1099 = arith.cmpi sgt, %jit3A_1089, %sign3A_1098 : i32
    %sign3A_1100 = arith.extui %sign3A_1099 : i1 to i32
    %sign3A_1101 = arith.constant 0 : i32
    %sign3A_1102 = arith.cmpi slt, %jit3A_1089, %sign3A_1101 : i32
    %sign3A_1103 = arith.extui %sign3A_1102 : i1 to i32
    %sign3A_1104 = arith.subi %sign3A_1100, %sign3A_1103 : i32
    %ne3A_1105 = arith.cmpi ne, %sign3A_1097, %sign3A_1104 : i32
    %rem3A_1106 = arith.remsi %squeeze3A_1083, %jit3A_1089 : i32
    %ne3A_1107 = arith.constant 0 : i32
    %ne3A_1108 = arith.cmpi ne, %rem3A_1106, %ne3A_1107 : i32
    %and3A_1109 = arith.andi %ne3A_1105, %ne3A_1108 : i1
    %sub3A_1110 = arith.constant 1 : i32
    %sub3A_1111 = arith.subi %div3A_1090, %sub3A_1110 : i32
    %select_n3A_1112 = arith.select %and3A_1109, %sub3A_1111, %div3A_1090 : i32
    %mul3A_1113 = arith.constant 128 : i32
    %mul3A_1114 = arith.muli %select_n3A_1112, %mul3A_1113 : i32
    %multiple_of3A_1115 = tpu.assume_multiple %mul3A_1114, 128 : i32
    %jit3A_1116 = arith.constant 128 : i32
    %div3A_1117 = arith.divsi %squeeze3A_1088, %jit3A_1116 : i32
    %sign3A_1118 = arith.constant 0 : i32
    %sign3A_1119 = arith.cmpi sgt, %squeeze3A_1088, %sign3A_1118 : i32
    %sign3A_1120 = arith.extui %sign3A_1119 : i1 to i32
    %sign3A_1121 = arith.constant 0 : i32
    %sign3A_1122 = arith.cmpi slt, %squeeze3A_1088, %sign3A_1121 : i32
    %sign3A_1123 = arith.extui %sign3A_1122 : i1 to i32
    %sign3A_1124 = arith.subi %sign3A_1120, %sign3A_1123 : i32
    %sign3A_1125 = arith.constant 0 : i32
    %sign3A_1126 = arith.cmpi sgt, %jit3A_1116, %sign3A_1125 : i32
    %sign3A_1127 = arith.extui %sign3A_1126 : i1 to i32
    %sign3A_1128 = arith.constant 0 : i32
    %sign3A_1129 = arith.cmpi slt, %jit3A_1116, %sign3A_1128 : i32
    %sign3A_1130 = arith.extui %sign3A_1129 : i1 to i32
    %sign3A_1131 = arith.subi %sign3A_1127, %sign3A_1130 : i32
    %ne3A_1132 = arith.cmpi ne, %sign3A_1124, %sign3A_1131 : i32
    %rem3A_1133 = arith.remsi %squeeze3A_1088, %jit3A_1116 : i32
    %ne3A_1134 = arith.constant 0 : i32
    %ne3A_1135 = arith.cmpi ne, %rem3A_1133, %ne3A_1134 : i32
    %and3A_1136 = arith.andi %ne3A_1132, %ne3A_1135 : i1
    %sub3A_1137 = arith.constant 1 : i32
    %sub3A_1138 = arith.subi %div3A_1117, %sub3A_1137 : i32
    %select_n3A_1139 = arith.select %and3A_1136, %sub3A_1138, %div3A_1117 : i32
    %mul3A_1140 = arith.constant 128 : i32
    %mul3A_1141 = arith.muli %select_n3A_1139, %mul3A_1140 : i32
    %multiple_of3A_1142 = tpu.assume_multiple %mul3A_1141, 128 : i32
    %dma_start3A_1143 = arith.constant 11 : i32
    %dma_start3A_1144 = arith.constant 0 : i32
    %dma_start3A_1145 = arith.constant 11 : i32
    %dma_start3A_1146 = arith.constant 0 : i32
    %dma_start3A_1147 = arith.constant 0 : i32
    %dma_start3A_1148 = tpu.memref_slice %arg12[%dma_start3A_1143, %dma_start3A_1144, %dma_start3A_1146, %dma_start3A_1147] : memref<16x2x16x128xf32, #tpu.memory_space<vmem>> -> memref<1x1x16x128xf32, #tpu.memory_space<vmem>>
    %dma_start3A_1149 = tpu.memref_squeeze %dma_start3A_1148 : memref<1x1x16x128xf32, #tpu.memory_space<vmem>> -> memref<16x128xf32, #tpu.memory_space<vmem>>
    %dma_start3A_1150 = arith.constant 0 : i32
    %dma_start3A_1151 = tpu.memref_slice %arg4[%dma_start3A_1150, %multiple_of3A_1115] : memref<16x1000000xf32, #tpu.memory_space<hbm>> -> memref<16x128xf32, #tpu.memory_space<hbm>>
    %dma_start3A_1152 = tpu.memref_slice %arg17[%dma_start3A_1145] : memref<16x!tpu.dma_semaphore, #tpu.memory_space<semaphore_mem>> -> memref<1x!tpu.dma_semaphore, #tpu.memory_space<semaphore_mem>>
    %dma_start3A_1153 = tpu.memref_squeeze %dma_start3A_1152 : memref<1x!tpu.dma_semaphore, #tpu.memory_space<semaphore_mem>> -> memref<!tpu.dma_semaphore, #tpu.memory_space<semaphore_mem>>
    %dma_start3A_1154 = arith.constant 0 : i32
    %dma_start3A_1155 = arith.constant 0 : i32
    %dma_start3A_1156 = tpu.memref_slice %arg12[%dma_start3A_1143, %dma_start3A_1144, %dma_start3A_1154, %dma_start3A_1155] : memref<16x2x16x128xf32, #tpu.memory_space<vmem>> -> memref<1x1x16x128xf32, #tpu.memory_space<vmem>>
    %dma_start3A_1157 = tpu.memref_squeeze %dma_start3A_1156 : memref<1x1x16x128xf32, #tpu.memory_space<vmem>> -> memref<16x128xf32, #tpu.memory_space<vmem>>
    %dma_start3A_1158 = arith.constant 0 : i32
    %dma_start3A_1159 = tpu.memref_slice %arg4[%dma_start3A_1158, %multiple_of3A_1115] : memref<16x1000000xf32, #tpu.memory_space<hbm>> -> memref<16x128xf32, #tpu.memory_space<hbm>>
    tpu.enqueue_dma source(%dma_start3A_1159 : memref<16x128xf32, #tpu.memory_space<hbm>>) target(%dma_start3A_1157 : memref<16x128xf32, #tpu.memory_space<vmem>>) target_semaphore(%dma_start3A_1153 : memref<!tpu.dma_semaphore, #tpu.memory_space<semaphore_mem>>)
    %dma_start3A_1160 = arith.constant 11 : i32
    %dma_start3A_1161 = arith.constant 1 : i32
    %dma_start3A_1162 = arith.constant 11 : i32
    %dma_start3A_1163 = arith.constant 0 : i32
    %dma_start3A_1164 = arith.constant 0 : i32
    %dma_start3A_1165 = tpu.memref_slice %arg12[%dma_start3A_1160, %dma_start3A_1161, %dma_start3A_1163, %dma_start3A_1164] : memref<16x2x16x128xf32, #tpu.memory_space<vmem>> -> memref<1x1x16x128xf32, #tpu.memory_space<vmem>>
    %dma_start3A_1166 = tpu.memref_squeeze %dma_start3A_1165 : memref<1x1x16x128xf32, #tpu.memory_space<vmem>> -> memref<16x128xf32, #tpu.memory_space<vmem>>
    %dma_start3A_1167 = arith.constant 0 : i32
    %dma_start3A_1168 = tpu.memref_slice %arg5[%dma_start3A_1167, %multiple_of3A_1142] : memref<16x1000000xf32, #tpu.memory_space<hbm>> -> memref<16x128xf32, #tpu.memory_space<hbm>>
    %dma_start3A_1169 = tpu.memref_slice %arg17[%dma_start3A_1162] : memref<16x!tpu.dma_semaphore, #tpu.memory_space<semaphore_mem>> -> memref<1x!tpu.dma_semaphore, #tpu.memory_space<semaphore_mem>>
    %dma_start3A_1170 = tpu.memref_squeeze %dma_start3A_1169 : memref<1x!tpu.dma_semaphore, #tpu.memory_space<semaphore_mem>> -> memref<!tpu.dma_semaphore, #tpu.memory_space<semaphore_mem>>
    %dma_start3A_1171 = arith.constant 0 : i32
    %dma_start3A_1172 = arith.constant 0 : i32
    %dma_start3A_1173 = tpu.memref_slice %arg12[%dma_start3A_1160, %dma_start3A_1161, %dma_start3A_1171, %dma_start3A_1172] : memref<16x2x16x128xf32, #tpu.memory_space<vmem>> -> memref<1x1x16x128xf32, #tpu.memory_space<vmem>>
    %dma_start3A_1174 = tpu.memref_squeeze %dma_start3A_1173 : memref<1x1x16x128xf32, #tpu.memory_space<vmem>> -> memref<16x128xf32, #tpu.memory_space<vmem>>
    %dma_start3A_1175 = arith.constant 0 : i32
    %dma_start3A_1176 = tpu.memref_slice %arg5[%dma_start3A_1175, %multiple_of3A_1142] : memref<16x1000000xf32, #tpu.memory_space<hbm>> -> memref<16x128xf32, #tpu.memory_space<hbm>>
    tpu.enqueue_dma source(%dma_start3A_1176 : memref<16x128xf32, #tpu.memory_space<hbm>>) target(%dma_start3A_1174 : memref<16x128xf32, #tpu.memory_space<vmem>>) target_semaphore(%dma_start3A_1170 : memref<!tpu.dma_semaphore, #tpu.memory_space<semaphore_mem>>)
    %broadcast_in_dim3A_1177 = arith.constant 12 : i32
    %broadcast_in_dim3A_1178 = vector.broadcast %broadcast_in_dim3A_1177 : i32 to vector<16xi32>
    %gather3A_1179 = tpu.vector_load_idx %arg10[%broadcast_in_dim3A_1178] : memref<512xi32, #tpu.memory_space<vmem>>[vector<16xi32>], vector<16xi32>,
    %slice3A_1180 = vector.extract_strided_slice %gather3A_1179 {offsets = [0], sizes = [1], strides = [1]} : vector<16xi32> to vector<1xi32>
    %squeeze3A_1181 = vector.extract %slice3A_1180[0] : i32 from vector<1xi32>
    %broadcast_in_dim3A_1182 = arith.constant 12 : i32
    %broadcast_in_dim3A_1183 = vector.broadcast %broadcast_in_dim3A_1182 : i32 to vector<16xi32>
    %gather3A_1184 = tpu.vector_load_idx %arg11[%broadcast_in_dim3A_1183] : memref<512xi32, #tpu.memory_space<vmem>>[vector<16xi32>], vector<16xi32>,
    %slice3A_1185 = vector.extract_strided_slice %gather3A_1184 {offsets = [0], sizes = [1], strides = [1]} : vector<16xi32> to vector<1xi32>
    %squeeze3A_1186 = vector.extract %slice3A_1185[0] : i32 from vector<1xi32>
    %jit3A_1187 = arith.constant 128 : i32
    %div3A_1188 = arith.divsi %squeeze3A_1181, %jit3A_1187 : i32
    %sign3A_1189 = arith.constant 0 : i32
    %sign3A_1190 = arith.cmpi sgt, %squeeze3A_1181, %sign3A_1189 : i32
    %sign3A_1191 = arith.extui %sign3A_1190 : i1 to i32
    %sign3A_1192 = arith.constant 0 : i32
    %sign3A_1193 = arith.cmpi slt, %squeeze3A_1181, %sign3A_1192 : i32
    %sign3A_1194 = arith.extui %sign3A_1193 : i1 to i32
    %sign3A_1195 = arith.subi %sign3A_1191, %sign3A_1194 : i32
    %sign3A_1196 = arith.constant 0 : i32
    %sign3A_1197 = arith.cmpi sgt, %jit3A_1187, %sign3A_1196 : i32
    %sign3A_1198 = arith.extui %sign3A_1197 : i1 to i32
    %sign3A_1199 = arith.constant 0 : i32
    %sign3A_1200 = arith.cmpi slt, %jit3A_1187, %sign3A_1199 : i32
    %sign3A_1201 = arith.extui %sign3A_1200 : i1 to i32
    %sign3A_1202 = arith.subi %sign3A_1198, %sign3A_1201 : i32
    %ne3A_1203 = arith.cmpi ne, %sign3A_1195, %sign3A_1202 : i32
    %rem3A_1204 = arith.remsi %squeeze3A_1181, %jit3A_1187 : i32
    %ne3A_1205 = arith.constant 0 : i32
    %ne3A_1206 = arith.cmpi ne, %rem3A_1204, %ne3A_1205 : i32
    %and3A_1207 = arith.andi %ne3A_1203, %ne3A_1206 : i1
    %sub3A_1208 = arith.constant 1 : i32
    %sub3A_1209 = arith.subi %div3A_1188, %sub3A_1208 : i32
    %select_n3A_1210 = arith.select %and3A_1207, %sub3A_1209, %div3A_1188 : i32
    %mul3A_1211 = arith.constant 128 : i32
    %mul3A_1212 = arith.muli %select_n3A_1210, %mul3A_1211 : i32
    %multiple_of3A_1213 = tpu.assume_multiple %mul3A_1212, 128 : i32
    %jit3A_1214 = arith.constant 128 : i32
    %div3A_1215 = arith.divsi %squeeze3A_1186, %jit3A_1214 : i32
    %sign3A_1216 = arith.constant 0 : i32
    %sign3A_1217 = arith.cmpi sgt, %squeeze3A_1186, %sign3A_1216 : i32
    %sign3A_1218 = arith.extui %sign3A_1217 : i1 to i32
    %sign3A_1219 = arith.constant 0 : i32
    %sign3A_1220 = arith.cmpi slt, %squeeze3A_1186, %sign3A_1219 : i32
    %sign3A_1221 = arith.extui %sign3A_1220 : i1 to i32
    %sign3A_1222 = arith.subi %sign3A_1218, %sign3A_1221 : i32
    %sign3A_1223 = arith.constant 0 : i32
    %sign3A_1224 = arith.cmpi sgt, %jit3A_1214, %sign3A_1223 : i32
    %sign3A_1225 = arith.extui %sign3A_1224 : i1 to i32
    %sign3A_1226 = arith.constant 0 : i32
    %sign3A_1227 = arith.cmpi slt, %jit3A_1214, %sign3A_1226 : i32
    %sign3A_1228 = arith.extui %sign3A_1227 : i1 to i32
    %sign3A_1229 = arith.subi %sign3A_1225, %sign3A_1228 : i32
    %ne3A_1230 = arith.cmpi ne, %sign3A_1222, %sign3A_1229 : i32
    %rem3A_1231 = arith.remsi %squeeze3A_1186, %jit3A_1214 : i32
    %ne3A_1232 = arith.constant 0 : i32
    %ne3A_1233 = arith.cmpi ne, %rem3A_1231, %ne3A_1232 : i32
    %and3A_1234 = arith.andi %ne3A_1230, %ne3A_1233 : i1
    %sub3A_1235 = arith.constant 1 : i32
    %sub3A_1236 = arith.subi %div3A_1215, %sub3A_1235 : i32
    %select_n3A_1237 = arith.select %and3A_1234, %sub3A_1236, %div3A_1215 : i32
    %mul3A_1238 = arith.constant 128 : i32
    %mul3A_1239 = arith.muli %select_n3A_1237, %mul3A_1238 : i32
    %multiple_of3A_1240 = tpu.assume_multiple %mul3A_1239, 128 : i32
    %dma_start3A_1241 = arith.constant 12 : i32
    %dma_start3A_1242 = arith.constant 0 : i32
    %dma_start3A_1243 = arith.constant 12 : i32
    %dma_start3A_1244 = arith.constant 0 : i32
    %dma_start3A_1245 = arith.constant 0 : i32
    %dma_start3A_1246 = tpu.memref_slice %arg12[%dma_start3A_1241, %dma_start3A_1242, %dma_start3A_1244, %dma_start3A_1245] : memref<16x2x16x128xf32, #tpu.memory_space<vmem>> -> memref<1x1x16x128xf32, #tpu.memory_space<vmem>>
    %dma_start3A_1247 = tpu.memref_squeeze %dma_start3A_1246 : memref<1x1x16x128xf32, #tpu.memory_space<vmem>> -> memref<16x128xf32, #tpu.memory_space<vmem>>
    %dma_start3A_1248 = arith.constant 0 : i32
    %dma_start3A_1249 = tpu.memref_slice %arg4[%dma_start3A_1248, %multiple_of3A_1213] : memref<16x1000000xf32, #tpu.memory_space<hbm>> -> memref<16x128xf32, #tpu.memory_space<hbm>>
    %dma_start3A_1250 = tpu.memref_slice %arg17[%dma_start3A_1243] : memref<16x!tpu.dma_semaphore, #tpu.memory_space<semaphore_mem>> -> memref<1x!tpu.dma_semaphore, #tpu.memory_space<semaphore_mem>>
    %dma_start3A_1251 = tpu.memref_squeeze %dma_start3A_1250 : memref<1x!tpu.dma_semaphore, #tpu.memory_space<semaphore_mem>> -> memref<!tpu.dma_semaphore, #tpu.memory_space<semaphore_mem>>
    %dma_start3A_1252 = arith.constant 0 : i32
    %dma_start3A_1253 = arith.constant 0 : i32
    %dma_start3A_1254 = tpu.memref_slice %arg12[%dma_start3A_1241, %dma_start3A_1242, %dma_start3A_1252, %dma_start3A_1253] : memref<16x2x16x128xf32, #tpu.memory_space<vmem>> -> memref<1x1x16x128xf32, #tpu.memory_space<vmem>>
    %dma_start3A_1255 = tpu.memref_squeeze %dma_start3A_1254 : memref<1x1x16x128xf32, #tpu.memory_space<vmem>> -> memref<16x128xf32, #tpu.memory_space<vmem>>
    %dma_start3A_1256 = arith.constant 0 : i32
    %dma_start3A_1257 = tpu.memref_slice %arg4[%dma_start3A_1256, %multiple_of3A_1213] : memref<16x1000000xf32, #tpu.memory_space<hbm>> -> memref<16x128xf32, #tpu.memory_space<hbm>>
    tpu.enqueue_dma source(%dma_start3A_1257 : memref<16x128xf32, #tpu.memory_space<hbm>>) target(%dma_start3A_1255 : memref<16x128xf32, #tpu.memory_space<vmem>>) target_semaphore(%dma_start3A_1251 : memref<!tpu.dma_semaphore, #tpu.memory_space<semaphore_mem>>)
    %dma_start3A_1258 = arith.constant 12 : i32
    %dma_start3A_1259 = arith.constant 1 : i32
    %dma_start3A_1260 = arith.constant 12 : i32
    %dma_start3A_1261 = arith.constant 0 : i32
    %dma_start3A_1262 = arith.constant 0 : i32
    %dma_start3A_1263 = tpu.memref_slice %arg12[%dma_start3A_1258, %dma_start3A_1259, %dma_start3A_1261, %dma_start3A_1262] : memref<16x2x16x128xf32, #tpu.memory_space<vmem>> -> memref<1x1x16x128xf32, #tpu.memory_space<vmem>>
    %dma_start3A_1264 = tpu.memref_squeeze %dma_start3A_1263 : memref<1x1x16x128xf32, #tpu.memory_space<vmem>> -> memref<16x128xf32, #tpu.memory_space<vmem>>
    %dma_start3A_1265 = arith.constant 0 : i32
    %dma_start3A_1266 = tpu.memref_slice %arg5[%dma_start3A_1265, %multiple_of3A_1240] : memref<16x1000000xf32, #tpu.memory_space<hbm>> -> memref<16x128xf32, #tpu.memory_space<hbm>>
    %dma_start3A_1267 = tpu.memref_slice %arg17[%dma_start3A_1260] : memref<16x!tpu.dma_semaphore, #tpu.memory_space<semaphore_mem>> -> memref<1x!tpu.dma_semaphore, #tpu.memory_space<semaphore_mem>>
    %dma_start3A_1268 = tpu.memref_squeeze %dma_start3A_1267 : memref<1x!tpu.dma_semaphore, #tpu.memory_space<semaphore_mem>> -> memref<!tpu.dma_semaphore, #tpu.memory_space<semaphore_mem>>
    %dma_start3A_1269 = arith.constant 0 : i32
    %dma_start3A_1270 = arith.constant 0 : i32
    %dma_start3A_1271 = tpu.memref_slice %arg12[%dma_start3A_1258, %dma_start3A_1259, %dma_start3A_1269, %dma_start3A_1270] : memref<16x2x16x128xf32, #tpu.memory_space<vmem>> -> memref<1x1x16x128xf32, #tpu.memory_space<vmem>>
    %dma_start3A_1272 = tpu.memref_squeeze %dma_start3A_1271 : memref<1x1x16x128xf32, #tpu.memory_space<vmem>> -> memref<16x128xf32, #tpu.memory_space<vmem>>
    %dma_start3A_1273 = arith.constant 0 : i32
    %dma_start3A_1274 = tpu.memref_slice %arg5[%dma_start3A_1273, %multiple_of3A_1240] : memref<16x1000000xf32, #tpu.memory_space<hbm>> -> memref<16x128xf32, #tpu.memory_space<hbm>>
    tpu.enqueue_dma source(%dma_start3A_1274 : memref<16x128xf32, #tpu.memory_space<hbm>>) target(%dma_start3A_1272 : memref<16x128xf32, #tpu.memory_space<vmem>>) target_semaphore(%dma_start3A_1268 : memref<!tpu.dma_semaphore, #tpu.memory_space<semaphore_mem>>)
    %broadcast_in_dim3A_1275 = arith.constant 13 : i32
    %broadcast_in_dim3A_1276 = vector.broadcast %broadcast_in_dim3A_1275 : i32 to vector<16xi32>
    %gather3A_1277 = tpu.vector_load_idx %arg10[%broadcast_in_dim3A_1276] : memref<512xi32, #tpu.memory_space<vmem>>[vector<16xi32>], vector<16xi32>,
    %slice3A_1278 = vector.extract_strided_slice %gather3A_1277 {offsets = [0], sizes = [1], strides = [1]} : vector<16xi32> to vector<1xi32>
    %squeeze3A_1279 = vector.extract %slice3A_1278[0] : i32 from vector<1xi32>
    %broadcast_in_dim3A_1280 = arith.constant 13 : i32
    %broadcast_in_dim3A_1281 = vector.broadcast %broadcast_in_dim3A_1280 : i32 to vector<16xi32>
    %gather3A_1282 = tpu.vector_load_idx %arg11[%broadcast_in_dim3A_1281] : memref<512xi32, #tpu.memory_space<vmem>>[vector<16xi32>], vector<16xi32>,
    %slice3A_1283 = vector.extract_strided_slice %gather3A_1282 {offsets = [0], sizes = [1], strides = [1]} : vector<16xi32> to vector<1xi32>
    %squeeze3A_1284 = vector.extract %slice3A_1283[0] : i32 from vector<1xi32>
    %jit3A_1285 = arith.constant 128 : i32
    %div3A_1286 = arith.divsi %squeeze3A_1279, %jit3A_1285 : i32
    %sign3A_1287 = arith.constant 0 : i32
    %sign3A_1288 = arith.cmpi sgt, %squeeze3A_1279, %sign3A_1287 : i32
    %sign3A_1289 = arith.extui %sign3A_1288 : i1 to i32
    %sign3A_1290 = arith.constant 0 : i32
    %sign3A_1291 = arith.cmpi slt, %squeeze3A_1279, %sign3A_1290 : i32
    %sign3A_1292 = arith.extui %sign3A_1291 : i1 to i32
    %sign3A_1293 = arith.subi %sign3A_1289, %sign3A_1292 : i32
    %sign3A_1294 = arith.constant 0 : i32
    %sign3A_1295 = arith.cmpi sgt, %jit3A_1285, %sign3A_1294 : i32
    %sign3A_1296 = arith.extui %sign3A_1295 : i1 to i32
    %sign3A_1297 = arith.constant 0 : i32
    %sign3A_1298 = arith.cmpi slt, %jit3A_1285, %sign3A_1297 : i32
    %sign3A_1299 = arith.extui %sign3A_1298 : i1 to i32
    %sign3A_1300 = arith.subi %sign3A_1296, %sign3A_1299 : i32
    %ne3A_1301 = arith.cmpi ne, %sign3A_1293, %sign3A_1300 : i32
    %rem3A_1302 = arith.remsi %squeeze3A_1279, %jit3A_1285 : i32
    %ne3A_1303 = arith.constant 0 : i32
    %ne3A_1304 = arith.cmpi ne, %rem3A_1302, %ne3A_1303 : i32
    %and3A_1305 = arith.andi %ne3A_1301, %ne3A_1304 : i1
    %sub3A_1306 = arith.constant 1 : i32
    %sub3A_1307 = arith.subi %div3A_1286, %sub3A_1306 : i32
    %select_n3A_1308 = arith.select %and3A_1305, %sub3A_1307, %div3A_1286 : i32
    %mul3A_1309 = arith.constant 128 : i32
    %mul3A_1310 = arith.muli %select_n3A_1308, %mul3A_1309 : i32
    %multiple_of3A_1311 = tpu.assume_multiple %mul3A_1310, 128 : i32
    %jit3A_1312 = arith.constant 128 : i32
    %div3A_1313 = arith.divsi %squeeze3A_1284, %jit3A_1312 : i32
    %sign3A_1314 = arith.constant 0 : i32
    %sign3A_1315 = arith.cmpi sgt, %squeeze3A_1284, %sign3A_1314 : i32
    %sign3A_1316 = arith.extui %sign3A_1315 : i1 to i32
    %sign3A_1317 = arith.constant 0 : i32
    %sign3A_1318 = arith.cmpi slt, %squeeze3A_1284, %sign3A_1317 : i32
    %sign3A_1319 = arith.extui %sign3A_1318 : i1 to i32
    %sign3A_1320 = arith.subi %sign3A_1316, %sign3A_1319 : i32
    %sign3A_1321 = arith.constant 0 : i32
    %sign3A_1322 = arith.cmpi sgt, %jit3A_1312, %sign3A_1321 : i32
    %sign3A_1323 = arith.extui %sign3A_1322 : i1 to i32
    %sign3A_1324 = arith.constant 0 : i32
    %sign3A_1325 = arith.cmpi slt, %jit3A_1312, %sign3A_1324 : i32
    %sign3A_1326 = arith.extui %sign3A_1325 : i1 to i32
    %sign3A_1327 = arith.subi %sign3A_1323, %sign3A_1326 : i32
    %ne3A_1328 = arith.cmpi ne, %sign3A_1320, %sign3A_1327 : i32
    %rem3A_1329 = arith.remsi %squeeze3A_1284, %jit3A_1312 : i32
    %ne3A_1330 = arith.constant 0 : i32
    %ne3A_1331 = arith.cmpi ne, %rem3A_1329, %ne3A_1330 : i32
    %and3A_1332 = arith.andi %ne3A_1328, %ne3A_1331 : i1
    %sub3A_1333 = arith.constant 1 : i32
    %sub3A_1334 = arith.subi %div3A_1313, %sub3A_1333 : i32
    %select_n3A_1335 = arith.select %and3A_1332, %sub3A_1334, %div3A_1313 : i32
    %mul3A_1336 = arith.constant 128 : i32
    %mul3A_1337 = arith.muli %select_n3A_1335, %mul3A_1336 : i32
    %multiple_of3A_1338 = tpu.assume_multiple %mul3A_1337, 128 : i32
    %dma_start3A_1339 = arith.constant 13 : i32
    %dma_start3A_1340 = arith.constant 0 : i32
    %dma_start3A_1341 = arith.constant 13 : i32
    %dma_start3A_1342 = arith.constant 0 : i32
    %dma_start3A_1343 = arith.constant 0 : i32
    %dma_start3A_1344 = tpu.memref_slice %arg12[%dma_start3A_1339, %dma_start3A_1340, %dma_start3A_1342, %dma_start3A_1343] : memref<16x2x16x128xf32, #tpu.memory_space<vmem>> -> memref<1x1x16x128xf32, #tpu.memory_space<vmem>>
    %dma_start3A_1345 = tpu.memref_squeeze %dma_start3A_1344 : memref<1x1x16x128xf32, #tpu.memory_space<vmem>> -> memref<16x128xf32, #tpu.memory_space<vmem>>
    %dma_start3A_1346 = arith.constant 0 : i32
    %dma_start3A_1347 = tpu.memref_slice %arg4[%dma_start3A_1346, %multiple_of3A_1311] : memref<16x1000000xf32, #tpu.memory_space<hbm>> -> memref<16x128xf32, #tpu.memory_space<hbm>>
    %dma_start3A_1348 = tpu.memref_slice %arg17[%dma_start3A_1341] : memref<16x!tpu.dma_semaphore, #tpu.memory_space<semaphore_mem>> -> memref<1x!tpu.dma_semaphore, #tpu.memory_space<semaphore_mem>>
    %dma_start3A_1349 = tpu.memref_squeeze %dma_start3A_1348 : memref<1x!tpu.dma_semaphore, #tpu.memory_space<semaphore_mem>> -> memref<!tpu.dma_semaphore, #tpu.memory_space<semaphore_mem>>
    %dma_start3A_1350 = arith.constant 0 : i32
    %dma_start3A_1351 = arith.constant 0 : i32
    %dma_start3A_1352 = tpu.memref_slice %arg12[%dma_start3A_1339, %dma_start3A_1340, %dma_start3A_1350, %dma_start3A_1351] : memref<16x2x16x128xf32, #tpu.memory_space<vmem>> -> memref<1x1x16x128xf32, #tpu.memory_space<vmem>>
    %dma_start3A_1353 = tpu.memref_squeeze %dma_start3A_1352 : memref<1x1x16x128xf32, #tpu.memory_space<vmem>> -> memref<16x128xf32, #tpu.memory_space<vmem>>
    %dma_start3A_1354 = arith.constant 0 : i32
    %dma_start3A_1355 = tpu.memref_slice %arg4[%dma_start3A_1354, %multiple_of3A_1311] : memref<16x1000000xf32, #tpu.memory_space<hbm>> -> memref<16x128xf32, #tpu.memory_space<hbm>>
    tpu.enqueue_dma source(%dma_start3A_1355 : memref<16x128xf32, #tpu.memory_space<hbm>>) target(%dma_start3A_1353 : memref<16x128xf32, #tpu.memory_space<vmem>>) target_semaphore(%dma_start3A_1349 : memref<!tpu.dma_semaphore, #tpu.memory_space<semaphore_mem>>)
    %dma_start3A_1356 = arith.constant 13 : i32
    %dma_start3A_1357 = arith.constant 1 : i32
    %dma_start3A_1358 = arith.constant 13 : i32
    %dma_start3A_1359 = arith.constant 0 : i32
    %dma_start3A_1360 = arith.constant 0 : i32
    %dma_start3A_1361 = tpu.memref_slice %arg12[%dma_start3A_1356, %dma_start3A_1357, %dma_start3A_1359, %dma_start3A_1360] : memref<16x2x16x128xf32, #tpu.memory_space<vmem>> -> memref<1x1x16x128xf32, #tpu.memory_space<vmem>>
    %dma_start3A_1362 = tpu.memref_squeeze %dma_start3A_1361 : memref<1x1x16x128xf32, #tpu.memory_space<vmem>> -> memref<16x128xf32, #tpu.memory_space<vmem>>
    %dma_start3A_1363 = arith.constant 0 : i32
    %dma_start3A_1364 = tpu.memref_slice %arg5[%dma_start3A_1363, %multiple_of3A_1338] : memref<16x1000000xf32, #tpu.memory_space<hbm>> -> memref<16x128xf32, #tpu.memory_space<hbm>>
    %dma_start3A_1365 = tpu.memref_slice %arg17[%dma_start3A_1358] : memref<16x!tpu.dma_semaphore, #tpu.memory_space<semaphore_mem>> -> memref<1x!tpu.dma_semaphore, #tpu.memory_space<semaphore_mem>>
    %dma_start3A_1366 = tpu.memref_squeeze %dma_start3A_1365 : memref<1x!tpu.dma_semaphore, #tpu.memory_space<semaphore_mem>> -> memref<!tpu.dma_semaphore, #tpu.memory_space<semaphore_mem>>
    %dma_start3A_1367 = arith.constant 0 : i32
    %dma_start3A_1368 = arith.constant 0 : i32
    %dma_start3A_1369 = tpu.memref_slice %arg12[%dma_start3A_1356, %dma_start3A_1357, %dma_start3A_1367, %dma_start3A_1368] : memref<16x2x16x128xf32, #tpu.memory_space<vmem>> -> memref<1x1x16x128xf32, #tpu.memory_space<vmem>>
    %dma_start3A_1370 = tpu.memref_squeeze %dma_start3A_1369 : memref<1x1x16x128xf32, #tpu.memory_space<vmem>> -> memref<16x128xf32, #tpu.memory_space<vmem>>
    %dma_start3A_1371 = arith.constant 0 : i32
    %dma_start3A_1372 = tpu.memref_slice %arg5[%dma_start3A_1371, %multiple_of3A_1338] : memref<16x1000000xf32, #tpu.memory_space<hbm>> -> memref<16x128xf32, #tpu.memory_space<hbm>>
    tpu.enqueue_dma source(%dma_start3A_1372 : memref<16x128xf32, #tpu.memory_space<hbm>>) target(%dma_start3A_1370 : memref<16x128xf32, #tpu.memory_space<vmem>>) target_semaphore(%dma_start3A_1366 : memref<!tpu.dma_semaphore, #tpu.memory_space<semaphore_mem>>)
    %broadcast_in_dim3A_1373 = arith.constant 14 : i32
    %broadcast_in_dim3A_1374 = vector.broadcast %broadcast_in_dim3A_1373 : i32 to vector<16xi32>
    %gather3A_1375 = tpu.vector_load_idx %arg10[%broadcast_in_dim3A_1374] : memref<512xi32, #tpu.memory_space<vmem>>[vector<16xi32>], vector<16xi32>,
    %slice3A_1376 = vector.extract_strided_slice %gather3A_1375 {offsets = [0], sizes = [1], strides = [1]} : vector<16xi32> to vector<1xi32>
    %squeeze3A_1377 = vector.extract %slice3A_1376[0] : i32 from vector<1xi32>
    %broadcast_in_dim3A_1378 = arith.constant 14 : i32
    %broadcast_in_dim3A_1379 = vector.broadcast %broadcast_in_dim3A_1378 : i32 to vector<16xi32>
    %gather3A_1380 = tpu.vector_load_idx %arg11[%broadcast_in_dim3A_1379] : memref<512xi32, #tpu.memory_space<vmem>>[vector<16xi32>], vector<16xi32>,
    %slice3A_1381 = vector.extract_strided_slice %gather3A_1380 {offsets = [0], sizes = [1], strides = [1]} : vector<16xi32> to vector<1xi32>
    %squeeze3A_1382 = vector.extract %slice3A_1381[0] : i32 from vector<1xi32>
    %jit3A_1383 = arith.constant 128 : i32
    %div3A_1384 = arith.divsi %squeeze3A_1377, %jit3A_1383 : i32
    %sign3A_1385 = arith.constant 0 : i32
    %sign3A_1386 = arith.cmpi sgt, %squeeze3A_1377, %sign3A_1385 : i32
    %sign3A_1387 = arith.extui %sign3A_1386 : i1 to i32
    %sign3A_1388 = arith.constant 0 : i32
    %sign3A_1389 = arith.cmpi slt, %squeeze3A_1377, %sign3A_1388 : i32
    %sign3A_1390 = arith.extui %sign3A_1389 : i1 to i32
    %sign3A_1391 = arith.subi %sign3A_1387, %sign3A_1390 : i32
    %sign3A_1392 = arith.constant 0 : i32
    %sign3A_1393 = arith.cmpi sgt, %jit3A_1383, %sign3A_1392 : i32
    %sign3A_1394 = arith.extui %sign3A_1393 : i1 to i32
    %sign3A_1395 = arith.constant 0 : i32
    %sign3A_1396 = arith.cmpi slt, %jit3A_1383, %sign3A_1395 : i32
    %sign3A_1397 = arith.extui %sign3A_1396 : i1 to i32
    %sign3A_1398 = arith.subi %sign3A_1394, %sign3A_1397 : i32
    %ne3A_1399 = arith.cmpi ne, %sign3A_1391, %sign3A_1398 : i32
    %rem3A_1400 = arith.remsi %squeeze3A_1377, %jit3A_1383 : i32
    %ne3A_1401 = arith.constant 0 : i32
    %ne3A_1402 = arith.cmpi ne, %rem3A_1400, %ne3A_1401 : i32
    %and3A_1403 = arith.andi %ne3A_1399, %ne3A_1402 : i1
    %sub3A_1404 = arith.constant 1 : i32
    %sub3A_1405 = arith.subi %div3A_1384, %sub3A_1404 : i32
    %select_n3A_1406 = arith.select %and3A_1403, %sub3A_1405, %div3A_1384 : i32
    %mul3A_1407 = arith.constant 128 : i32
    %mul3A_1408 = arith.muli %select_n3A_1406, %mul3A_1407 : i32
    %multiple_of3A_1409 = tpu.assume_multiple %mul3A_1408, 128 : i32
    %jit3A_1410 = arith.constant 128 : i32
    %div3A_1411 = arith.divsi %squeeze3A_1382, %jit3A_1410 : i32
    %sign3A_1412 = arith.constant 0 : i32
    %sign3A_1413 = arith.cmpi sgt, %squeeze3A_1382, %sign3A_1412 : i32
    %sign3A_1414 = arith.extui %sign3A_1413 : i1 to i32
    %sign3A_1415 = arith.constant 0 : i32
    %sign3A_1416 = arith.cmpi slt, %squeeze3A_1382, %sign3A_1415 : i32
    %sign3A_1417 = arith.extui %sign3A_1416 : i1 to i32
    %sign3A_1418 = arith.subi %sign3A_1414, %sign3A_1417 : i32
    %sign3A_1419 = arith.constant 0 : i32
    %sign3A_1420 = arith.cmpi sgt, %jit3A_1410, %sign3A_1419 : i32
    %sign3A_1421 = arith.extui %sign3A_1420 : i1 to i32
    %sign3A_1422 = arith.constant 0 : i32
    %sign3A_1423 = arith.cmpi slt, %jit3A_1410, %sign3A_1422 : i32
    %sign3A_1424 = arith.extui %sign3A_1423 : i1 to i32
    %sign3A_1425 = arith.subi %sign3A_1421, %sign3A_1424 : i32
    %ne3A_1426 = arith.cmpi ne, %sign3A_1418, %sign3A_1425 : i32
    %rem3A_1427 = arith.remsi %squeeze3A_1382, %jit3A_1410 : i32
    %ne3A_1428 = arith.constant 0 : i32
    %ne3A_1429 = arith.cmpi ne, %rem3A_1427, %ne3A_1428 : i32
    %and3A_1430 = arith.andi %ne3A_1426, %ne3A_1429 : i1
    %sub3A_1431 = arith.constant 1 : i32
    %sub3A_1432 = arith.subi %div3A_1411, %sub3A_1431 : i32
    %select_n3A_1433 = arith.select %and3A_1430, %sub3A_1432, %div3A_1411 : i32
    %mul3A_1434 = arith.constant 128 : i32
    %mul3A_1435 = arith.muli %select_n3A_1433, %mul3A_1434 : i32
    %multiple_of3A_1436 = tpu.assume_multiple %mul3A_1435, 128 : i32
    %dma_start3A_1437 = arith.constant 14 : i32
    %dma_start3A_1438 = arith.constant 0 : i32
    %dma_start3A_1439 = arith.constant 14 : i32
    %dma_start3A_1440 = arith.constant 0 : i32
    %dma_start3A_1441 = arith.constant 0 : i32
    %dma_start3A_1442 = tpu.memref_slice %arg12[%dma_start3A_1437, %dma_start3A_1438, %dma_start3A_1440, %dma_start3A_1441] : memref<16x2x16x128xf32, #tpu.memory_space<vmem>> -> memref<1x1x16x128xf32, #tpu.memory_space<vmem>>
    %dma_start3A_1443 = tpu.memref_squeeze %dma_start3A_1442 : memref<1x1x16x128xf32, #tpu.memory_space<vmem>> -> memref<16x128xf32, #tpu.memory_space<vmem>>
    %dma_start3A_1444 = arith.constant 0 : i32
    %dma_start3A_1445 = tpu.memref_slice %arg4[%dma_start3A_1444, %multiple_of3A_1409] : memref<16x1000000xf32, #tpu.memory_space<hbm>> -> memref<16x128xf32, #tpu.memory_space<hbm>>
    %dma_start3A_1446 = tpu.memref_slice %arg17[%dma_start3A_1439] : memref<16x!tpu.dma_semaphore, #tpu.memory_space<semaphore_mem>> -> memref<1x!tpu.dma_semaphore, #tpu.memory_space<semaphore_mem>>
    %dma_start3A_1447 = tpu.memref_squeeze %dma_start3A_1446 : memref<1x!tpu.dma_semaphore, #tpu.memory_space<semaphore_mem>> -> memref<!tpu.dma_semaphore, #tpu.memory_space<semaphore_mem>>
    %dma_start3A_1448 = arith.constant 0 : i32
    %dma_start3A_1449 = arith.constant 0 : i32
    %dma_start3A_1450 = tpu.memref_slice %arg12[%dma_start3A_1437, %dma_start3A_1438, %dma_start3A_1448, %dma_start3A_1449] : memref<16x2x16x128xf32, #tpu.memory_space<vmem>> -> memref<1x1x16x128xf32, #tpu.memory_space<vmem>>
    %dma_start3A_1451 = tpu.memref_squeeze %dma_start3A_1450 : memref<1x1x16x128xf32, #tpu.memory_space<vmem>> -> memref<16x128xf32, #tpu.memory_space<vmem>>
    %dma_start3A_1452 = arith.constant 0 : i32
    %dma_start3A_1453 = tpu.memref_slice %arg4[%dma_start3A_1452, %multiple_of3A_1409] : memref<16x1000000xf32, #tpu.memory_space<hbm>> -> memref<16x128xf32, #tpu.memory_space<hbm>>
    tpu.enqueue_dma source(%dma_start3A_1453 : memref<16x128xf32, #tpu.memory_space<hbm>>) target(%dma_start3A_1451 : memref<16x128xf32, #tpu.memory_space<vmem>>) target_semaphore(%dma_start3A_1447 : memref<!tpu.dma_semaphore, #tpu.memory_space<semaphore_mem>>)
    %dma_start3A_1454 = arith.constant 14 : i32
    %dma_start3A_1455 = arith.constant 1 : i32
    %dma_start3A_1456 = arith.constant 14 : i32
    %dma_start3A_1457 = arith.constant 0 : i32
    %dma_start3A_1458 = arith.constant 0 : i32
    %dma_start3A_1459 = tpu.memref_slice %arg12[%dma_start3A_1454, %dma_start3A_1455, %dma_start3A_1457, %dma_start3A_1458] : memref<16x2x16x128xf32, #tpu.memory_space<vmem>> -> memref<1x1x16x128xf32, #tpu.memory_space<vmem>>
    %dma_start3A_1460 = tpu.memref_squeeze %dma_start3A_1459 : memref<1x1x16x128xf32, #tpu.memory_space<vmem>> -> memref<16x128xf32, #tpu.memory_space<vmem>>
    %dma_start3A_1461 = arith.constant 0 : i32
    %dma_start3A_1462 = tpu.memref_slice %arg5[%dma_start3A_1461, %multiple_of3A_1436] : memref<16x1000000xf32, #tpu.memory_space<hbm>> -> memref<16x128xf32, #tpu.memory_space<hbm>>
    %dma_start3A_1463 = tpu.memref_slice %arg17[%dma_start3A_1456] : memref<16x!tpu.dma_semaphore, #tpu.memory_space<semaphore_mem>> -> memref<1x!tpu.dma_semaphore, #tpu.memory_space<semaphore_mem>>
    %dma_start3A_1464 = tpu.memref_squeeze %dma_start3A_1463 : memref<1x!tpu.dma_semaphore, #tpu.memory_space<semaphore_mem>> -> memref<!tpu.dma_semaphore, #tpu.memory_space<semaphore_mem>>
    %dma_start3A_1465 = arith.constant 0 : i32
    %dma_start3A_1466 = arith.constant 0 : i32
    %dma_start3A_1467 = tpu.memref_slice %arg12[%dma_start3A_1454, %dma_start3A_1455, %dma_start3A_1465, %dma_start3A_1466] : memref<16x2x16x128xf32, #tpu.memory_space<vmem>> -> memref<1x1x16x128xf32, #tpu.memory_space<vmem>>
    %dma_start3A_1468 = tpu.memref_squeeze %dma_start3A_1467 : memref<1x1x16x128xf32, #tpu.memory_space<vmem>> -> memref<16x128xf32, #tpu.memory_space<vmem>>
    %dma_start3A_1469 = arith.constant 0 : i32
    %dma_start3A_1470 = tpu.memref_slice %arg5[%dma_start3A_1469, %multiple_of3A_1436] : memref<16x1000000xf32, #tpu.memory_space<hbm>> -> memref<16x128xf32, #tpu.memory_space<hbm>>
    tpu.enqueue_dma source(%dma_start3A_1470 : memref<16x128xf32, #tpu.memory_space<hbm>>) target(%dma_start3A_1468 : memref<16x128xf32, #tpu.memory_space<vmem>>) target_semaphore(%dma_start3A_1464 : memref<!tpu.dma_semaphore, #tpu.memory_space<semaphore_mem>>)
    %broadcast_in_dim3A_1471 = arith.constant 15 : i32
    %broadcast_in_dim3A_1472 = vector.broadcast %broadcast_in_dim3A_1471 : i32 to vector<16xi32>
    %gather3A_1473 = tpu.vector_load_idx %arg10[%broadcast_in_dim3A_1472] : memref<512xi32, #tpu.memory_space<vmem>>[vector<16xi32>], vector<16xi32>,
    %slice3A_1474 = vector.extract_strided_slice %gather3A_1473 {offsets = [0], sizes = [1], strides = [1]} : vector<16xi32> to vector<1xi32>
    %squeeze3A_1475 = vector.extract %slice3A_1474[0] : i32 from vector<1xi32>
    %broadcast_in_dim3A_1476 = arith.constant 15 : i32
    %broadcast_in_dim3A_1477 = vector.broadcast %broadcast_in_dim3A_1476 : i32 to vector<16xi32>
    %gather3A_1478 = tpu.vector_load_idx %arg11[%broadcast_in_dim3A_1477] : memref<512xi32, #tpu.memory_space<vmem>>[vector<16xi32>], vector<16xi32>,
    %slice3A_1479 = vector.extract_strided_slice %gather3A_1478 {offsets = [0], sizes = [1], strides = [1]} : vector<16xi32> to vector<1xi32>
    %squeeze3A_1480 = vector.extract %slice3A_1479[0] : i32 from vector<1xi32>
    %jit3A_1481 = arith.constant 128 : i32
    %div3A_1482 = arith.divsi %squeeze3A_1475, %jit3A_1481 : i32
    %sign3A_1483 = arith.constant 0 : i32
    %sign3A_1484 = arith.cmpi sgt, %squeeze3A_1475, %sign3A_1483 : i32
    %sign3A_1485 = arith.extui %sign3A_1484 : i1 to i32
    %sign3A_1486 = arith.constant 0 : i32
    %sign3A_1487 = arith.cmpi slt, %squeeze3A_1475, %sign3A_1486 : i32
    %sign3A_1488 = arith.extui %sign3A_1487 : i1 to i32
    %sign3A_1489 = arith.subi %sign3A_1485, %sign3A_1488 : i32
    %sign3A_1490 = arith.constant 0 : i32
    %sign3A_1491 = arith.cmpi sgt, %jit3A_1481, %sign3A_1490 : i32
    %sign3A_1492 = arith.extui %sign3A_1491 : i1 to i32
    %sign3A_1493 = arith.constant 0 : i32
    %sign3A_1494 = arith.cmpi slt, %jit3A_1481, %sign3A_1493 : i32
    %sign3A_1495 = arith.extui %sign3A_1494 : i1 to i32
    %sign3A_1496 = arith.subi %sign3A_1492, %sign3A_1495 : i32
    %ne3A_1497 = arith.cmpi ne, %sign3A_1489, %sign3A_1496 : i32
    %rem3A_1498 = arith.remsi %squeeze3A_1475, %jit3A_1481 : i32
    %ne3A_1499 = arith.constant 0 : i32
    %ne3A_1500 = arith.cmpi ne, %rem3A_1498, %ne3A_1499 : i32
    %and3A_1501 = arith.andi %ne3A_1497, %ne3A_1500 : i1
    %sub3A_1502 = arith.constant 1 : i32
    %sub3A_1503 = arith.subi %div3A_1482, %sub3A_1502 : i32
    %select_n3A_1504 = arith.select %and3A_1501, %sub3A_1503, %div3A_1482 : i32
    %mul3A_1505 = arith.constant 128 : i32
    %mul3A_1506 = arith.muli %select_n3A_1504, %mul3A_1505 : i32
    %multiple_of3A_1507 = tpu.assume_multiple %mul3A_1506, 128 : i32
    %jit3A_1508 = arith.constant 128 : i32
    %div3A_1509 = arith.divsi %squeeze3A_1480, %jit3A_1508 : i32
    %sign3A_1510 = arith.constant 0 : i32
    %sign3A_1511 = arith.cmpi sgt, %squeeze3A_1480, %sign3A_1510 : i32
    %sign3A_1512 = arith.extui %sign3A_1511 : i1 to i32
    %sign3A_1513 = arith.constant 0 : i32
    %sign3A_1514 = arith.cmpi slt, %squeeze3A_1480, %sign3A_1513 : i32
    %sign3A_1515 = arith.extui %sign3A_1514 : i1 to i32
    %sign3A_1516 = arith.subi %sign3A_1512, %sign3A_1515 : i32
    %sign3A_1517 = arith.constant 0 : i32
    %sign3A_1518 = arith.cmpi sgt, %jit3A_1508, %sign3A_1517 : i32
    %sign3A_1519 = arith.extui %sign3A_1518 : i1 to i32
    %sign3A_1520 = arith.constant 0 : i32
    %sign3A_1521 = arith.cmpi slt, %jit3A_1508, %sign3A_1520 : i32
    %sign3A_1522 = arith.extui %sign3A_1521 : i1 to i32
    %sign3A_1523 = arith.subi %sign3A_1519, %sign3A_1522 : i32
    %ne3A_1524 = arith.cmpi ne, %sign3A_1516, %sign3A_1523 : i32
    %rem3A_1525 = arith.remsi %squeeze3A_1480, %jit3A_1508 : i32
    %ne3A_1526 = arith.constant 0 : i32
    %ne3A_1527 = arith.cmpi ne, %rem3A_1525, %ne3A_1526 : i32
    %and3A_1528 = arith.andi %ne3A_1524, %ne3A_1527 : i1
    %sub3A_1529 = arith.constant 1 : i32
    %sub3A_1530 = arith.subi %div3A_1509, %sub3A_1529 : i32
    %select_n3A_1531 = arith.select %and3A_1528, %sub3A_1530, %div3A_1509 : i32
    %mul3A_1532 = arith.constant 128 : i32
    %mul3A_1533 = arith.muli %select_n3A_1531, %mul3A_1532 : i32
    %multiple_of3A_1534 = tpu.assume_multiple %mul3A_1533, 128 : i32
    %dma_start3A_1535 = arith.constant 15 : i32
    %dma_start3A_1536 = arith.constant 0 : i32
    %dma_start3A_1537 = arith.constant 15 : i32
    %dma_start3A_1538 = arith.constant 0 : i32
    %dma_start3A_1539 = arith.constant 0 : i32
    %dma_start3A_1540 = tpu.memref_slice %arg12[%dma_start3A_1535, %dma_start3A_1536, %dma_start3A_1538, %dma_start3A_1539] : memref<16x2x16x128xf32, #tpu.memory_space<vmem>> -> memref<1x1x16x128xf32, #tpu.memory_space<vmem>>
    %dma_start3A_1541 = tpu.memref_squeeze %dma_start3A_1540 : memref<1x1x16x128xf32, #tpu.memory_space<vmem>> -> memref<16x128xf32, #tpu.memory_space<vmem>>
    %dma_start3A_1542 = arith.constant 0 : i32
    %dma_start3A_1543 = tpu.memref_slice %arg4[%dma_start3A_1542, %multiple_of3A_1507] : memref<16x1000000xf32, #tpu.memory_space<hbm>> -> memref<16x128xf32, #tpu.memory_space<hbm>>
    %dma_start3A_1544 = tpu.memref_slice %arg17[%dma_start3A_1537] : memref<16x!tpu.dma_semaphore, #tpu.memory_space<semaphore_mem>> -> memref<1x!tpu.dma_semaphore, #tpu.memory_space<semaphore_mem>>
    %dma_start3A_1545 = tpu.memref_squeeze %dma_start3A_1544 : memref<1x!tpu.dma_semaphore, #tpu.memory_space<semaphore_mem>> -> memref<!tpu.dma_semaphore, #tpu.memory_space<semaphore_mem>>
    %dma_start3A_1546 = arith.constant 0 : i32
    %dma_start3A_1547 = arith.constant 0 : i32
    %dma_start3A_1548 = tpu.memref_slice %arg12[%dma_start3A_1535, %dma_start3A_1536, %dma_start3A_1546, %dma_start3A_1547] : memref<16x2x16x128xf32, #tpu.memory_space<vmem>> -> memref<1x1x16x128xf32, #tpu.memory_space<vmem>>
    %dma_start3A_1549 = tpu.memref_squeeze %dma_start3A_1548 : memref<1x1x16x128xf32, #tpu.memory_space<vmem>> -> memref<16x128xf32, #tpu.memory_space<vmem>>
    %dma_start3A_1550 = arith.constant 0 : i32
    %dma_start3A_1551 = tpu.memref_slice %arg4[%dma_start3A_1550, %multiple_of3A_1507] : memref<16x1000000xf32, #tpu.memory_space<hbm>> -> memref<16x128xf32, #tpu.memory_space<hbm>>
    tpu.enqueue_dma source(%dma_start3A_1551 : memref<16x128xf32, #tpu.memory_space<hbm>>) target(%dma_start3A_1549 : memref<16x128xf32, #tpu.memory_space<vmem>>) target_semaphore(%dma_start3A_1545 : memref<!tpu.dma_semaphore, #tpu.memory_space<semaphore_mem>>)
    %dma_start3A_1552 = arith.constant 15 : i32
    %dma_start3A_1553 = arith.constant 1 : i32
    %dma_start3A_1554 = arith.constant 15 : i32
    %dma_start3A_1555 = arith.constant 0 : i32
    %dma_start3A_1556 = arith.constant 0 : i32
    %dma_start3A_1557 = tpu.memref_slice %arg12[%dma_start3A_1552, %dma_start3A_1553, %dma_start3A_1555, %dma_start3A_1556] : memref<16x2x16x128xf32, #tpu.memory_space<vmem>> -> memref<1x1x16x128xf32, #tpu.memory_space<vmem>>
    %dma_start3A_1558 = tpu.memref_squeeze %dma_start3A_1557 : memref<1x1x16x128xf32, #tpu.memory_space<vmem>> -> memref<16x128xf32, #tpu.memory_space<vmem>>
    %dma_start3A_1559 = arith.constant 0 : i32
    %dma_start3A_1560 = tpu.memref_slice %arg5[%dma_start3A_1559, %multiple_of3A_1534] : memref<16x1000000xf32, #tpu.memory_space<hbm>> -> memref<16x128xf32, #tpu.memory_space<hbm>>
    %dma_start3A_1561 = tpu.memref_slice %arg17[%dma_start3A_1554] : memref<16x!tpu.dma_semaphore, #tpu.memory_space<semaphore_mem>> -> memref<1x!tpu.dma_semaphore, #tpu.memory_space<semaphore_mem>>
    %dma_start3A_1562 = tpu.memref_squeeze %dma_start3A_1561 : memref<1x!tpu.dma_semaphore, #tpu.memory_space<semaphore_mem>> -> memref<!tpu.dma_semaphore, #tpu.memory_space<semaphore_mem>>
    %dma_start3A_1563 = arith.constant 0 : i32
    %dma_start3A_1564 = arith.constant 0 : i32
    %dma_start3A_1565 = tpu.memref_slice %arg12[%dma_start3A_1552, %dma_start3A_1553, %dma_start3A_1563, %dma_start3A_1564] : memref<16x2x16x128xf32, #tpu.memory_space<vmem>> -> memref<1x1x16x128xf32, #tpu.memory_space<vmem>>
    %dma_start3A_1566 = tpu.memref_squeeze %dma_start3A_1565 : memref<1x1x16x128xf32, #tpu.memory_space<vmem>> -> memref<16x128xf32, #tpu.memory_space<vmem>>
    %dma_start3A_1567 = arith.constant 0 : i32
    %dma_start3A_1568 = tpu.memref_slice %arg5[%dma_start3A_1567, %multiple_of3A_1534] : memref<16x1000000xf32, #tpu.memory_space<hbm>> -> memref<16x128xf32, #tpu.memory_space<hbm>>
    tpu.enqueue_dma source(%dma_start3A_1568 : memref<16x128xf32, #tpu.memory_space<hbm>>) target(%dma_start3A_1566 : memref<16x128xf32, #tpu.memory_space<vmem>>) target_semaphore(%dma_start3A_1562 : memref<!tpu.dma_semaphore, #tpu.memory_space<semaphore_mem>>)
    %scan3A = arith.constant 0 : i32
    %scan3A_1569 = arith.constant 0 : i32
    %scan3A_1570 = arith.constant 512 : i32
    %scan3A_1571 = arith.addi %scan3A_1569, %scan3A_1570 : i32
    %scan3A_1572 = arith.constant 1 : i32
    %scan3A_1573 = scf.for %scan3A_1938 = %scan3A_1569 to %scan3A_1571 step %scan3A_1572 iter_args(%scan3A_1939 = %scan3A) -> (i32)  : i32 {
      %rem3A_1940 = arith.constant 16 : i32
      %rem3A_1941 = arith.remsi %scan3A_1938, %rem3A_1940 : i32
      %broadcast_in_dim3A_1942 = vector.broadcast %scan3A_1938 : i32 to vector<16xi32>
      %gather3A_1943 = tpu.vector_load_idx %arg10[%broadcast_in_dim3A_1942] : memref<512xi32, #tpu.memory_space<vmem>>[vector<16xi32>], vector<16xi32>,
      %slice3A_1944 = vector.extract_strided_slice %gather3A_1943 {offsets = [0], sizes = [1], strides = [1]} : vector<16xi32> to vector<1xi32>
      %squeeze3A_1945 = vector.extract %slice3A_1944[0] : i32 from vector<1xi32>
      %broadcast_in_dim3A_1946 = vector.broadcast %scan3A_1938 : i32 to vector<16xi32>
      %gather3A_1947 = tpu.vector_load_idx %arg11[%broadcast_in_dim3A_1946] : memref<512xi32, #tpu.memory_space<vmem>>[vector<16xi32>], vector<16xi32>,
      %slice3A_1948 = vector.extract_strided_slice %gather3A_1947 {offsets = [0], sizes = [1], strides = [1]} : vector<16xi32> to vector<1xi32>
      %squeeze3A_1949 = vector.extract %slice3A_1948[0] : i32 from vector<1xi32>
      %dma_wait3A_1950 = arith.constant 0 : i32
      %dma_wait3A_1951 = arith.constant 0 : i32
      %dma_wait3A_1952 = arith.constant 0 : i32
      %dma_wait3A_1953 = tpu.memref_slice %arg12[%rem3A_1941, %dma_wait3A_1950, %dma_wait3A_1951, %dma_wait3A_1952] : memref<16x2x16x128xf32, #tpu.memory_space<vmem>> -> memref<1x1x16x128xf32, #tpu.memory_space<vmem>>
      %dma_wait3A_1954 = tpu.memref_squeeze %dma_wait3A_1953 : memref<1x1x16x128xf32, #tpu.memory_space<vmem>> -> memref<16x128xf32, #tpu.memory_space<vmem>>
      %dma_wait3A_1955 = arith.constant 0 : i32
      %dma_wait3A_1956 = arith.constant 0 : i32
      %dma_wait3A_1957 = tpu.memref_slice %arg4[%dma_wait3A_1955, %dma_wait3A_1956] : memref<16x1000000xf32, #tpu.memory_space<hbm>> -> memref<16x128xf32, #tpu.memory_space<hbm>>
      %dma_wait3A_1958 = tpu.memref_slice %arg17[%rem3A_1941] : memref<16x!tpu.dma_semaphore, #tpu.memory_space<semaphore_mem>> -> memref<1x!tpu.dma_semaphore, #tpu.memory_space<semaphore_mem>>
      %dma_wait3A_1959 = tpu.memref_squeeze %dma_wait3A_1958 : memref<1x!tpu.dma_semaphore, #tpu.memory_space<semaphore_mem>> -> memref<!tpu.dma_semaphore, #tpu.memory_space<semaphore_mem>>
      %dma_wait3A_1960 = arith.constant 0 : i32
      %dma_wait3A_1961 = arith.constant 0 : i32
      %dma_wait3A_1962 = tpu.memref_slice %arg12[%rem3A_1941, %dma_wait3A_1950, %dma_wait3A_1960, %dma_wait3A_1961] : memref<16x2x16x128xf32, #tpu.memory_space<vmem>> -> memref<1x1x16x128xf32, #tpu.memory_space<vmem>>
      %dma_wait3A_1963 = tpu.memref_squeeze %dma_wait3A_1962 : memref<1x1x16x128xf32, #tpu.memory_space<vmem>> -> memref<16x128xf32, #tpu.memory_space<vmem>>
      %dma_wait3A_1964 = arith.constant 0 : i32
      %dma_wait3A_1965 = arith.constant 0 : i32
      %dma_wait3A_1966 = tpu.memref_slice %arg4[%dma_wait3A_1964, %dma_wait3A_1965] : memref<16x1000000xf32, #tpu.memory_space<hbm>> -> memref<16x128xf32, #tpu.memory_space<hbm>>
      tpu.wait_dma2 semaphore(%dma_wait3A_1959 : memref<!tpu.dma_semaphore, #tpu.memory_space<semaphore_mem>>) src(%dma_wait3A_1966 : memref<16x128xf32, #tpu.memory_space<hbm>>) dst(%dma_wait3A_1963 : memref<16x128xf32, #tpu.memory_space<vmem>>)
      %dma_wait3A_1967 = arith.constant 1 : i32
      %dma_wait3A_1968 = arith.constant 0 : i32
      %dma_wait3A_1969 = arith.constant 0 : i32
      %dma_wait3A_1970 = tpu.memref_slice %arg12[%rem3A_1941, %dma_wait3A_1967, %dma_wait3A_1968, %dma_wait3A_1969] : memref<16x2x16x128xf32, #tpu.memory_space<vmem>> -> memref<1x1x16x128xf32, #tpu.memory_space<vmem>>
      %dma_wait3A_1971 = tpu.memref_squeeze %dma_wait3A_1970 : memref<1x1x16x128xf32, #tpu.memory_space<vmem>> -> memref<16x128xf32, #tpu.memory_space<vmem>>
      %dma_wait3A_1972 = arith.constant 0 : i32
      %dma_wait3A_1973 = arith.constant 0 : i32
      %dma_wait3A_1974 = tpu.memref_slice %arg4[%dma_wait3A_1972, %dma_wait3A_1973] : memref<16x1000000xf32, #tpu.memory_space<hbm>> -> memref<16x128xf32, #tpu.memory_space<hbm>>
      %dma_wait3A_1975 = tpu.memref_slice %arg17[%rem3A_1941] : memref<16x!tpu.dma_semaphore, #tpu.memory_space<semaphore_mem>> -> memref<1x!tpu.dma_semaphore, #tpu.memory_space<semaphore_mem>>
      %dma_wait3A_1976 = tpu.memref_squeeze %dma_wait3A_1975 : memref<1x!tpu.dma_semaphore, #tpu.memory_space<semaphore_mem>> -> memref<!tpu.dma_semaphore, #tpu.memory_space<semaphore_mem>>
      %dma_wait3A_1977 = arith.constant 0 : i32
      %dma_wait3A_1978 = arith.constant 0 : i32
      %dma_wait3A_1979 = tpu.memref_slice %arg12[%rem3A_1941, %dma_wait3A_1967, %dma_wait3A_1977, %dma_wait3A_1978] : memref<16x2x16x128xf32, #tpu.memory_space<vmem>> -> memref<1x1x16x128xf32, #tpu.memory_space<vmem>>
      %dma_wait3A_1980 = tpu.memref_squeeze %dma_wait3A_1979 : memref<1x1x16x128xf32, #tpu.memory_space<vmem>> -> memref<16x128xf32, #tpu.memory_space<vmem>>
      %dma_wait3A_1981 = arith.constant 0 : i32
      %dma_wait3A_1982 = arith.constant 0 : i32
      %dma_wait3A_1983 = tpu.memref_slice %arg4[%dma_wait3A_1981, %dma_wait3A_1982] : memref<16x1000000xf32, #tpu.memory_space<hbm>> -> memref<16x128xf32, #tpu.memory_space<hbm>>
      tpu.wait_dma2 semaphore(%dma_wait3A_1976 : memref<!tpu.dma_semaphore, #tpu.memory_space<semaphore_mem>>) src(%dma_wait3A_1983 : memref<16x128xf32, #tpu.memory_space<hbm>>) dst(%dma_wait3A_1980 : memref<16x128xf32, #tpu.memory_space<vmem>>)
      %broadcast_in_dim3A_1984 = vector.broadcast %rem3A_1941 : i32 to vector<16xi32>
      %broadcast_in_dim3A_1985 = arith.constant 0 : i32
      %broadcast_in_dim3A_1986 = vector.broadcast %broadcast_in_dim3A_1985 : i32 to vector<16xi32>
      %jit3A_1987 = arith.constant 128 : i32
      %eq3A = arith.constant 0 : i32
      %eq3A_1988 = arith.cmpi eq, %jit3A_1987, %eq3A : i32
      %jit3A_1989 = arith.constant 1 : i32
      %select_n3A_1990 = arith.select %eq3A_1988, %jit3A_1989, %jit3A_1987 : i32
      %rem3A_1991 = arith.remsi %squeeze3A_1945, %select_n3A_1990 : i32
      %ne3A_1992 = arith.constant 0 : i32
      %ne3A_1993 = arith.cmpi ne, %rem3A_1991, %ne3A_1992 : i32
      %lt3A = arith.constant 0 : i32
      %lt3A_1994 = arith.cmpi slt, %rem3A_1991, %lt3A : i32
      %lt3A_1995 = arith.constant 0 : i32
      %lt3A_1996 = arith.cmpi slt, %select_n3A_1990, %lt3A_1995 : i32
      %ne3A_1997 = arith.xori %lt3A_1994, %lt3A_1996 : i1
      %and3A_1998 = arith.andi %ne3A_1997, %ne3A_1993 : i1
      %add3A_1999 = arith.addi %rem3A_1991, %select_n3A_1990 : i32
      %select_n3A_2000 = arith.select %and3A_1998, %add3A_1999, %rem3A_1991 : i32
      %broadcast_in_dim3A_2001 = vector.broadcast %select_n3A_2000 : i32 to vector<16xi32>
      %gather3A_2002 = tpu.vector_load_idx %arg12[%broadcast_in_dim3A_1984, %broadcast_in_dim3A_1986, %iota3A, %broadcast_in_dim3A_2001] : memref<16x2x16x128xf32, #tpu.memory_space<vmem>>[vector<16xi32>, vector<16xi32>, vector<16xi32>, vector<16xi32>], vector<16xf32>,
      %broadcast_in_dim3A_2003 = vector.broadcast %rem3A_1941 : i32 to vector<16xi32>
      %broadcast_in_dim3A_2004 = arith.constant 1 : i32
      %broadcast_in_dim3A_2005 = vector.broadcast %broadcast_in_dim3A_2004 : i32 to vector<16xi32>
      %jit3A_2006 = arith.constant 128 : i32
      %eq3A_2007 = arith.constant 0 : i32
      %eq3A_2008 = arith.cmpi eq, %jit3A_2006, %eq3A_2007 : i32
      %jit3A_2009 = arith.constant 1 : i32
      %select_n3A_2010 = arith.select %eq3A_2008, %jit3A_2009, %jit3A_2006 : i32
      %rem3A_2011 = arith.remsi %squeeze3A_1949, %select_n3A_2010 : i32
      %ne3A_2012 = arith.constant 0 : i32
      %ne3A_2013 = arith.cmpi ne, %rem3A_2011, %ne3A_2012 : i32
      %lt3A_2014 = arith.constant 0 : i32
      %lt3A_2015 = arith.cmpi slt, %rem3A_2011, %lt3A_2014 : i32
      %lt3A_2016 = arith.constant 0 : i32
      %lt3A_2017 = arith.cmpi slt, %select_n3A_2010, %lt3A_2016 : i32
      %ne3A_2018 = arith.xori %lt3A_2015, %lt3A_2017 : i1
      %and3A_2019 = arith.andi %ne3A_2018, %ne3A_2013 : i1
      %add3A_2020 = arith.addi %rem3A_2011, %select_n3A_2010 : i32
      %select_n3A_2021 = arith.select %and3A_2019, %add3A_2020, %rem3A_2011 : i32
      %broadcast_in_dim3A_2022 = vector.broadcast %select_n3A_2021 : i32 to vector<16xi32>
      %gather3A_2023 = tpu.vector_load_idx %arg12[%broadcast_in_dim3A_2003, %broadcast_in_dim3A_2005, %iota3A, %broadcast_in_dim3A_2022] : memref<16x2x16x128xf32, #tpu.memory_space<vmem>>[vector<16xi32>, vector<16xi32>, vector<16xi32>, vector<16xi32>], vector<16xf32>,
      %mul3A_2024 = arith.mulf %gather3A_2002, %gather3A_2023 : vector<16xf32>
      %reduce_sum3A = arith.constant true
      %reduce_sum3A_2025 = vector.broadcast %reduce_sum3A : i1 to vector<16xi1>
      %reduce_sum3A_2026 = tpu.scan <sum>, %mul3A_2024 masked %reduce_sum3A_2025 : vector<16xf32>, vector<16xi1> -> vector<16xf32>
      %reduce_sum3A_2027 = vector.extract %reduce_sum3A_2026[15] : f32 from vector<16xf32>
      %broadcast_in_dim3A_2028 = vector.broadcast %scan3A_1938 : i32 to vector<16xi32>
      %broadcast_in_dim3A_2029 = vector.broadcast %reduce_sum3A_2027 : f32 to vector<16xf32>
      %eq3A_2030 = arith.constant 0 : i32
      %eq3A_2031 = vector.broadcast %eq3A_2030 : i32 to vector<16xi32>
      %eq3A_2032 = arith.cmpi eq, %iota3A, %eq3A_2031 : vector<16xi32>
      tpu.vector_store_idx %arg13[%broadcast_in_dim3A_2028], %broadcast_in_dim3A_2029 masked %eq3A_2032 : memref<512xf32, #tpu.memory_space<vmem>>[vector<16xi32>], vector<16xf32>, vector<16xi1>
      %add3A_2033 = arith.constant 16 : i32
      %add3A_2034 = arith.addi %scan3A_1938, %add3A_2033 : i32
      %lt3A_2035 = arith.constant 512 : i32
      %lt3A_2036 = arith.cmpi slt, %add3A_2034, %lt3A_2035 : i32
      %convert_element_type3A = arith.extui %lt3A_2036 : i1 to i32
      %cond3A = arith.constant 0 : i32
      %cond3A_2037 = arith.cmpi ne, %convert_element_type3A, %cond3A : i32
      scf.if %cond3A_2037 {
        %add3A_2039 = arith.constant 16 : i32
        %add3A_2040 = arith.addi %scan3A_1938, %add3A_2039 : i32
        %broadcast_in_dim3A_2041 = vector.broadcast %add3A_2040 : i32 to vector<16xi32>
        %gather3A_2042 = tpu.vector_load_idx %arg10[%broadcast_in_dim3A_2041] : memref<512xi32, #tpu.memory_space<vmem>>[vector<16xi32>], vector<16xi32>,
        %slice3A_2043 = vector.extract_strided_slice %gather3A_2042 {offsets = [0], sizes = [1], strides = [1]} : vector<16xi32> to vector<1xi32>
        %squeeze3A_2044 = vector.extract %slice3A_2043[0] : i32 from vector<1xi32>
        %broadcast_in_dim3A_2045 = vector.broadcast %add3A_2040 : i32 to vector<16xi32>
        %gather3A_2046 = tpu.vector_load_idx %arg11[%broadcast_in_dim3A_2045] : memref<512xi32, #tpu.memory_space<vmem>>[vector<16xi32>], vector<16xi32>,
        %slice3A_2047 = vector.extract_strided_slice %gather3A_2046 {offsets = [0], sizes = [1], strides = [1]} : vector<16xi32> to vector<1xi32>
        %squeeze3A_2048 = vector.extract %slice3A_2047[0] : i32 from vector<1xi32>
        %jit3A_2049 = arith.constant 128 : i32
        %div3A_2050 = arith.divsi %squeeze3A_2044, %jit3A_2049 : i32
        %sign3A_2051 = arith.constant 0 : i32
        %sign3A_2052 = arith.cmpi sgt, %squeeze3A_2044, %sign3A_2051 : i32
        %sign3A_2053 = arith.extui %sign3A_2052 : i1 to i32
        %sign3A_2054 = arith.constant 0 : i32
        %sign3A_2055 = arith.cmpi slt, %squeeze3A_2044, %sign3A_2054 : i32
        %sign3A_2056 = arith.extui %sign3A_2055 : i1 to i32
        %sign3A_2057 = arith.subi %sign3A_2053, %sign3A_2056 : i32
        %sign3A_2058 = arith.constant 0 : i32
        %sign3A_2059 = arith.cmpi sgt, %jit3A_2049, %sign3A_2058 : i32
        %sign3A_2060 = arith.extui %sign3A_2059 : i1 to i32
        %sign3A_2061 = arith.constant 0 : i32
        %sign3A_2062 = arith.cmpi slt, %jit3A_2049, %sign3A_2061 : i32
        %sign3A_2063 = arith.extui %sign3A_2062 : i1 to i32
        %sign3A_2064 = arith.subi %sign3A_2060, %sign3A_2063 : i32
        %ne3A_2065 = arith.cmpi ne, %sign3A_2057, %sign3A_2064 : i32
        %rem3A_2066 = arith.remsi %squeeze3A_2044, %jit3A_2049 : i32
        %ne3A_2067 = arith.constant 0 : i32
        %ne3A_2068 = arith.cmpi ne, %rem3A_2066, %ne3A_2067 : i32
        %and3A_2069 = arith.andi %ne3A_2065, %ne3A_2068 : i1
        %sub3A_2070 = arith.constant 1 : i32
        %sub3A_2071 = arith.subi %div3A_2050, %sub3A_2070 : i32
        %select_n3A_2072 = arith.select %and3A_2069, %sub3A_2071, %div3A_2050 : i32
        %mul3A_2073 = arith.constant 128 : i32
        %mul3A_2074 = arith.muli %select_n3A_2072, %mul3A_2073 : i32
        %multiple_of3A_2075 = tpu.assume_multiple %mul3A_2074, 128 : i32
        %jit3A_2076 = arith.constant 128 : i32
        %div3A_2077 = arith.divsi %squeeze3A_2048, %jit3A_2076 : i32
        %sign3A_2078 = arith.constant 0 : i32
        %sign3A_2079 = arith.cmpi sgt, %squeeze3A_2048, %sign3A_2078 : i32
        %sign3A_2080 = arith.extui %sign3A_2079 : i1 to i32
        %sign3A_2081 = arith.constant 0 : i32
        %sign3A_2082 = arith.cmpi slt, %squeeze3A_2048, %sign3A_2081 : i32
        %sign3A_2083 = arith.extui %sign3A_2082 : i1 to i32
        %sign3A_2084 = arith.subi %sign3A_2080, %sign3A_2083 : i32
        %sign3A_2085 = arith.constant 0 : i32
        %sign3A_2086 = arith.cmpi sgt, %jit3A_2076, %sign3A_2085 : i32
        %sign3A_2087 = arith.extui %sign3A_2086 : i1 to i32
        %sign3A_2088 = arith.constant 0 : i32
        %sign3A_2089 = arith.cmpi slt, %jit3A_2076, %sign3A_2088 : i32
        %sign3A_2090 = arith.extui %sign3A_2089 : i1 to i32
        %sign3A_2091 = arith.subi %sign3A_2087, %sign3A_2090 : i32
        %ne3A_2092 = arith.cmpi ne, %sign3A_2084, %sign3A_2091 : i32
        %rem3A_2093 = arith.remsi %squeeze3A_2048, %jit3A_2076 : i32
        %ne3A_2094 = arith.constant 0 : i32
        %ne3A_2095 = arith.cmpi ne, %rem3A_2093, %ne3A_2094 : i32
        %and3A_2096 = arith.andi %ne3A_2092, %ne3A_2095 : i1
        %sub3A_2097 = arith.constant 1 : i32
        %sub3A_2098 = arith.subi %div3A_2077, %sub3A_2097 : i32
        %select_n3A_2099 = arith.select %and3A_2096, %sub3A_2098, %div3A_2077 : i32
        %mul3A_2100 = arith.constant 128 : i32
        %mul3A_2101 = arith.muli %select_n3A_2099, %mul3A_2100 : i32
        %multiple_of3A_2102 = tpu.assume_multiple %mul3A_2101, 128 : i32
        %dma_start3A_2103 = arith.constant 0 : i32
        %dma_start3A_2104 = arith.constant 0 : i32
        %dma_start3A_2105 = arith.constant 0 : i32
        %dma_start3A_2106 = tpu.memref_slice %arg12[%rem3A_1941, %dma_start3A_2103, %dma_start3A_2104, %dma_start3A_2105] : memref<16x2x16x128xf32, #tpu.memory_space<vmem>> -> memref<1x1x16x128xf32, #tpu.memory_space<vmem>>
        %dma_start3A_2107 = tpu.memref_squeeze %dma_start3A_2106 : memref<1x1x16x128xf32, #tpu.memory_space<vmem>> -> memref<16x128xf32, #tpu.memory_space<vmem>>
        %dma_start3A_2108 = arith.constant 0 : i32
        %dma_start3A_2109 = tpu.memref_slice %arg4[%dma_start3A_2108, %multiple_of3A_2075] : memref<16x1000000xf32, #tpu.memory_space<hbm>> -> memref<16x128xf32, #tpu.memory_space<hbm>>
        %dma_start3A_2110 = tpu.memref_slice %arg17[%rem3A_1941] : memref<16x!tpu.dma_semaphore, #tpu.memory_space<semaphore_mem>> -> memref<1x!tpu.dma_semaphore, #tpu.memory_space<semaphore_mem>>
        %dma_start3A_2111 = tpu.memref_squeeze %dma_start3A_2110 : memref<1x!tpu.dma_semaphore, #tpu.memory_space<semaphore_mem>> -> memref<!tpu.dma_semaphore, #tpu.memory_space<semaphore_mem>>
        %dma_start3A_2112 = arith.constant 0 : i32
        %dma_start3A_2113 = arith.constant 0 : i32
        %dma_start3A_2114 = tpu.memref_slice %arg12[%rem3A_1941, %dma_start3A_2103, %dma_start3A_2112, %dma_start3A_2113] : memref<16x2x16x128xf32, #tpu.memory_space<vmem>> -> memref<1x1x16x128xf32, #tpu.memory_space<vmem>>
        %dma_start3A_2115 = tpu.memref_squeeze %dma_start3A_2114 : memref<1x1x16x128xf32, #tpu.memory_space<vmem>> -> memref<16x128xf32, #tpu.memory_space<vmem>>
        %dma_start3A_2116 = arith.constant 0 : i32
        %dma_start3A_2117 = tpu.memref_slice %arg4[%dma_start3A_2116, %multiple_of3A_2075] : memref<16x1000000xf32, #tpu.memory_space<hbm>> -> memref<16x128xf32, #tpu.memory_space<hbm>>
        tpu.enqueue_dma source(%dma_start3A_2117 : memref<16x128xf32, #tpu.memory_space<hbm>>) target(%dma_start3A_2115 : memref<16x128xf32, #tpu.memory_space<vmem>>) target_semaphore(%dma_start3A_2111 : memref<!tpu.dma_semaphore, #tpu.memory_space<semaphore_mem>>)
        %dma_start3A_2118 = arith.constant 1 : i32
        %dma_start3A_2119 = arith.constant 0 : i32
        %dma_start3A_2120 = arith.constant 0 : i32
        %dma_start3A_2121 = tpu.memref_slice %arg12[%rem3A_1941, %dma_start3A_2118, %dma_start3A_2119, %dma_start3A_2120] : memref<16x2x16x128xf32, #tpu.memory_space<vmem>> -> memref<1x1x16x128xf32, #tpu.memory_space<vmem>>
        %dma_start3A_2122 = tpu.memref_squeeze %dma_start3A_2121 : memref<1x1x16x128xf32, #tpu.memory_space<vmem>> -> memref<16x128xf32, #tpu.memory_space<vmem>>
        %dma_start3A_2123 = arith.constant 0 : i32
        %dma_start3A_2124 = tpu.memref_slice %arg5[%dma_start3A_2123, %multiple_of3A_2102] : memref<16x1000000xf32, #tpu.memory_space<hbm>> -> memref<16x128xf32, #tpu.memory_space<hbm>>
        %dma_start3A_2125 = tpu.memref_slice %arg17[%rem3A_1941] : memref<16x!tpu.dma_semaphore, #tpu.memory_space<semaphore_mem>> -> memref<1x!tpu.dma_semaphore, #tpu.memory_space<semaphore_mem>>
        %dma_start3A_2126 = tpu.memref_squeeze %dma_start3A_2125 : memref<1x!tpu.dma_semaphore, #tpu.memory_space<semaphore_mem>> -> memref<!tpu.dma_semaphore, #tpu.memory_space<semaphore_mem>>
        %dma_start3A_2127 = arith.constant 0 : i32
        %dma_start3A_2128 = arith.constant 0 : i32
        %dma_start3A_2129 = tpu.memref_slice %arg12[%rem3A_1941, %dma_start3A_2118, %dma_start3A_2127, %dma_start3A_2128] : memref<16x2x16x128xf32, #tpu.memory_space<vmem>> -> memref<1x1x16x128xf32, #tpu.memory_space<vmem>>
        %dma_start3A_2130 = tpu.memref_squeeze %dma_start3A_2129 : memref<1x1x16x128xf32, #tpu.memory_space<vmem>> -> memref<16x128xf32, #tpu.memory_space<vmem>>
        %dma_start3A_2131 = arith.constant 0 : i32
        %dma_start3A_2132 = tpu.memref_slice %arg5[%dma_start3A_2131, %multiple_of3A_2102] : memref<16x1000000xf32, #tpu.memory_space<hbm>> -> memref<16x128xf32, #tpu.memory_space<hbm>>
        tpu.enqueue_dma source(%dma_start3A_2132 : memref<16x128xf32, #tpu.memory_space<hbm>>) target(%dma_start3A_2130 : memref<16x128xf32, #tpu.memory_space<vmem>>) target_semaphore(%dma_start3A_2126 : memref<!tpu.dma_semaphore, #tpu.memory_space<semaphore_mem>>)
      } else {
      }
      %scan3A_2038 = arith.constant 0 : i32
      scf.yield %scan3A_2038 : i32
    }
    %scan3A_1574 = arith.constant 512 : i32
    %dma_wait3A = arith.constant 0 : i32
    %dma_wait3A_1575 = arith.constant 0 : i32
    %dma_wait3A_1576 = tpu.memref_slice %arg6[%dma_wait3A, %dma_wait3A_1575] : memref<1x1000000xf32, #tpu.memory_space<hbm>> -> memref<1x1000000xf32, #tpu.memory_space<hbm>>
    %dma_wait3A_1577 = tpu.memref_squeeze %dma_wait3A_1576 : memref<1x1000000xf32, #tpu.memory_space<hbm>> -> memref<1000000xf32, #tpu.memory_space<hbm>>
    %dma_wait3A_1578 = arith.constant 0 : i32
    %dma_wait3A_1579 = tpu.memref_slice %dma_wait3A_1577[%dma_wait3A_1578] : memref<1000000xf32, #tpu.memory_space<hbm>> -> memref<1000000xf32, #tpu.memory_space<hbm>>
    tpu.wait_indirect_dma semaphore(%arg18 : memref<!tpu.dma_semaphore, #tpu.memory_space<semaphore_mem>>) src(%dma_wait3A_1579 : memref<1000000xf32, #tpu.memory_space<hbm>>) dst(%arg15 : memref<512xf32, #tpu.memory_space<vmem>>)
    %dma_wait3A_1580 = arith.constant 0 : i32
    %dma_wait3A_1581 = arith.constant 0 : i32
    %dma_wait3A_1582 = tpu.memref_slice %arg7[%dma_wait3A_1580, %dma_wait3A_1581] : memref<1x1000000xf32, #tpu.memory_space<hbm>> -> memref<1x1000000xf32, #tpu.memory_space<hbm>>
    %dma_wait3A_1583 = tpu.memref_squeeze %dma_wait3A_1582 : memref<1x1000000xf32, #tpu.memory_space<hbm>> -> memref<1000000xf32, #tpu.memory_space<hbm>>
    %dma_wait3A_1584 = arith.constant 0 : i32
    %dma_wait3A_1585 = tpu.memref_slice %dma_wait3A_1583[%dma_wait3A_1584] : memref<1000000xf32, #tpu.memory_space<hbm>> -> memref<1000000xf32, #tpu.memory_space<hbm>>
    tpu.wait_indirect_dma semaphore(%arg18 : memref<!tpu.dma_semaphore, #tpu.memory_space<semaphore_mem>>) src(%dma_wait3A_1585 : memref<1000000xf32, #tpu.memory_space<hbm>>) dst(%arg16 : memref<512xf32, #tpu.memory_space<vmem>>)
    %get3A = arith.constant 0 : index
    %get3A_1586 = tpu.vector_load %arg14[%get3A] {strides = array<i32>} : memref<16xf32, #tpu.memory_space<vmem>>, vector<16xf32>,
    %get3A_1587 = arith.constant 0 : index
    %get3A_1588 = tpu.vector_load %arg13[%get3A_1587] {strides = array<i32>} : memref<512xf32, #tpu.memory_space<vmem>>, vector<16xf32>,
    %get3A_1589 = arith.constant 0 : index
    %get3A_1590 = tpu.vector_load %arg15[%get3A_1589] {strides = array<i32>} : memref<512xf32, #tpu.memory_space<vmem>>, vector<16xf32>,
    %add3A_1591 = arith.addf %get3A_1588, %get3A_1590 : vector<16xf32>
    %get3A_1592 = arith.constant 0 : index
    %get3A_1593 = tpu.vector_load %arg16[%get3A_1592] {strides = array<i32>} : memref<512xf32, #tpu.memory_space<vmem>>, vector<16xf32>,
    %add3A_1594 = arith.addf %add3A_1591, %get3A_1593 : vector<16xf32>
    %add3A_1595 = arith.addf %add3A_1594, %get3A_1586 : vector<16xf32>
    %swap3A = arith.constant 0 : index
    %swap3A_1596 = tpu.vector_load %arg13[%swap3A] {strides = array<i32>} : memref<512xf32, #tpu.memory_space<vmem>>, vector<16xf32>,
    tpu.vector_store %arg13[%swap3A], %add3A_1595 {strides = array<i32>} : memref<512xf32, #tpu.memory_space<vmem>>, vector<16xf32>,
    %get3A_1597 = arith.constant 16 : index
    %get3A_1598 = tpu.vector_load %arg13[%get3A_1597] {strides = array<i32>} : memref<512xf32, #tpu.memory_space<vmem>>, vector<16xf32>,
    %get3A_1599 = arith.constant 16 : index
    %get3A_1600 = tpu.vector_load %arg15[%get3A_1599] {strides = array<i32>} : memref<512xf32, #tpu.memory_space<vmem>>, vector<16xf32>,
    %add3A_1601 = arith.addf %get3A_1598, %get3A_1600 : vector<16xf32>
    %get3A_1602 = arith.constant 16 : index
    %get3A_1603 = tpu.vector_load %arg16[%get3A_1602] {strides = array<i32>} : memref<512xf32, #tpu.memory_space<vmem>>, vector<16xf32>,
    %add3A_1604 = arith.addf %add3A_1601, %get3A_1603 : vector<16xf32>
    %add3A_1605 = arith.addf %add3A_1604, %get3A_1586 : vector<16xf32>
    %swap3A_1606 = arith.constant 16 : index
    %swap3A_1607 = tpu.vector_load %arg13[%swap3A_1606] {strides = array<i32>} : memref<512xf32, #tpu.memory_space<vmem>>, vector<16xf32>,
    tpu.vector_store %arg13[%swap3A_1606], %add3A_1605 {strides = array<i32>} : memref<512xf32, #tpu.memory_space<vmem>>, vector<16xf32>,
    %get3A_1608 = arith.constant 32 : index
    %get3A_1609 = tpu.vector_load %arg13[%get3A_1608] {strides = array<i32>} : memref<512xf32, #tpu.memory_space<vmem>>, vector<16xf32>,
    %get3A_1610 = arith.constant 32 : index
    %get3A_1611 = tpu.vector_load %arg15[%get3A_1610] {strides = array<i32>} : memref<512xf32, #tpu.memory_space<vmem>>, vector<16xf32>,
    %add3A_1612 = arith.addf %get3A_1609, %get3A_1611 : vector<16xf32>
    %get3A_1613 = arith.constant 32 : index
    %get3A_1614 = tpu.vector_load %arg16[%get3A_1613] {strides = array<i32>} : memref<512xf32, #tpu.memory_space<vmem>>, vector<16xf32>,
    %add3A_1615 = arith.addf %add3A_1612, %get3A_1614 : vector<16xf32>
    %add3A_1616 = arith.addf %add3A_1615, %get3A_1586 : vector<16xf32>
    %swap3A_1617 = arith.constant 32 : index
    %swap3A_1618 = tpu.vector_load %arg13[%swap3A_1617] {strides = array<i32>} : memref<512xf32, #tpu.memory_space<vmem>>, vector<16xf32>,
    tpu.vector_store %arg13[%swap3A_1617], %add3A_1616 {strides = array<i32>} : memref<512xf32, #tpu.memory_space<vmem>>, vector<16xf32>,
    %get3A_1619 = arith.constant 48 : index
    %get3A_1620 = tpu.vector_load %arg13[%get3A_1619] {strides = array<i32>} : memref<512xf32, #tpu.memory_space<vmem>>, vector<16xf32>,
    %get3A_1621 = arith.constant 48 : index
    %get3A_1622 = tpu.vector_load %arg15[%get3A_1621] {strides = array<i32>} : memref<512xf32, #tpu.memory_space<vmem>>, vector<16xf32>,
    %add3A_1623 = arith.addf %get3A_1620, %get3A_1622 : vector<16xf32>
    %get3A_1624 = arith.constant 48 : index
    %get3A_1625 = tpu.vector_load %arg16[%get3A_1624] {strides = array<i32>} : memref<512xf32, #tpu.memory_space<vmem>>, vector<16xf32>,
    %add3A_1626 = arith.addf %add3A_1623, %get3A_1625 : vector<16xf32>
    %add3A_1627 = arith.addf %add3A_1626, %get3A_1586 : vector<16xf32>
    %swap3A_1628 = arith.constant 48 : index
    %swap3A_1629 = tpu.vector_load %arg13[%swap3A_1628] {strides = array<i32>} : memref<512xf32, #tpu.memory_space<vmem>>, vector<16xf32>,
    tpu.vector_store %arg13[%swap3A_1628], %add3A_1627 {strides = array<i32>} : memref<512xf32, #tpu.memory_space<vmem>>, vector<16xf32>,
    %get3A_1630 = arith.constant 64 : index
    %get3A_1631 = tpu.vector_load %arg13[%get3A_1630] {strides = array<i32>} : memref<512xf32, #tpu.memory_space<vmem>>, vector<16xf32>,
    %get3A_1632 = arith.constant 64 : index
    %get3A_1633 = tpu.vector_load %arg15[%get3A_1632] {strides = array<i32>} : memref<512xf32, #tpu.memory_space<vmem>>, vector<16xf32>,
    %add3A_1634 = arith.addf %get3A_1631, %get3A_1633 : vector<16xf32>
    %get3A_1635 = arith.constant 64 : index
    %get3A_1636 = tpu.vector_load %arg16[%get3A_1635] {strides = array<i32>} : memref<512xf32, #tpu.memory_space<vmem>>, vector<16xf32>,
    %add3A_1637 = arith.addf %add3A_1634, %get3A_1636 : vector<16xf32>
    %add3A_1638 = arith.addf %add3A_1637, %get3A_1586 : vector<16xf32>
    %swap3A_1639 = arith.constant 64 : index
    %swap3A_1640 = tpu.vector_load %arg13[%swap3A_1639] {strides = array<i32>} : memref<512xf32, #tpu.memory_space<vmem>>, vector<16xf32>,
    tpu.vector_store %arg13[%swap3A_1639], %add3A_1638 {strides = array<i32>} : memref<512xf32, #tpu.memory_space<vmem>>, vector<16xf32>,
    %get3A_1641 = arith.constant 80 : index
    %get3A_1642 = tpu.vector_load %arg13[%get3A_1641] {strides = array<i32>} : memref<512xf32, #tpu.memory_space<vmem>>, vector<16xf32>,
    %get3A_1643 = arith.constant 80 : index
    %get3A_1644 = tpu.vector_load %arg15[%get3A_1643] {strides = array<i32>} : memref<512xf32, #tpu.memory_space<vmem>>, vector<16xf32>,
    %add3A_1645 = arith.addf %get3A_1642, %get3A_1644 : vector<16xf32>
    %get3A_1646 = arith.constant 80 : index
    %get3A_1647 = tpu.vector_load %arg16[%get3A_1646] {strides = array<i32>} : memref<512xf32, #tpu.memory_space<vmem>>, vector<16xf32>,
    %add3A_1648 = arith.addf %add3A_1645, %get3A_1647 : vector<16xf32>
    %add3A_1649 = arith.addf %add3A_1648, %get3A_1586 : vector<16xf32>
    %swap3A_1650 = arith.constant 80 : index
    %swap3A_1651 = tpu.vector_load %arg13[%swap3A_1650] {strides = array<i32>} : memref<512xf32, #tpu.memory_space<vmem>>, vector<16xf32>,
    tpu.vector_store %arg13[%swap3A_1650], %add3A_1649 {strides = array<i32>} : memref<512xf32, #tpu.memory_space<vmem>>, vector<16xf32>,
    %get3A_1652 = arith.constant 96 : index
    %get3A_1653 = tpu.vector_load %arg13[%get3A_1652] {strides = array<i32>} : memref<512xf32, #tpu.memory_space<vmem>>, vector<16xf32>,
    %get3A_1654 = arith.constant 96 : index
    %get3A_1655 = tpu.vector_load %arg15[%get3A_1654] {strides = array<i32>} : memref<512xf32, #tpu.memory_space<vmem>>, vector<16xf32>,
    %add3A_1656 = arith.addf %get3A_1653, %get3A_1655 : vector<16xf32>
    %get3A_1657 = arith.constant 96 : index
    %get3A_1658 = tpu.vector_load %arg16[%get3A_1657] {strides = array<i32>} : memref<512xf32, #tpu.memory_space<vmem>>, vector<16xf32>,
    %add3A_1659 = arith.addf %add3A_1656, %get3A_1658 : vector<16xf32>
    %add3A_1660 = arith.addf %add3A_1659, %get3A_1586 : vector<16xf32>
    %swap3A_1661 = arith.constant 96 : index
    %swap3A_1662 = tpu.vector_load %arg13[%swap3A_1661] {strides = array<i32>} : memref<512xf32, #tpu.memory_space<vmem>>, vector<16xf32>,
    tpu.vector_store %arg13[%swap3A_1661], %add3A_1660 {strides = array<i32>} : memref<512xf32, #tpu.memory_space<vmem>>, vector<16xf32>,
    %get3A_1663 = arith.constant 112 : index
    %get3A_1664 = tpu.vector_load %arg13[%get3A_1663] {strides = array<i32>} : memref<512xf32, #tpu.memory_space<vmem>>, vector<16xf32>,
    %get3A_1665 = arith.constant 112 : index
    %get3A_1666 = tpu.vector_load %arg15[%get3A_1665] {strides = array<i32>} : memref<512xf32, #tpu.memory_space<vmem>>, vector<16xf32>,
    %add3A_1667 = arith.addf %get3A_1664, %get3A_1666 : vector<16xf32>
    %get3A_1668 = arith.constant 112 : index
    %get3A_1669 = tpu.vector_load %arg16[%get3A_1668] {strides = array<i32>} : memref<512xf32, #tpu.memory_space<vmem>>, vector<16xf32>,
    %add3A_1670 = arith.addf %add3A_1667, %get3A_1669 : vector<16xf32>
    %add3A_1671 = arith.addf %add3A_1670, %get3A_1586 : vector<16xf32>
    %swap3A_1672 = arith.constant 112 : index
    %swap3A_1673 = tpu.vector_load %arg13[%swap3A_1672] {strides = array<i32>} : memref<512xf32, #tpu.memory_space<vmem>>, vector<16xf32>,
    tpu.vector_store %arg13[%swap3A_1672], %add3A_1671 {strides = array<i32>} : memref<512xf32, #tpu.memory_space<vmem>>, vector<16xf32>,
    %get3A_1674 = arith.constant 128 : index
    %get3A_1675 = tpu.vector_load %arg13[%get3A_1674] {strides = array<i32>} : memref<512xf32, #tpu.memory_space<vmem>>, vector<16xf32>,
    %get3A_1676 = arith.constant 128 : index
    %get3A_1677 = tpu.vector_load %arg15[%get3A_1676] {strides = array<i32>} : memref<512xf32, #tpu.memory_space<vmem>>, vector<16xf32>,
    %add3A_1678 = arith.addf %get3A_1675, %get3A_1677 : vector<16xf32>
    %get3A_1679 = arith.constant 128 : index
    %get3A_1680 = tpu.vector_load %arg16[%get3A_1679] {strides = array<i32>} : memref<512xf32, #tpu.memory_space<vmem>>, vector<16xf32>,
    %add3A_1681 = arith.addf %add3A_1678, %get3A_1680 : vector<16xf32>
    %add3A_1682 = arith.addf %add3A_1681, %get3A_1586 : vector<16xf32>
    %swap3A_1683 = arith.constant 128 : index
    %swap3A_1684 = tpu.vector_load %arg13[%swap3A_1683] {strides = array<i32>} : memref<512xf32, #tpu.memory_space<vmem>>, vector<16xf32>,
    tpu.vector_store %arg13[%swap3A_1683], %add3A_1682 {strides = array<i32>} : memref<512xf32, #tpu.memory_space<vmem>>, vector<16xf32>,
    %get3A_1685 = arith.constant 144 : index
    %get3A_1686 = tpu.vector_load %arg13[%get3A_1685] {strides = array<i32>} : memref<512xf32, #tpu.memory_space<vmem>>, vector<16xf32>,
    %get3A_1687 = arith.constant 144 : index
    %get3A_1688 = tpu.vector_load %arg15[%get3A_1687] {strides = array<i32>} : memref<512xf32, #tpu.memory_space<vmem>>, vector<16xf32>,
    %add3A_1689 = arith.addf %get3A_1686, %get3A_1688 : vector<16xf32>
    %get3A_1690 = arith.constant 144 : index
    %get3A_1691 = tpu.vector_load %arg16[%get3A_1690] {strides = array<i32>} : memref<512xf32, #tpu.memory_space<vmem>>, vector<16xf32>,
    %add3A_1692 = arith.addf %add3A_1689, %get3A_1691 : vector<16xf32>
    %add3A_1693 = arith.addf %add3A_1692, %get3A_1586 : vector<16xf32>
    %swap3A_1694 = arith.constant 144 : index
    %swap3A_1695 = tpu.vector_load %arg13[%swap3A_1694] {strides = array<i32>} : memref<512xf32, #tpu.memory_space<vmem>>, vector<16xf32>,
    tpu.vector_store %arg13[%swap3A_1694], %add3A_1693 {strides = array<i32>} : memref<512xf32, #tpu.memory_space<vmem>>, vector<16xf32>,
    %get3A_1696 = arith.constant 160 : index
    %get3A_1697 = tpu.vector_load %arg13[%get3A_1696] {strides = array<i32>} : memref<512xf32, #tpu.memory_space<vmem>>, vector<16xf32>,
    %get3A_1698 = arith.constant 160 : index
    %get3A_1699 = tpu.vector_load %arg15[%get3A_1698] {strides = array<i32>} : memref<512xf32, #tpu.memory_space<vmem>>, vector<16xf32>,
    %add3A_1700 = arith.addf %get3A_1697, %get3A_1699 : vector<16xf32>
    %get3A_1701 = arith.constant 160 : index
    %get3A_1702 = tpu.vector_load %arg16[%get3A_1701] {strides = array<i32>} : memref<512xf32, #tpu.memory_space<vmem>>, vector<16xf32>,
    %add3A_1703 = arith.addf %add3A_1700, %get3A_1702 : vector<16xf32>
    %add3A_1704 = arith.addf %add3A_1703, %get3A_1586 : vector<16xf32>
    %swap3A_1705 = arith.constant 160 : index
    %swap3A_1706 = tpu.vector_load %arg13[%swap3A_1705] {strides = array<i32>} : memref<512xf32, #tpu.memory_space<vmem>>, vector<16xf32>,
    tpu.vector_store %arg13[%swap3A_1705], %add3A_1704 {strides = array<i32>} : memref<512xf32, #tpu.memory_space<vmem>>, vector<16xf32>,
    %get3A_1707 = arith.constant 176 : index
    %get3A_1708 = tpu.vector_load %arg13[%get3A_1707] {strides = array<i32>} : memref<512xf32, #tpu.memory_space<vmem>>, vector<16xf32>,
    %get3A_1709 = arith.constant 176 : index
    %get3A_1710 = tpu.vector_load %arg15[%get3A_1709] {strides = array<i32>} : memref<512xf32, #tpu.memory_space<vmem>>, vector<16xf32>,
    %add3A_1711 = arith.addf %get3A_1708, %get3A_1710 : vector<16xf32>
    %get3A_1712 = arith.constant 176 : index
    %get3A_1713 = tpu.vector_load %arg16[%get3A_1712] {strides = array<i32>} : memref<512xf32, #tpu.memory_space<vmem>>, vector<16xf32>,
    %add3A_1714 = arith.addf %add3A_1711, %get3A_1713 : vector<16xf32>
    %add3A_1715 = arith.addf %add3A_1714, %get3A_1586 : vector<16xf32>
    %swap3A_1716 = arith.constant 176 : index
    %swap3A_1717 = tpu.vector_load %arg13[%swap3A_1716] {strides = array<i32>} : memref<512xf32, #tpu.memory_space<vmem>>, vector<16xf32>,
    tpu.vector_store %arg13[%swap3A_1716], %add3A_1715 {strides = array<i32>} : memref<512xf32, #tpu.memory_space<vmem>>, vector<16xf32>,
    %get3A_1718 = arith.constant 192 : index
    %get3A_1719 = tpu.vector_load %arg13[%get3A_1718] {strides = array<i32>} : memref<512xf32, #tpu.memory_space<vmem>>, vector<16xf32>,
    %get3A_1720 = arith.constant 192 : index
    %get3A_1721 = tpu.vector_load %arg15[%get3A_1720] {strides = array<i32>} : memref<512xf32, #tpu.memory_space<vmem>>, vector<16xf32>,
    %add3A_1722 = arith.addf %get3A_1719, %get3A_1721 : vector<16xf32>
    %get3A_1723 = arith.constant 192 : index
    %get3A_1724 = tpu.vector_load %arg16[%get3A_1723] {strides = array<i32>} : memref<512xf32, #tpu.memory_space<vmem>>, vector<16xf32>,
    %add3A_1725 = arith.addf %add3A_1722, %get3A_1724 : vector<16xf32>
    %add3A_1726 = arith.addf %add3A_1725, %get3A_1586 : vector<16xf32>
    %swap3A_1727 = arith.constant 192 : index
    %swap3A_1728 = tpu.vector_load %arg13[%swap3A_1727] {strides = array<i32>} : memref<512xf32, #tpu.memory_space<vmem>>, vector<16xf32>,
    tpu.vector_store %arg13[%swap3A_1727], %add3A_1726 {strides = array<i32>} : memref<512xf32, #tpu.memory_space<vmem>>, vector<16xf32>,
    %get3A_1729 = arith.constant 208 : index
    %get3A_1730 = tpu.vector_load %arg13[%get3A_1729] {strides = array<i32>} : memref<512xf32, #tpu.memory_space<vmem>>, vector<16xf32>,
    %get3A_1731 = arith.constant 208 : index
    %get3A_1732 = tpu.vector_load %arg15[%get3A_1731] {strides = array<i32>} : memref<512xf32, #tpu.memory_space<vmem>>, vector<16xf32>,
    %add3A_1733 = arith.addf %get3A_1730, %get3A_1732 : vector<16xf32>
    %get3A_1734 = arith.constant 208 : index
    %get3A_1735 = tpu.vector_load %arg16[%get3A_1734] {strides = array<i32>} : memref<512xf32, #tpu.memory_space<vmem>>, vector<16xf32>,
    %add3A_1736 = arith.addf %add3A_1733, %get3A_1735 : vector<16xf32>
    %add3A_1737 = arith.addf %add3A_1736, %get3A_1586 : vector<16xf32>
    %swap3A_1738 = arith.constant 208 : index
    %swap3A_1739 = tpu.vector_load %arg13[%swap3A_1738] {strides = array<i32>} : memref<512xf32, #tpu.memory_space<vmem>>, vector<16xf32>,
    tpu.vector_store %arg13[%swap3A_1738], %add3A_1737 {strides = array<i32>} : memref<512xf32, #tpu.memory_space<vmem>>, vector<16xf32>,
    %get3A_1740 = arith.constant 224 : index
    %get3A_1741 = tpu.vector_load %arg13[%get3A_1740] {strides = array<i32>} : memref<512xf32, #tpu.memory_space<vmem>>, vector<16xf32>,
    %get3A_1742 = arith.constant 224 : index
    %get3A_1743 = tpu.vector_load %arg15[%get3A_1742] {strides = array<i32>} : memref<512xf32, #tpu.memory_space<vmem>>, vector<16xf32>,
    %add3A_1744 = arith.addf %get3A_1741, %get3A_1743 : vector<16xf32>
    %get3A_1745 = arith.constant 224 : index
    %get3A_1746 = tpu.vector_load %arg16[%get3A_1745] {strides = array<i32>} : memref<512xf32, #tpu.memory_space<vmem>>, vector<16xf32>,
    %add3A_1747 = arith.addf %add3A_1744, %get3A_1746 : vector<16xf32>
    %add3A_1748 = arith.addf %add3A_1747, %get3A_1586 : vector<16xf32>
    %swap3A_1749 = arith.constant 224 : index
    %swap3A_1750 = tpu.vector_load %arg13[%swap3A_1749] {strides = array<i32>} : memref<512xf32, #tpu.memory_space<vmem>>, vector<16xf32>,
    tpu.vector_store %arg13[%swap3A_1749], %add3A_1748 {strides = array<i32>} : memref<512xf32, #tpu.memory_space<vmem>>, vector<16xf32>,
    %get3A_1751 = arith.constant 240 : index
    %get3A_1752 = tpu.vector_load %arg13[%get3A_1751] {strides = array<i32>} : memref<512xf32, #tpu.memory_space<vmem>>, vector<16xf32>,
    %get3A_1753 = arith.constant 240 : index
    %get3A_1754 = tpu.vector_load %arg15[%get3A_1753] {strides = array<i32>} : memref<512xf32, #tpu.memory_space<vmem>>, vector<16xf32>,
    %add3A_1755 = arith.addf %get3A_1752, %get3A_1754 : vector<16xf32>
    %get3A_1756 = arith.constant 240 : index
    %get3A_1757 = tpu.vector_load %arg16[%get3A_1756] {strides = array<i32>} : memref<512xf32, #tpu.memory_space<vmem>>, vector<16xf32>,
    %add3A_1758 = arith.addf %add3A_1755, %get3A_1757 : vector<16xf32>
    %add3A_1759 = arith.addf %add3A_1758, %get3A_1586 : vector<16xf32>
    %swap3A_1760 = arith.constant 240 : index
    %swap3A_1761 = tpu.vector_load %arg13[%swap3A_1760] {strides = array<i32>} : memref<512xf32, #tpu.memory_space<vmem>>, vector<16xf32>,
    tpu.vector_store %arg13[%swap3A_1760], %add3A_1759 {strides = array<i32>} : memref<512xf32, #tpu.memory_space<vmem>>, vector<16xf32>,
    %get3A_1762 = arith.constant 256 : index
    %get3A_1763 = tpu.vector_load %arg13[%get3A_1762] {strides = array<i32>} : memref<512xf32, #tpu.memory_space<vmem>>, vector<16xf32>,
    %get3A_1764 = arith.constant 256 : index
    %get3A_1765 = tpu.vector_load %arg15[%get3A_1764] {strides = array<i32>} : memref<512xf32, #tpu.memory_space<vmem>>, vector<16xf32>,
    %add3A_1766 = arith.addf %get3A_1763, %get3A_1765 : vector<16xf32>
    %get3A_1767 = arith.constant 256 : index
    %get3A_1768 = tpu.vector_load %arg16[%get3A_1767] {strides = array<i32>} : memref<512xf32, #tpu.memory_space<vmem>>, vector<16xf32>,
    %add3A_1769 = arith.addf %add3A_1766, %get3A_1768 : vector<16xf32>
    %add3A_1770 = arith.addf %add3A_1769, %get3A_1586 : vector<16xf32>
    %swap3A_1771 = arith.constant 256 : index
    %swap3A_1772 = tpu.vector_load %arg13[%swap3A_1771] {strides = array<i32>} : memref<512xf32, #tpu.memory_space<vmem>>, vector<16xf32>,
    tpu.vector_store %arg13[%swap3A_1771], %add3A_1770 {strides = array<i32>} : memref<512xf32, #tpu.memory_space<vmem>>, vector<16xf32>,
    %get3A_1773 = arith.constant 272 : index
    %get3A_1774 = tpu.vector_load %arg13[%get3A_1773] {strides = array<i32>} : memref<512xf32, #tpu.memory_space<vmem>>, vector<16xf32>,
    %get3A_1775 = arith.constant 272 : index
    %get3A_1776 = tpu.vector_load %arg15[%get3A_1775] {strides = array<i32>} : memref<512xf32, #tpu.memory_space<vmem>>, vector<16xf32>,
    %add3A_1777 = arith.addf %get3A_1774, %get3A_1776 : vector<16xf32>
    %get3A_1778 = arith.constant 272 : index
    %get3A_1779 = tpu.vector_load %arg16[%get3A_1778] {strides = array<i32>} : memref<512xf32, #tpu.memory_space<vmem>>, vector<16xf32>,
    %add3A_1780 = arith.addf %add3A_1777, %get3A_1779 : vector<16xf32>
    %add3A_1781 = arith.addf %add3A_1780, %get3A_1586 : vector<16xf32>
    %swap3A_1782 = arith.constant 272 : index
    %swap3A_1783 = tpu.vector_load %arg13[%swap3A_1782] {strides = array<i32>} : memref<512xf32, #tpu.memory_space<vmem>>, vector<16xf32>,
    tpu.vector_store %arg13[%swap3A_1782], %add3A_1781 {strides = array<i32>} : memref<512xf32, #tpu.memory_space<vmem>>, vector<16xf32>,
    %get3A_1784 = arith.constant 288 : index
    %get3A_1785 = tpu.vector_load %arg13[%get3A_1784] {strides = array<i32>} : memref<512xf32, #tpu.memory_space<vmem>>, vector<16xf32>,
    %get3A_1786 = arith.constant 288 : index
    %get3A_1787 = tpu.vector_load %arg15[%get3A_1786] {strides = array<i32>} : memref<512xf32, #tpu.memory_space<vmem>>, vector<16xf32>,
    %add3A_1788 = arith.addf %get3A_1785, %get3A_1787 : vector<16xf32>
    %get3A_1789 = arith.constant 288 : index
    %get3A_1790 = tpu.vector_load %arg16[%get3A_1789] {strides = array<i32>} : memref<512xf32, #tpu.memory_space<vmem>>, vector<16xf32>,
    %add3A_1791 = arith.addf %add3A_1788, %get3A_1790 : vector<16xf32>
    %add3A_1792 = arith.addf %add3A_1791, %get3A_1586 : vector<16xf32>
    %swap3A_1793 = arith.constant 288 : index
    %swap3A_1794 = tpu.vector_load %arg13[%swap3A_1793] {strides = array<i32>} : memref<512xf32, #tpu.memory_space<vmem>>, vector<16xf32>,
    tpu.vector_store %arg13[%swap3A_1793], %add3A_1792 {strides = array<i32>} : memref<512xf32, #tpu.memory_space<vmem>>, vector<16xf32>,
    %get3A_1795 = arith.constant 304 : index
    %get3A_1796 = tpu.vector_load %arg13[%get3A_1795] {strides = array<i32>} : memref<512xf32, #tpu.memory_space<vmem>>, vector<16xf32>,
    %get3A_1797 = arith.constant 304 : index
    %get3A_1798 = tpu.vector_load %arg15[%get3A_1797] {strides = array<i32>} : memref<512xf32, #tpu.memory_space<vmem>>, vector<16xf32>,
    %add3A_1799 = arith.addf %get3A_1796, %get3A_1798 : vector<16xf32>
    %get3A_1800 = arith.constant 304 : index
    %get3A_1801 = tpu.vector_load %arg16[%get3A_1800] {strides = array<i32>} : memref<512xf32, #tpu.memory_space<vmem>>, vector<16xf32>,
    %add3A_1802 = arith.addf %add3A_1799, %get3A_1801 : vector<16xf32>
    %add3A_1803 = arith.addf %add3A_1802, %get3A_1586 : vector<16xf32>
    %swap3A_1804 = arith.constant 304 : index
    %swap3A_1805 = tpu.vector_load %arg13[%swap3A_1804] {strides = array<i32>} : memref<512xf32, #tpu.memory_space<vmem>>, vector<16xf32>,
    tpu.vector_store %arg13[%swap3A_1804], %add3A_1803 {strides = array<i32>} : memref<512xf32, #tpu.memory_space<vmem>>, vector<16xf32>,
    %get3A_1806 = arith.constant 320 : index
    %get3A_1807 = tpu.vector_load %arg13[%get3A_1806] {strides = array<i32>} : memref<512xf32, #tpu.memory_space<vmem>>, vector<16xf32>,
    %get3A_1808 = arith.constant 320 : index
    %get3A_1809 = tpu.vector_load %arg15[%get3A_1808] {strides = array<i32>} : memref<512xf32, #tpu.memory_space<vmem>>, vector<16xf32>,
    %add3A_1810 = arith.addf %get3A_1807, %get3A_1809 : vector<16xf32>
    %get3A_1811 = arith.constant 320 : index
    %get3A_1812 = tpu.vector_load %arg16[%get3A_1811] {strides = array<i32>} : memref<512xf32, #tpu.memory_space<vmem>>, vector<16xf32>,
    %add3A_1813 = arith.addf %add3A_1810, %get3A_1812 : vector<16xf32>
    %add3A_1814 = arith.addf %add3A_1813, %get3A_1586 : vector<16xf32>
    %swap3A_1815 = arith.constant 320 : index
    %swap3A_1816 = tpu.vector_load %arg13[%swap3A_1815] {strides = array<i32>} : memref<512xf32, #tpu.memory_space<vmem>>, vector<16xf32>,
    tpu.vector_store %arg13[%swap3A_1815], %add3A_1814 {strides = array<i32>} : memref<512xf32, #tpu.memory_space<vmem>>, vector<16xf32>,
    %get3A_1817 = arith.constant 336 : index
    %get3A_1818 = tpu.vector_load %arg13[%get3A_1817] {strides = array<i32>} : memref<512xf32, #tpu.memory_space<vmem>>, vector<16xf32>,
    %get3A_1819 = arith.constant 336 : index
    %get3A_1820 = tpu.vector_load %arg15[%get3A_1819] {strides = array<i32>} : memref<512xf32, #tpu.memory_space<vmem>>, vector<16xf32>,
    %add3A_1821 = arith.addf %get3A_1818, %get3A_1820 : vector<16xf32>
    %get3A_1822 = arith.constant 336 : index
    %get3A_1823 = tpu.vector_load %arg16[%get3A_1822] {strides = array<i32>} : memref<512xf32, #tpu.memory_space<vmem>>, vector<16xf32>,
    %add3A_1824 = arith.addf %add3A_1821, %get3A_1823 : vector<16xf32>
    %add3A_1825 = arith.addf %add3A_1824, %get3A_1586 : vector<16xf32>
    %swap3A_1826 = arith.constant 336 : index
    %swap3A_1827 = tpu.vector_load %arg13[%swap3A_1826] {strides = array<i32>} : memref<512xf32, #tpu.memory_space<vmem>>, vector<16xf32>,
    tpu.vector_store %arg13[%swap3A_1826], %add3A_1825 {strides = array<i32>} : memref<512xf32, #tpu.memory_space<vmem>>, vector<16xf32>,
    %get3A_1828 = arith.constant 352 : index
    %get3A_1829 = tpu.vector_load %arg13[%get3A_1828] {strides = array<i32>} : memref<512xf32, #tpu.memory_space<vmem>>, vector<16xf32>,
    %get3A_1830 = arith.constant 352 : index
    %get3A_1831 = tpu.vector_load %arg15[%get3A_1830] {strides = array<i32>} : memref<512xf32, #tpu.memory_space<vmem>>, vector<16xf32>,
    %add3A_1832 = arith.addf %get3A_1829, %get3A_1831 : vector<16xf32>
    %get3A_1833 = arith.constant 352 : index
    %get3A_1834 = tpu.vector_load %arg16[%get3A_1833] {strides = array<i32>} : memref<512xf32, #tpu.memory_space<vmem>>, vector<16xf32>,
    %add3A_1835 = arith.addf %add3A_1832, %get3A_1834 : vector<16xf32>
    %add3A_1836 = arith.addf %add3A_1835, %get3A_1586 : vector<16xf32>
    %swap3A_1837 = arith.constant 352 : index
    %swap3A_1838 = tpu.vector_load %arg13[%swap3A_1837] {strides = array<i32>} : memref<512xf32, #tpu.memory_space<vmem>>, vector<16xf32>,
    tpu.vector_store %arg13[%swap3A_1837], %add3A_1836 {strides = array<i32>} : memref<512xf32, #tpu.memory_space<vmem>>, vector<16xf32>,
    %get3A_1839 = arith.constant 368 : index
    %get3A_1840 = tpu.vector_load %arg13[%get3A_1839] {strides = array<i32>} : memref<512xf32, #tpu.memory_space<vmem>>, vector<16xf32>,
    %get3A_1841 = arith.constant 368 : index
    %get3A_1842 = tpu.vector_load %arg15[%get3A_1841] {strides = array<i32>} : memref<512xf32, #tpu.memory_space<vmem>>, vector<16xf32>,
    %add3A_1843 = arith.addf %get3A_1840, %get3A_1842 : vector<16xf32>
    %get3A_1844 = arith.constant 368 : index
    %get3A_1845 = tpu.vector_load %arg16[%get3A_1844] {strides = array<i32>} : memref<512xf32, #tpu.memory_space<vmem>>, vector<16xf32>,
    %add3A_1846 = arith.addf %add3A_1843, %get3A_1845 : vector<16xf32>
    %add3A_1847 = arith.addf %add3A_1846, %get3A_1586 : vector<16xf32>
    %swap3A_1848 = arith.constant 368 : index
    %swap3A_1849 = tpu.vector_load %arg13[%swap3A_1848] {strides = array<i32>} : memref<512xf32, #tpu.memory_space<vmem>>, vector<16xf32>,
    tpu.vector_store %arg13[%swap3A_1848], %add3A_1847 {strides = array<i32>} : memref<512xf32, #tpu.memory_space<vmem>>, vector<16xf32>,
    %get3A_1850 = arith.constant 384 : index
    %get3A_1851 = tpu.vector_load %arg13[%get3A_1850] {strides = array<i32>} : memref<512xf32, #tpu.memory_space<vmem>>, vector<16xf32>,
    %get3A_1852 = arith.constant 384 : index
    %get3A_1853 = tpu.vector_load %arg15[%get3A_1852] {strides = array<i32>} : memref<512xf32, #tpu.memory_space<vmem>>, vector<16xf32>,
    %add3A_1854 = arith.addf %get3A_1851, %get3A_1853 : vector<16xf32>
    %get3A_1855 = arith.constant 384 : index
    %get3A_1856 = tpu.vector_load %arg16[%get3A_1855] {strides = array<i32>} : memref<512xf32, #tpu.memory_space<vmem>>, vector<16xf32>,
    %add3A_1857 = arith.addf %add3A_1854, %get3A_1856 : vector<16xf32>
    %add3A_1858 = arith.addf %add3A_1857, %get3A_1586 : vector<16xf32>
    %swap3A_1859 = arith.constant 384 : index
    %swap3A_1860 = tpu.vector_load %arg13[%swap3A_1859] {strides = array<i32>} : memref<512xf32, #tpu.memory_space<vmem>>, vector<16xf32>,
    tpu.vector_store %arg13[%swap3A_1859], %add3A_1858 {strides = array<i32>} : memref<512xf32, #tpu.memory_space<vmem>>, vector<16xf32>,
    %get3A_1861 = arith.constant 400 : index
    %get3A_1862 = tpu.vector_load %arg13[%get3A_1861] {strides = array<i32>} : memref<512xf32, #tpu.memory_space<vmem>>, vector<16xf32>,
    %get3A_1863 = arith.constant 400 : index
    %get3A_1864 = tpu.vector_load %arg15[%get3A_1863] {strides = array<i32>} : memref<512xf32, #tpu.memory_space<vmem>>, vector<16xf32>,
    %add3A_1865 = arith.addf %get3A_1862, %get3A_1864 : vector<16xf32>
    %get3A_1866 = arith.constant 400 : index
    %get3A_1867 = tpu.vector_load %arg16[%get3A_1866] {strides = array<i32>} : memref<512xf32, #tpu.memory_space<vmem>>, vector<16xf32>,
    %add3A_1868 = arith.addf %add3A_1865, %get3A_1867 : vector<16xf32>
    %add3A_1869 = arith.addf %add3A_1868, %get3A_1586 : vector<16xf32>
    %swap3A_1870 = arith.constant 400 : index
    %swap3A_1871 = tpu.vector_load %arg13[%swap3A_1870] {strides = array<i32>} : memref<512xf32, #tpu.memory_space<vmem>>, vector<16xf32>,
    tpu.vector_store %arg13[%swap3A_1870], %add3A_1869 {strides = array<i32>} : memref<512xf32, #tpu.memory_space<vmem>>, vector<16xf32>,
    %get3A_1872 = arith.constant 416 : index
    %get3A_1873 = tpu.vector_load %arg13[%get3A_1872] {strides = array<i32>} : memref<512xf32, #tpu.memory_space<vmem>>, vector<16xf32>,
    %get3A_1874 = arith.constant 416 : index
    %get3A_1875 = tpu.vector_load %arg15[%get3A_1874] {strides = array<i32>} : memref<512xf32, #tpu.memory_space<vmem>>, vector<16xf32>,
    %add3A_1876 = arith.addf %get3A_1873, %get3A_1875 : vector<16xf32>
    %get3A_1877 = arith.constant 416 : index
    %get3A_1878 = tpu.vector_load %arg16[%get3A_1877] {strides = array<i32>} : memref<512xf32, #tpu.memory_space<vmem>>, vector<16xf32>,
    %add3A_1879 = arith.addf %add3A_1876, %get3A_1878 : vector<16xf32>
    %add3A_1880 = arith.addf %add3A_1879, %get3A_1586 : vector<16xf32>
    %swap3A_1881 = arith.constant 416 : index
    %swap3A_1882 = tpu.vector_load %arg13[%swap3A_1881] {strides = array<i32>} : memref<512xf32, #tpu.memory_space<vmem>>, vector<16xf32>,
    tpu.vector_store %arg13[%swap3A_1881], %add3A_1880 {strides = array<i32>} : memref<512xf32, #tpu.memory_space<vmem>>, vector<16xf32>,
    %get3A_1883 = arith.constant 432 : index
    %get3A_1884 = tpu.vector_load %arg13[%get3A_1883] {strides = array<i32>} : memref<512xf32, #tpu.memory_space<vmem>>, vector<16xf32>,
    %get3A_1885 = arith.constant 432 : index
    %get3A_1886 = tpu.vector_load %arg15[%get3A_1885] {strides = array<i32>} : memref<512xf32, #tpu.memory_space<vmem>>, vector<16xf32>,
    %add3A_1887 = arith.addf %get3A_1884, %get3A_1886 : vector<16xf32>
    %get3A_1888 = arith.constant 432 : index
    %get3A_1889 = tpu.vector_load %arg16[%get3A_1888] {strides = array<i32>} : memref<512xf32, #tpu.memory_space<vmem>>, vector<16xf32>,
    %add3A_1890 = arith.addf %add3A_1887, %get3A_1889 : vector<16xf32>
    %add3A_1891 = arith.addf %add3A_1890, %get3A_1586 : vector<16xf32>
    %swap3A_1892 = arith.constant 432 : index
    %swap3A_1893 = tpu.vector_load %arg13[%swap3A_1892] {strides = array<i32>} : memref<512xf32, #tpu.memory_space<vmem>>, vector<16xf32>,
    tpu.vector_store %arg13[%swap3A_1892], %add3A_1891 {strides = array<i32>} : memref<512xf32, #tpu.memory_space<vmem>>, vector<16xf32>,
    %get3A_1894 = arith.constant 448 : index
    %get3A_1895 = tpu.vector_load %arg13[%get3A_1894] {strides = array<i32>} : memref<512xf32, #tpu.memory_space<vmem>>, vector<16xf32>,
    %get3A_1896 = arith.constant 448 : index
    %get3A_1897 = tpu.vector_load %arg15[%get3A_1896] {strides = array<i32>} : memref<512xf32, #tpu.memory_space<vmem>>, vector<16xf32>,
    %add3A_1898 = arith.addf %get3A_1895, %get3A_1897 : vector<16xf32>
    %get3A_1899 = arith.constant 448 : index
    %get3A_1900 = tpu.vector_load %arg16[%get3A_1899] {strides = array<i32>} : memref<512xf32, #tpu.memory_space<vmem>>, vector<16xf32>,
    %add3A_1901 = arith.addf %add3A_1898, %get3A_1900 : vector<16xf32>
    %add3A_1902 = arith.addf %add3A_1901, %get3A_1586 : vector<16xf32>
    %swap3A_1903 = arith.constant 448 : index
    %swap3A_1904 = tpu.vector_load %arg13[%swap3A_1903] {strides = array<i32>} : memref<512xf32, #tpu.memory_space<vmem>>, vector<16xf32>,
    tpu.vector_store %arg13[%swap3A_1903], %add3A_1902 {strides = array<i32>} : memref<512xf32, #tpu.memory_space<vmem>>, vector<16xf32>,
    %get3A_1905 = arith.constant 464 : index
    %get3A_1906 = tpu.vector_load %arg13[%get3A_1905] {strides = array<i32>} : memref<512xf32, #tpu.memory_space<vmem>>, vector<16xf32>,
    %get3A_1907 = arith.constant 464 : index
    %get3A_1908 = tpu.vector_load %arg15[%get3A_1907] {strides = array<i32>} : memref<512xf32, #tpu.memory_space<vmem>>, vector<16xf32>,
    %add3A_1909 = arith.addf %get3A_1906, %get3A_1908 : vector<16xf32>
    %get3A_1910 = arith.constant 464 : index
    %get3A_1911 = tpu.vector_load %arg16[%get3A_1910] {strides = array<i32>} : memref<512xf32, #tpu.memory_space<vmem>>, vector<16xf32>,
    %add3A_1912 = arith.addf %add3A_1909, %get3A_1911 : vector<16xf32>
    %add3A_1913 = arith.addf %add3A_1912, %get3A_1586 : vector<16xf32>
    %swap3A_1914 = arith.constant 464 : index
    %swap3A_1915 = tpu.vector_load %arg13[%swap3A_1914] {strides = array<i32>} : memref<512xf32, #tpu.memory_space<vmem>>, vector<16xf32>,
    tpu.vector_store %arg13[%swap3A_1914], %add3A_1913 {strides = array<i32>} : memref<512xf32, #tpu.memory_space<vmem>>, vector<16xf32>,
    %get3A_1916 = arith.constant 480 : index
    %get3A_1917 = tpu.vector_load %arg13[%get3A_1916] {strides = array<i32>} : memref<512xf32, #tpu.memory_space<vmem>>, vector<16xf32>,
    %get3A_1918 = arith.constant 480 : index
    %get3A_1919 = tpu.vector_load %arg15[%get3A_1918] {strides = array<i32>} : memref<512xf32, #tpu.memory_space<vmem>>, vector<16xf32>,
    %add3A_1920 = arith.addf %get3A_1917, %get3A_1919 : vector<16xf32>
    %get3A_1921 = arith.constant 480 : index
    %get3A_1922 = tpu.vector_load %arg16[%get3A_1921] {strides = array<i32>} : memref<512xf32, #tpu.memory_space<vmem>>, vector<16xf32>,
    %add3A_1923 = arith.addf %add3A_1920, %get3A_1922 : vector<16xf32>
    %add3A_1924 = arith.addf %add3A_1923, %get3A_1586 : vector<16xf32>
    %swap3A_1925 = arith.constant 480 : index
    %swap3A_1926 = tpu.vector_load %arg13[%swap3A_1925] {strides = array<i32>} : memref<512xf32, #tpu.memory_space<vmem>>, vector<16xf32>,
    tpu.vector_store %arg13[%swap3A_1925], %add3A_1924 {strides = array<i32>} : memref<512xf32, #tpu.memory_space<vmem>>, vector<16xf32>,
    %get3A_1927 = arith.constant 496 : index
    %get3A_1928 = tpu.vector_load %arg13[%get3A_1927] {strides = array<i32>} : memref<512xf32, #tpu.memory_space<vmem>>, vector<16xf32>,
    %get3A_1929 = arith.constant 496 : index
    %get3A_1930 = tpu.vector_load %arg15[%get3A_1929] {strides = array<i32>} : memref<512xf32, #tpu.memory_space<vmem>>, vector<16xf32>,
    %add3A_1931 = arith.addf %get3A_1928, %get3A_1930 : vector<16xf32>
    %get3A_1932 = arith.constant 496 : index
    %get3A_1933 = tpu.vector_load %arg16[%get3A_1932] {strides = array<i32>} : memref<512xf32, #tpu.memory_space<vmem>>, vector<16xf32>,
    %add3A_1934 = arith.addf %add3A_1931, %get3A_1933 : vector<16xf32>
    %add3A_1935 = arith.addf %add3A_1934, %get3A_1586 : vector<16xf32>
    %swap3A_1936 = arith.constant 496 : index
    %swap3A_1937 = tpu.vector_load %arg13[%swap3A_1936] {strides = array<i32>} : memref<512xf32, #tpu.memory_space<vmem>>, vector<16xf32>,
    tpu.vector_store %arg13[%swap3A_1936], %add3A_1935 {strides = array<i32>} : memref<512xf32, #tpu.memory_space<vmem>>, vector<16xf32>,
    "tpu.region"() ({
      %run_scoped3A = tpu.sem_alloc : memref<!tpu.dma_semaphore, #tpu.memory_space<semaphore_mem>>
      %dma_start3A_1938 = tpu.memref_slice %arg9[%mul3A_2] : memref<16384xf32, #tpu.memory_space<hbm>> -> memref<512xf32, #tpu.memory_space<hbm>>
      %dma_start3A_1939 = tpu.memref_slice %arg9[%mul3A_2] : memref<16384xf32, #tpu.memory_space<hbm>> -> memref<512xf32, #tpu.memory_space<hbm>>
      tpu.enqueue_dma source(%arg13 : memref<512xf32, #tpu.memory_space<vmem>>) target(%dma_start3A_1939 : memref<512xf32, #tpu.memory_space<hbm>>) target_semaphore(%run_scoped3A : memref<!tpu.dma_semaphore, #tpu.memory_space<semaphore_mem>>)
      %dma_wait3A_1940 = tpu.memref_slice %arg9[%mul3A_2] : memref<16384xf32, #tpu.memory_space<hbm>> -> memref<512xf32, #tpu.memory_space<hbm>>
      %dma_wait3A_1941 = tpu.memref_slice %arg9[%mul3A_2] : memref<16384xf32, #tpu.memory_space<hbm>> -> memref<512xf32, #tpu.memory_space<hbm>>
      tpu.wait_dma2 semaphore(%run_scoped3A : memref<!tpu.dma_semaphore, #tpu.memory_space<semaphore_mem>>) src(%arg13 : memref<512xf32, #tpu.memory_space<vmem>>) dst(%dma_wait3A_1941 : memref<512xf32, #tpu.memory_space<hbm>>)
      tpu.yield
    }) : () -> ()
    return
  }
}

</mosaic_0001>

<sc_bundles>
// kernel: kernel.3.cloned.1.call-start
scs
__scs_entry_jumppad:
0x0: {  	(pc) =	sbr.rel $0x88, $3  }
0x1: {  	(tag) =	ssettag $0x0;
	lr =	simm.s32 $0x1  }
0x2: {  	[smem:$0x3F9B] =	sst lr;
	_ =	strace $0xD0000000  }
0x3: {  	_ = 	snop  }
0x4: {  	_ = 	snop  }
0x5: {  	_ = 	snop  }
0x6: {  	_ = 	snop  }
0x7: {  	_ = 	snop  }
__scs_overlays_trampoline_lowered:
0x8: {  	[smem:$0x3FAA] =	sst s0  }
0x9: {  	[smem:$0x3FAB] =	sst s1  }
0xa: {  	[smem:$0x3FAC] =	sst s2  }
0xb: {  	[smem:$0x3FAD] =	sst s3  }
0xc: {  	[smem:$0x3FAE] =	sst s4  }
0xd: {  	[smem:$0x3FAF] =	sst s5  }
0xe: {  	[smem:$0x3FB0] =	sst s6  }
0xf: {  	[smem:$0x3FB1] =	sst s7  }
0x10: {  	[smem:$0x3FB2] =	sst s8  }
0x11: {  	[smem:$0x3FB3] =	sst s9;
	s0 =	simm.s32 @!p0 $0x0  }
0x12: {  	s1 =	sld [smem:$0x3F99];
	s0 =	simm.s32 @p0 $0x1  }
0x13: {  	[smem:$0x3FB4] =	sst s0;
	s0 =	simm.s32 @!p1 $0x0  }
0x14: {  	s2 =	sld [smem:$0x3F98];
	s0 =	simm.s32 @p1 $0x1  }
0x15: {  	[smem:$0x3FB5] =	sst s0;
	s0 =	simm.s32 @!p2 $0x0  }
0x16: {  	s3 =	sld [smem:$0x3FDB];
	s0 =	simm.s32 @p2 $0x1  }
0x17: {  	s4 =	simm.s32 $0x1BF5;
	[smem:$0x3FB7] =	sst s0  }
0x18: {  	s0 =	sld [smem:$0x3F9A];
	_ =	swait.ge [sflag:s4], $0x0  }
0x19: {  	s7 =	sld [smem:$0x3F9B]  }
0x1a: {  	s8 =	sadd.s32 $0xFFFFE003, lr  }
0x1b: {  	s9 =	sadd.s32 $0xFFFFFEF7, lr;
	s5 =	simm.s32 $0xFFFFFFFF;
	p2 =	slt.u32 s8, $0xFFFFF086  }
0x1c: {  	p1 =	slt.u32 s9, $0xF7A;
	s5 =	simm.s32 @!p2 $0x0  }
0x1d: {  	s5 =	simm.s32 @p1 $0x1;
	p0 =	seq.s32 s7, s2  }
0x1e: {  	s7 =	smul.u32 @!p0 $0xF7A, s2;
	p2 =	seq.s32 @!p0 s5, $0x0  }
0x1f: {  	s9 =	smul.u32 $0xF7A, s1;
	s8 =	simm.s32 @!p0 $0x1BF5;
	p2 =	por !p2, p0  }
0x20: {  	[sflag:s8] =	ssyncset.s32 @!p0 $0xFFFFF086;
	s6 =	sadd.s32 @!p0 s3, s7;
	s7 =	simm.s32 @!p0 $0x108  }
0x21: {  	s3 =	sadd.s32 s3, s9;
	s6 =	sadd.s32 @!p0 $0x88, s6;
	s7 =	simm.s32 @p2 $0x1082  }
0x22: {  	[simem:s7], [sflag:s8] =	dma.local @!p0 [hbm:s6], $0xF7A  }
0x23: {  	s9 =	sor.u32 $0xD0000000, s2;
	s6 =	simm.s32 $0x108;
	_ =	swait.ge @!p0 [sflag:s8], $0x0  }
0x24: {  	s3 =	sadd.s32 $0x88, s3;
	s6 =	simm.s32 @!p1 $0x1082;
	[sflag:s4] =	ssyncset.s32 $0xFFFFF086  }
0x25: {  	[simem:s6], [sflag:s4] =	dma.local [hbm:s3], $0xF7A  }
0x26: {  	[smem:$0x3F9B] =	sst s1;
	(tag) =	ssettag s2;
	_ =	strace s9  }
0x27: {  	s1 =	sld [smem:$0x3FAB]  }
0x28: {  	s2 =	sld [smem:$0x3FAC]  }
0x29: {  	s4 =	sld [smem:$0x3FAE]  }
0x2a: {  	p0 =	seq.s32 s5, $0x0;
	s5 =	sld [smem:$0x3FAF]  }
0x2b: {  	s6 =	sld [smem:$0x3FB0]  }
0x2c: {  	s7 =	sld [smem:$0x3FB1]  }
0x2d: {  	s3 =	simm.s32 $0x108;
	s8 =	sld [smem:$0x3FB2]  }
0x2e: {  	s3 =	simm.s32 @!p0 $0x1082;
	s9 =	sld [smem:$0x3FB3]  }
0x2f: {  	lr =	sadd.s32 s0, s3;
	s0 =	sld [smem:$0x3FAA]  }
0x30: {  	s3 =	sld [smem:$0x3FAD]  }
0x31: {  	[smem:$0x3FB6] =	sst s10  }
0x32: {  	s10 =	sld [smem:$0x3FB4];
	_ =	sdelay $0x3  }
0x33: {  	p0 =	seq.s32 s10, $0x1;
	s10 =	sld [smem:$0x3FB6];
	_ =	sdelay $0x3  }
0x34: {  	[smem:$0x3FB6] =	sst s10  }
0x35: {  	s10 =	sld [smem:$0x3FB5];
	_ =	sdelay $0x3  }
0x36: {  	p1 =	seq.s32 s10, $0x1;
	s10 =	sld [smem:$0x3FB6];
	_ =	sdelay $0x3  }
0x37: {  	[smem:$0x3FB6] =	sst s10  }
0x38: {  	s10 =	sld [smem:$0x3FB7]  }
0x39: {  	_ = 	snop;
	(pc) =	sbr.ind lr, $3  }
0x3a: {  	_ = 	snop  }
0x3b: {  	_ = 	snop  }
0x3c: {  	p2 =	seq.s32 s10, $0x1;
	s10 =	sld [smem:$0x3FB6]  }
0x3d: {  	_ =	shalt  }
0x3e: {  	_ =	shalt  }
0x3f: {  	_ =	shalt  }
0x40: {  	_ =	shalt  }
0x41: {  	_ =	shalt  }
0x42: {  	_ =	shalt  }
0x43: {  	_ =	shalt  }
0x44: {  	_ =	shalt  }
0x45: {  	_ =	shalt  }
0x46: {  	_ =	shalt  }
0x47: {  	_ =	shalt  }
0x48: {  	_ =	shalt  }
0x49: {  	_ =	shalt  }
0x4a: {  	_ =	shalt  }
0x4b: {  	_ =	shalt  }
0x4c: {  	_ =	shalt  }
0x4d: {  	_ =	shalt  }
0x4e: {  	_ =	shalt  }
0x4f: {  	_ =	shalt  }
0x50: {  	_ =	shalt  }
0x51: {  	_ =	shalt  }
0x52: {  	_ =	shalt  }
0x53: {  	_ =	shalt  }
0x54: {  	_ =	shalt  }
0x55: {  	_ =	shalt  }
0x56: {  	_ =	shalt  }
0x57: {  	_ =	shalt  }
0x58: {  	_ =	shalt  }
0x59: {  	_ =	shalt  }
0x5a: {  	_ =	shalt  }
0x5b: {  	_ =	shalt  }
0x5c: {  	_ =	shalt  }
0x5d: {  	_ =	shalt  }
0x5e: {  	_ =	shalt  }
0x5f: {  	_ =	shalt  }
0x60: {  	_ =	shalt  }
0x61: {  	_ =	shalt  }
0x62: {  	_ =	shalt  }
0x63: {  	_ =	shalt  }
0x64: {  	_ =	shalt  }
0x65: {  	_ =	shalt  }
0x66: {  	_ =	shalt  }
0x67: {  	_ =	shalt  }
0x68: {  	_ =	shalt  }
0x69: {  	_ =	shalt  }
0x6a: {  	_ =	shalt  }
0x6b: {  	_ =	shalt  }
0x6c: {  	_ =	shalt  }
0x6d: {  	_ =	shalt  }
0x6e: {  	_ =	shalt  }
0x6f: {  	_ =	shalt  }
0x70: {  	_ =	shalt  }
0x71: {  	_ =	shalt  }
0x72: {  	_ =	shalt  }
0x73: {  	_ =	shalt  }
0x74: {  	_ =	shalt  }
0x75: {  	_ =	shalt  }
0x76: {  	_ =	shalt  }
0x77: {  	_ =	shalt  }
0x78: {  	_ =	shalt  }
0x79: {  	_ =	shalt  }
0x7a: {  	_ =	shalt  }
0x7b: {  	_ =	shalt  }
0x7c: {  	_ =	shalt  }
0x7d: {  	_ =	shalt  }
0x7e: {  	_ =	shalt  }
0x7f: {  	_ =	shalt  }
0x80: {  	_ =	shalt  }
0x81: {  	_ =	shalt  }
0x82: {  	_ =	shalt  }
0x83: {  	_ =	shalt  }
0x84: {  	_ =	shalt  }
0x85: {  	_ =	shalt  }
0x86: {  	_ =	shalt  }
0x87: {  	_ =	shalt  }
.Lfunc_end0:
.L_simem_size_0:
called_computation_lowered:
.L_overlay_start_0:
0x88: {  	s2 =	sld [smem:$0x3FD9]  }
0x89: {  	s3 =	sld [smem:$0x3FFE];
	_ =	sdelay $0x1  }
0x8a: {  	s1 =	srdreg.scid  }
0x8b: {  	s0 =	sand.u32 $0x1, s1  }
0x8c: {  	s17 =	sshll.u32 s0, $0xA;
	s2 =	sadd.s32 s3, s2  }
0x8d: {  	s2 =	sadd.s32 s2, s17  }
0x8e: {  	[smem:$0x3FC2] =	sst s2  }
0x8f: {  	_ = 	snop  }
0x90: {  	s2 =	sld [smem:$0x3FC8]  }
0x91: {  	s18 =	sld [smem:$0x3FC7]  }
0x92: {  	s4 =	sld [smem:$0x3FC6]  }
0x93: {  	s5 =	sld [smem:$0x3FC5]  }
0x94: {  	s6 =	sld [smem:$0x3FD0];
	(tm) =	ssettm $0x1  }
0x95: {  	s7 =	sld [smem:$0x3FFB];
	_ =	sdelay $0x3  }
0x96: {  	_ =	strace s7  }
0x97: {  	s7 =	sld [smem:$0x3FFC];
	_ =	sdelay $0x3  }
0x98: {  	_ =	strace s7  }
0x99: {  	s7 =	sld [smem:$0x3FFD];
	_ =	sdelay $0x3  }
0x9a: {  	_ =	strace s7  }
0x9b: {  	_ =	strace $0x8FFFFFFF  }
0x9c: {  	s19 =	sld [smem:$0x3FDB];
	_ =	sdelay $0x1  }
0x9d: {  	s8 =	simm.s32 $_scs_section_size  }
0x9e: {  	s9 =	simm.s32 $_size__tile_overlayer_lowered;
	s10 =	simm.s32 $_tile_overlayer_lowered  }
0x9f: {  	s22 =	simm.s32 $0x1BFF;
	s21 =	sshll.u32 s10, $0x1;
	s7 =	sadd.s32 s8, s19  }
0xa0: {  	s11 =	simm.s32 $0x0;
	s20 =	sshll.u32 s9, $0x1;
	s9 =	sadd.s32 s21, s7  }
0xa1: {  	[timem:s11], [sflag:s22] =	dma.local [hbm:s9], s20  }
0xa2: {  	_ =	swait.ge [sflag:s22], s20  }
0xa3: {  	s8 =	ssub.s32 $0x0, s20;
	[sflag:s22] =	ssyncset.done $0x0  }
0xa4: {  	[sflag:s22] =	ssyncadd.s32 s8;
	_ =	sdelay $0x1  }
0xa5: {  	s23 =	simm.s32 $0x1B8B  }
0xa6: {  	_ =	swait.ge [sflag:s23], $0x1  }
0xa7: {  	[sflag:s23] =	ssyncset.done $0x0  }
0xa8: {  	s25 =	simm.s32 $0x1B8E;
	s24 =	sld [smem:$0x3FFE];
	[sflag:s23] =	ssyncadd.s32 $0xFFFFFFFF  }
0xa9: {  	s26 =	simm.s32 $execute0_lowered;
	[smem:$0x3FD2] =	sst s25  }
0xaa: {  	s9 =	sshll.u32 s26, $0x1;
	_ =	strace $0x80000046;
	[dreg:$0x1] =	wrdreg $0xFFFFFFFF  }
0xab: {  	s28 =	simm.s32 $_size_execute0_lowered;
	s7 =	sadd.s32 s7, s9;
	[dreg:$0x0] =	wrdreg $0x0  }
0xac: {  	s9 =	sshll.u32 s28, $0x1;
	[dreg:$0x2] =	wrdreg s7  }
0xad: {  	[dreg:$0x3] =	wrdreg s9  }
0xae: {  	[dreg:$0x4] =	wrdreg $0xC0  }
0xaf: {  	_ =	task [dreg:s11], $0x5FFFF  }
0xb0: {  	[dreg:$0x1] =	wrdreg $0xFFFFFFFF  }
0xb1: {  	[dreg:$0x0] =	wrdreg $0x60  }
0xb2: {  	[dreg:$0x2] =	wrdreg s24  }
0xb3: {  	[dreg:$0x3] =	wrdreg s2  }
0xb4: {  	[dreg:$0x4] =	wrdreg s18  }
0xb5: {  	[dreg:$0x5] =	wrdreg s4  }
0xb6: {  	[dreg:$0x6] =	wrdreg s5  }
0xb7: {  	[dreg:$0x7] =	wrdreg s6  }
0xb8: {  	[dreg:$0x8] =	wrdreg $0x9  }
0xb9: {  	_ =	task.clear_ibuf [dreg:s11], $0x9FFFF;
	_ =	strace $0x90000046  }
0xba: {  	s29 =	simm.s32 $0x9;
	_ =	strace $0x80000048  }
0xbb: {  	_ =	swait.ge [sflag:s29], $0x1  }
0xbc: {  	[sflag:s29] =	ssyncadd.s32 $0xFFFFFFFF  }
0xbd: {  	_ =	strace $0x90000048  }
0xbe: {  	_ =	sfence  }
0xbf: {  	s30 =	sld [smem:$0x0];
	_ =	sdelay $0x2  }
0xc0: {  	s31 =	sshll.u32 s1, $0xD;
	s1 =	sshrl.u32 s1, $0x2  }
0xc1: {  	s3 =	sand.u32 $0x4000, s31;
	s1 =	sadd.s32 s1, s30  }
0xc2: {  	s0 =	sor.u32 s3, s0;
	s1 =	sshll.u32 s1, $0x11  }
0xc3: {  	s0 =	sor.u32 s1, s0  }
0xc4: {  	s0 =	sadd.s32 $0x8F2B, s0  }
0xc5: {  	[sflag:s0] =	ssyncadd.remote.s32 $0x1  }
0xc6: {  	_ =	sfence.sel $0xFFFF  }
0xc7: {  	[dreg:$0x0] =	wrdreg $0xFFFFFFFF;
	(pc) =	sbr.abs _section_cstart, $3  }
0xc8: {  	[dreg:$0x1] =	wrdreg $0xFFFFFFFF  }
0xc9: {  	_ =	task.clear_ibuf [dreg:s11], $0x2FFFF;
	_ =	strace $0x9FFFFFFF  }
0xca: {  	(tm) =	ssettm $0x7FFFFFFF  }
0xcb: {  	_ =	shalt  }
tec
execute0_lowered:
.L_overlay_start_1:
0x0: {  	(tag) =	ssettag $0x1  }
0x1: {  	s0 =	rddreg [dreg:$0x0]  }
0x2: {  	s1 =	rddreg [dreg:$0x1]  }
0x3: {  	s2 =	rddreg [dreg:$0x2]  }
0x4: {  	s3 =	rddreg [dreg:$0x5]  }
0x5: {  	s6 =	simm.s32 $0x0;
	s4 =	srdreg.scid;
	s5 =	stileid.u32  }
0x6: {  	s12 =	simm.s32 $0x12;
	s13 =	simm.s32 $0x200;
	s17 =	simm.s32 $0x7A1400  }
0x7: {  	s18 =	simm.s32 $0x400;
	s28 =	simm.s32 $0xE400;
	s29 =	simm.s32 $0xEC00  }
0x8: {  	s30 =	simm.s32 $0xF400;
	s31 =	simm.s32 $0xFC00;
	s4 =	sand.u32 $0x1, s4  }
0x9: {  	[smem:$0x7FF] =	sst s6;
	s5 =	sshll.u32 s5, $0x7;
	s7 =	sshll.u32 s4, $0x6  }
0xa: {  	s4 =	ssub.s32 $0x2, s4;
	_ =	strace $0x80000047;
	s5 =	sor.u32 s7, s5  }
0xb: {  	v6 =	vimm.s32 $0x7;
	v7 =	vimm.s32 $0x8;
	s8 =	sshrl.u32 s4, $0x1;
	s7 =	sadd.s32 $0x1600, s0;
	s9 =	sadd.s32 s5, s0  }
0xc: {  	v8 =	vimm.s32 $0x9;
	v9 =	vimm.s32 $0xA;
	v10 =	vimm.s32 $0xB;
	s26 =	ssub.s32 s4, s8;
	s10 =	sadd.s32 s3, s5;
	s0 =	simm.s32 $0x10400  }
0xd: {  	v11 =	vimm.s32 $0xC;
	v12 =	vimm.s32 $0xD;
	v15 =	vlaneseq.u32;
	s5 =	simm.s32 $0x11;
	s3 =	simm.s32 $0x0;
	s8 =	sadd.s32 $0xE00, s9  }
0xe: {  	v13 =	vimm.s32 $0xE;
	v14 =	vimm.s32 $0xF;
	v15 =	vmul.u32 $0x80, v15;
	s9 =	sadd.s32 $0x600, s9;
	s11 =	smax.u32 s26, $0x1;
	s26 =	simm.s32 $0xDC00  }
.LBB2_1:
0xf: {  	[tilespmem:s6], [sflag:$0x12] =	stream.linear.gather [hbm4b:s8+s6], $0x200, $0x38;
	[tilespmem:$0x10A80] =	vst v63  }
0x10: {  	_ =	swait.ge [sflag:s12], $0x200  }
0x11: {  	[sflag:s12] =	ssyncset.done $0x0  }
0x12: {  	[sflag:s12] =	ssyncadd.s32 $0xFFFFFE00  }
0x13: {  	[tilespmem:s13], [sflag:$0x12] =	stream.linear.gather [hbm4b:s9+s6], $0x200, $0x38;
	[tilespmem:$0x10A80] =	vst v63  }
0x14: {  	_ =	swait.ge [sflag:s12], $0x200  }
0x15: {  	[sflag:s12] =	ssyncset.done $0x0  }
0x16: {  	s4 =	simm.s32 $0x10600;
	[sflag:s12] =	ssyncadd.s32 $0xFFFFFE00  }
0x17: {  	[tilespmem:s4], [sflag:$0x12] =	stream.linear.gather [hbm4b:s7+s6], $0x80, $0x38;
	[tilespmem:$0x10A80] =	vst v63  }
0x18: {  	_ =	swait.ge [sflag:s12], $0x80  }
0x19: {  	[sflag:s12] =	ssyncset.done $0x0  }
0x1a: {  	[sflag:s12] =	ssyncadd.s32 $0xFFFFFF80  }
0x1b: {  	s14 =	simm.s32 $0x10680;
	s22 =	rddreg [dreg:$0x3]  }
0x1c: {  	[tilespmem:s14], [sflag:$0x11] =	stream.indirect.gather [hbm4b:s22+s13], $0x1, s6, s13, $0xb8;
	[tilespmem:$0x10A80] =	vst v63  }
0x1d: {  	s24 =	simm.s32 $0x10880;
	s23 =	rddreg [dreg:$0x4]  }
0x1e: {  	[tilespmem:s24], [sflag:$0x11] =	stream.indirect.gather [hbm4b:s23+s13], $0x1, s13, s13, $0xb8;
	[tilespmem:$0x10A80] =	vst v63  }
0x1f: {  	v16 =	vld.msk [tilespmem:s13+$0x0], $0xffff;
	_ =	sdelay $0x1  }
0x20: {  	v17 =	vld.msk [tilespmem:s6+$0x0], $0xffff;
	_ =	sdelay $0x2  }
0x21: {  	(v2sf) =	vpush v16, $0x0;
	_ =	sdelay $0x1  }
0x22: {  	(v2sf) =	vpush v17, $0x0;
	_ =	sdelay $0xc  }
0x23: {  	s25 =	spop (v2sf)  }
0x24: {  	s19 =	sshra.s32 s25, $0x1F  }
0x25: {  	s15 =	spop (v2sf);
	p0 =	slt.s32 s25, $0x1;
	s20 =	sand.u32 $0x7F, s25  }
0x26: {  	s14 =	sshrl.u32 s19, $0x19;
	s16 =	sand.u32 $0x7F, s15;
	s19 =	sshra.s32 s15, $0x1F  }
0x27: {  	p1 =	slt.s32 s15, $0x1;
	p6 =	sne.s32 s20, $0x0;
	p2 =	sne.s32 s16, $0x0  }
0x28: {  	s19 =	sshrl.u32 s19, $0x19;
	s4 =	sadd.s32 s14, s25;
	p1 =	por !p1, !p2  }
0x29: {  	s15 =	sadd.s32 s19, s15;
	s19 =	simm.s32 $0x1;
	p1 =	por !p1, !p1  }
0x2a: {  	p0 =	por !p0, !p6;
	s15 =	sshrl.u32 s15, $0x7;
	s19 =	simm.s32 @!p1 $0x0  }
0x2b: {  	p0 =	por !p0, !p0;
	s21 =	ssub.s32 s15, s19;
	s15 =	simm.s32 $0x1  }
0x2c: {  	s4 =	sshrl.u32 s4, $0x7;
	s14 =	sshll.u32 s21, $0x7;
	s15 =	simm.s32 @!p0 $0x0  }
0x2d: {  	s14 =	sand.u32 $0x1FFFFF80, s14;
	s4 =	ssub.s32 s4, s15  }
0x2e: {  	v0 =	vimm.s32 $0x1;
	s14 =	sadd.s32 s1, s14;
	s4 =	sshll.u32 s4, $0x7  }
0x2f: {  	[tilespmem:s18], [sflag:$0x1] =	stream.strided.gather [hbm4b:s14+s18], $0x800, s17, s18, $0x38;
	[tilespmem:$0x10A80] =	vst v63  }
0x30: {  	s4 =	sand.u32 $0x1FFFFF80, s4  }
0x31: {  	s22 =	simm.s32 $0xC00;
	s4 =	sadd.s32 s2, s4  }
0x32: {  	[tilespmem:s22], [sflag:$0x1] =	stream.strided.gather [hbm4b:s4+s18], $0x800, s17, s18, $0x38;
	[tilespmem:$0x10A80] =	vst v63  }
0x33: {  	v16 =	vld.idx.msk [tilespmem:v0+s13+$0x0], $0xffff;
	_ =	sdelay $0x1  }
0x34: {  	v17 =	vld.idx.msk [tilespmem:v0+s6+$0x0], $0xffff;
	_ =	sdelay $0x2  }
0x35: {  	(v2sf) =	vpush v16, $0x0;
	_ =	sdelay $0x1  }
0x36: {  	(v2sf) =	vpush v17, $0x0;
	_ =	sdelay $0xc  }
0x37: {  	s23 =	spop (v2sf)  }
0x38: {  	s24 =	sshra.s32 s23, $0x1F  }
0x39: {  	s25 =	spop (v2sf);
	p3 =	slt.s32 s23, $0x1;
	s21 =	sand.u32 $0x7F, s23  }
0x3a: {  	s14 =	sshrl.u32 s24, $0x19;
	s19 =	sand.u32 $0x7F, s25;
	s20 =	sshra.s32 s25, $0x1F  }
0x3b: {  	p4 =	slt.s32 s25, $0x1;
	p6 =	sne.s32 s21, $0x0;
	p5 =	sne.s32 s19, $0x0  }
0x3c: {  	s19 =	sshrl.u32 s20, $0x19;
	s4 =	sadd.s32 s14, s23;
	p1 =	por !p4, !p5  }
0x3d: {  	s15 =	sadd.s32 s19, s25;
	s19 =	simm.s32 $0x1;
	p1 =	por !p1, !p1  }
0x3e: {  	p0 =	por !p3, !p6;
	s15 =	sshrl.u32 s15, $0x7;
	s19 =	simm.s32 @!p1 $0x0  }
0x3f: {  	p0 =	por !p0, !p0;
	s22 =	ssub.s32 s15, s19;
	s15 =	simm.s32 $0x1  }
0x40: {  	s4 =	sshrl.u32 s4, $0x7;
	s14 =	sshll.u32 s22, $0x7;
	s15 =	simm.s32 @!p0 $0x0  }
0x41: {  	s14 =	sand.u32 $0x1FFFFF80, s14;
	s4 =	ssub.s32 s4, s15  }
0x42: {  	v59 =	vimm.s32 $0x2;
	s23 =	simm.s32 $0x1400;
	s14 =	sadd.s32 s1, s14;
	s4 =	sshll.u32 s4, $0x7  }
0x43: {  	[tilespmem:s23], [sflag:$0x2] =	stream.strided.gather [hbm4b:s14+s18], $0x800, s17, s18, $0x38;
	[tilespmem:$0x10A80] =	vst v63  }
0x44: {  	s4 =	sand.u32 $0x1FFFFF80, s4  }
0x45: {  	s24 =	simm.s32 $0x1C00;
	s4 =	sadd.s32 s2, s4  }
0x46: {  	[tilespmem:s24], [sflag:$0x2] =	stream.strided.gather [hbm4b:s4+s18], $0x800, s17, s18, $0x38;
	[tilespmem:$0x10A80] =	vst v63  }
0x47: {  	v16 =	vld.idx.msk [tilespmem:v59+s13+$0x0], $0xffff;
	_ =	sdelay $0x1  }
0x48: {  	v17 =	vld.idx.msk [tilespmem:v59+s6+$0x0], $0xffff;
	_ =	sdelay $0x2  }
0x49: {  	(v2sf) =	vpush v16, $0x0;
	_ =	sdelay $0x1  }
0x4a: {  	(v2sf) =	vpush v17, $0x0;
	_ =	sdelay $0xc  }
0x4b: {  	s25 =	spop (v2sf)  }
0x4c: {  	s20 =	sshra.s32 s25, $0x1F  }
0x4d: {  	s21 =	spop (v2sf);
	p3 =	slt.s32 s25, $0x1;
	s24 =	sand.u32 $0x7F, s25  }
0x4e: {  	s14 =	sshrl.u32 s20, $0x19;
	s22 =	sand.u32 $0x7F, s21;
	s23 =	sshra.s32 s21, $0x1F  }
0x4f: {  	p4 =	slt.s32 s21, $0x1;
	p6 =	sne.s32 s24, $0x0;
	p5 =	sne.s32 s22, $0x0  }
0x50: {  	s19 =	sshrl.u32 s23, $0x19;
	s4 =	sadd.s32 s14, s25;
	p1 =	por !p4, !p5  }
0x51: {  	s15 =	sadd.s32 s19, s21;
	s19 =	simm.s32 $0x1;
	p1 =	por !p1, !p1  }
0x52: {  	p0 =	por !p3, !p6;
	s15 =	sshrl.u32 s15, $0x7;
	s19 =	simm.s32 @!p1 $0x0  }
0x53: {  	p0 =	por !p0, !p0;
	s25 =	ssub.s32 s15, s19;
	s15 =	simm.s32 $0x1  }
0x54: {  	s4 =	sshrl.u32 s4, $0x7;
	s14 =	sshll.u32 s25, $0x7;
	s15 =	simm.s32 @!p0 $0x0  }
0x55: {  	s14 =	sand.u32 $0x1FFFFF80, s14;
	s4 =	ssub.s32 s4, s15  }
0x56: {  	v60 =	vimm.s32 $0x3;
	s16 =	simm.s32 $0x2400;
	s14 =	sadd.s32 s1, s14;
	s4 =	sshll.u32 s4, $0x7  }
0x57: {  	[tilespmem:s16], [sflag:$0x3] =	stream.strided.gather [hbm4b:s14+s18], $0x800, s17, s18, $0x38;
	[tilespmem:$0x10A80] =	vst v63  }
0x58: {  	s4 =	sand.u32 $0x1FFFFF80, s4  }
0x59: {  	s19 =	simm.s32 $0x2C00;
	s4 =	sadd.s32 s2, s4  }
0x5a: {  	[tilespmem:s19], [sflag:$0x3] =	stream.strided.gather [hbm4b:s4+s18], $0x800, s17, s18, $0x38;
	[tilespmem:$0x10A80] =	vst v63  }
0x5b: {  	v16 =	vld.idx.msk [tilespmem:v60+s13+$0x0], $0xffff;
	_ =	sdelay $0x1  }
0x5c: {  	v17 =	vld.idx.msk [tilespmem:v60+s6+$0x0], $0xffff;
	_ =	sdelay $0x2  }
0x5d: {  	(v2sf) =	vpush v16, $0x0;
	_ =	sdelay $0x1  }
0x5e: {  	(v2sf) =	vpush v17, $0x0;
	_ =	sdelay $0xc  }
0x5f: {  	s20 =	spop (v2sf)  }
0x60: {  	s21 =	sshra.s32 s20, $0x1F  }
0x61: {  	s22 =	spop (v2sf);
	p3 =	slt.s32 s20, $0x1;
	s25 =	sand.u32 $0x7F, s20  }
0x62: {  	s14 =	sshrl.u32 s21, $0x19;
	s23 =	sand.u32 $0x7F, s22;
	s24 =	sshra.s32 s22, $0x1F  }
0x63: {  	p4 =	slt.s32 s22, $0x1;
	p6 =	sne.s32 s25, $0x0;
	p5 =	sne.s32 s23, $0x0  }
0x64: {  	s19 =	sshrl.u32 s24, $0x19;
	s4 =	sadd.s32 s14, s20;
	p1 =	por !p4, !p5  }
0x65: {  	s15 =	sadd.s32 s19, s22;
	s19 =	simm.s32 $0x1;
	p1 =	por !p1, !p1  }
0x66: {  	p0 =	por !p3, !p6;
	s15 =	sshrl.u32 s15, $0x7;
	s19 =	simm.s32 @!p1 $0x0  }
0x67: {  	p0 =	por !p0, !p0;
	s20 =	ssub.s32 s15, s19;
	s15 =	simm.s32 $0x1  }
0x68: {  	s4 =	sshrl.u32 s4, $0x7;
	s14 =	sshll.u32 s20, $0x7;
	s15 =	simm.s32 @!p0 $0x0  }
0x69: {  	s14 =	sand.u32 $0x1FFFFF80, s14;
	s4 =	ssub.s32 s4, s15  }
0x6a: {  	v61 =	vimm.s32 $0x4;
	s21 =	simm.s32 $0x3400;
	s14 =	sadd.s32 s1, s14;
	s4 =	sshll.u32 s4, $0x7  }
0x6b: {  	[tilespmem:s21], [sflag:$0x4] =	stream.strided.gather [hbm4b:s14+s18], $0x800, s17, s18, $0x38;
	[tilespmem:$0x10A80] =	vst v63  }
0x6c: {  	s4 =	sand.u32 $0x1FFFFF80, s4  }
0x6d: {  	s22 =	simm.s32 $0x3C00;
	s4 =	sadd.s32 s2, s4  }
0x6e: {  	[tilespmem:s22], [sflag:$0x4] =	stream.strided.gather [hbm4b:s4+s18], $0x800, s17, s18, $0x38;
	[tilespmem:$0x10A80] =	vst v63  }
0x6f: {  	v16 =	vld.idx.msk [tilespmem:v61+s13+$0x0], $0xffff;
	_ =	sdelay $0x1  }
0x70: {  	v17 =	vld.idx.msk [tilespmem:v61+s6+$0x0], $0xffff;
	_ =	sdelay $0x2  }
0x71: {  	(v2sf) =	vpush v16, $0x0;
	_ =	sdelay $0x1  }
0x72: {  	(v2sf) =	vpush v17, $0x0;
	_ =	sdelay $0xc  }
0x73: {  	s23 =	spop (v2sf)  }
0x74: {  	s24 =	sshra.s32 s23, $0x1F  }
0x75: {  	s25 =	spop (v2sf);
	p3 =	slt.s32 s23, $0x1;
	s21 =	sand.u32 $0x7F, s23  }
0x76: {  	s14 =	sshrl.u32 s24, $0x19;
	s19 =	sand.u32 $0x7F, s25;
	s20 =	sshra.s32 s25, $0x1F  }
0x77: {  	p4 =	slt.s32 s25, $0x1;
	p6 =	sne.s32 s21, $0x0;
	p5 =	sne.s32 s19, $0x0  }
0x78: {  	s19 =	sshrl.u32 s20, $0x19;
	s4 =	sadd.s32 s14, s23;
	p1 =	por !p4, !p5  }
0x79: {  	s15 =	sadd.s32 s19, s25;
	s19 =	simm.s32 $0x1;
	p1 =	por !p1, !p1  }
0x7a: {  	p0 =	por !p3, !p6;
	s15 =	sshrl.u32 s15, $0x7;
	s19 =	simm.s32 @!p1 $0x0  }
0x7b: {  	p0 =	por !p0, !p0;
	s22 =	ssub.s32 s15, s19;
	s15 =	simm.s32 $0x1  }
0x7c: {  	s4 =	sshrl.u32 s4, $0x7;
	s14 =	sshll.u32 s22, $0x7;
	s15 =	simm.s32 @!p0 $0x0  }
0x7d: {  	s14 =	sand.u32 $0x1FFFFF80, s14;
	s4 =	ssub.s32 s4, s15  }
0x7e: {  	v62 =	vimm.s32 $0x5;
	s23 =	simm.s32 $0x4400;
	s14 =	sadd.s32 s1, s14;
	s4 =	sshll.u32 s4, $0x7  }
0x7f: {  	[tilespmem:s23], [sflag:$0x5] =	stream.strided.gather [hbm4b:s14+s18], $0x800, s17, s18, $0x38;
	[tilespmem:$0x10A80] =	vst v63  }
0x80: {  	s4 =	sand.u32 $0x1FFFFF80, s4  }
0x81: {  	s24 =	simm.s32 $0x4C00;
	s4 =	sadd.s32 s2, s4  }
0x82: {  	[tilespmem:s24], [sflag:$0x5] =	stream.strided.gather [hbm4b:s4+s18], $0x800, s17, s18, $0x38;
	[tilespmem:$0x10A80] =	vst v63  }
0x83: {  	v16 =	vld.idx.msk [tilespmem:v62+s13+$0x0], $0xffff;
	_ =	sdelay $0x1  }
0x84: {  	v17 =	vld.idx.msk [tilespmem:v62+s6+$0x0], $0xffff;
	_ =	sdelay $0x2  }
0x85: {  	(v2sf) =	vpush v16, $0x0;
	_ =	sdelay $0x1  }
0x86: {  	(v2sf) =	vpush v17, $0x0;
	_ =	sdelay $0xc  }
0x87: {  	s25 =	spop (v2sf)  }
0x88: {  	s20 =	sshra.s32 s25, $0x1F  }
0x89: {  	s21 =	spop (v2sf);
	p3 =	slt.s32 s25, $0x1;
	s24 =	sand.u32 $0x7F, s25  }
0x8a: {  	s14 =	sshrl.u32 s20, $0x19;
	s22 =	sand.u32 $0x7F, s21;
	s23 =	sshra.s32 s21, $0x1F  }
0x8b: {  	p4 =	slt.s32 s21, $0x1;
	p6 =	sne.s32 s24, $0x0;
	p5 =	sne.s32 s22, $0x0  }
0x8c: {  	s19 =	sshrl.u32 s23, $0x19;
	s4 =	sadd.s32 s14, s25;
	p1 =	por !p4, !p5  }
0x8d: {  	s15 =	sadd.s32 s19, s21;
	s19 =	simm.s32 $0x1;
	p1 =	por !p1, !p1  }
0x8e: {  	p0 =	por !p3, !p6;
	s15 =	sshrl.u32 s15, $0x7;
	s19 =	simm.s32 @!p1 $0x0  }
0x8f: {  	p0 =	por !p0, !p0;
	s25 =	ssub.s32 s15, s19;
	s15 =	simm.s32 $0x1  }
0x90: {  	s4 =	sshrl.u32 s4, $0x7;
	s14 =	sshll.u32 s25, $0x7;
	s15 =	simm.s32 @!p0 $0x0  }
0x91: {  	s14 =	sand.u32 $0x1FFFFF80, s14;
	s4 =	ssub.s32 s4, s15  }
0x92: {  	v63 =	vimm.s32 $0x6;
	s16 =	simm.s32 $0x5400;
	s14 =	sadd.s32 s1, s14;
	s4 =	sshll.u32 s4, $0x7  }
0x93: {  	[tilespmem:s16], [sflag:$0x6] =	stream.strided.gather [hbm4b:s14+s18], $0x800, s17, s18, $0x38;
	[tilespmem:$0x10A80] =	vst v63  }
0x94: {  	s4 =	sand.u32 $0x1FFFFF80, s4  }
0x95: {  	s19 =	simm.s32 $0x5C00;
	s4 =	sadd.s32 s2, s4  }
0x96: {  	[tilespmem:s19], [sflag:$0x6] =	stream.strided.gather [hbm4b:s4+s18], $0x800, s17, s18, $0x38;
	[tilespmem:$0x10A80] =	vst v63  }
0x97: {  	v16 =	vld.idx.msk [tilespmem:v63+s13+$0x0], $0xffff;
	_ =	sdelay $0x1  }
0x98: {  	v17 =	vld.idx.msk [tilespmem:v63+s6+$0x0], $0xffff;
	_ =	sdelay $0x2  }
0x99: {  	(v2sf) =	vpush v16, $0x0;
	_ =	sdelay $0x1  }
0x9a: {  	(v2sf) =	vpush v17, $0x0;
	_ =	sdelay $0xc  }
0x9b: {  	s20 =	spop (v2sf)  }
0x9c: {  	s21 =	sshra.s32 s20, $0x1F  }
0x9d: {  	s22 =	spop (v2sf);
	p3 =	slt.s32 s20, $0x1;
	s25 =	sand.u32 $0x7F, s20  }
0x9e: {  	s14 =	sshrl.u32 s21, $0x19;
	s23 =	sand.u32 $0x7F, s22;
	s24 =	sshra.s32 s22, $0x1F  }
0x9f: {  	p4 =	slt.s32 s22, $0x1;
	p6 =	sne.s32 s25, $0x0;
	p5 =	sne.s32 s23, $0x0  }
0xa0: {  	s19 =	sshrl.u32 s24, $0x19;
	s4 =	sadd.s32 s14, s20;
	p1 =	por !p4, !p5  }
0xa1: {  	s15 =	sadd.s32 s19, s22;
	s19 =	simm.s32 $0x1;
	p1 =	por !p1, !p1  }
0xa2: {  	p0 =	por !p3, !p6;
	s15 =	sshrl.u32 s15, $0x7;
	s19 =	simm.s32 @!p1 $0x0  }
0xa3: {  	p0 =	por !p0, !p0;
	s20 =	ssub.s32 s15, s19;
	s15 =	simm.s32 $0x1  }
0xa4: {  	s4 =	sshrl.u32 s4, $0x7;
	s14 =	sshll.u32 s20, $0x7;
	s15 =	simm.s32 @!p0 $0x0  }
0xa5: {  	s14 =	sand.u32 $0x1FFFFF80, s14;
	s4 =	ssub.s32 s4, s15  }
0xa6: {  	s21 =	simm.s32 $0x6400;
	s14 =	sadd.s32 s1, s14;
	s4 =	sshll.u32 s4, $0x7  }
0xa7: {  	[tilespmem:s21], [sflag:$0x7] =	stream.strided.gather [hbm4b:s14+s18], $0x800, s17, s18, $0x38;
	[tilespmem:$0x10A80] =	vst v63  }
0xa8: {  	s4 =	sand.u32 $0x1FFFFF80, s4  }
0xa9: {  	s22 =	simm.s32 $0x6C00;
	s4 =	sadd.s32 s2, s4  }
0xaa: {  	[tilespmem:s22], [sflag:$0x7] =	stream.strided.gather [hbm4b:s4+s18], $0x800, s17, s18, $0x38;
	[tilespmem:$0x10A80] =	vst v63  }
0xab: {  	v16 =	vld.idx.msk [tilespmem:v6+s13+$0x0], $0xffff;
	_ =	sdelay $0x1  }
0xac: {  	v17 =	vld.idx.msk [tilespmem:v6+s6+$0x0], $0xffff;
	_ =	sdelay $0x2  }
0xad: {  	(v2sf) =	vpush v16, $0x0;
	_ =	sdelay $0x1  }
0xae: {  	(v2sf) =	vpush v17, $0x0;
	_ =	sdelay $0xc  }
0xaf: {  	s23 =	spop (v2sf)  }
0xb0: {  	s24 =	sshra.s32 s23, $0x1F  }
0xb1: {  	s25 =	spop (v2sf);
	p3 =	slt.s32 s23, $0x1;
	s21 =	sand.u32 $0x7F, s23  }
0xb2: {  	s14 =	sshrl.u32 s24, $0x19;
	s19 =	sand.u32 $0x7F, s25;
	s20 =	sshra.s32 s25, $0x1F  }
0xb3: {  	p4 =	slt.s32 s25, $0x1;
	p6 =	sne.s32 s21, $0x0;
	p5 =	sne.s32 s19, $0x0  }
0xb4: {  	s19 =	sshrl.u32 s20, $0x19;
	s4 =	sadd.s32 s14, s23;
	p1 =	por !p4, !p5  }
0xb5: {  	s15 =	sadd.s32 s19, s25;
	s19 =	simm.s32 $0x1;
	p1 =	por !p1, !p1  }
0xb6: {  	p0 =	por !p3, !p6;
	s15 =	sshrl.u32 s15, $0x7;
	s19 =	simm.s32 @!p1 $0x0  }
0xb7: {  	p0 =	por !p0, !p0;
	s22 =	ssub.s32 s15, s19;
	s15 =	simm.s32 $0x1  }
0xb8: {  	s4 =	sshrl.u32 s4, $0x7;
	s14 =	sshll.u32 s22, $0x7;
	s15 =	simm.s32 @!p0 $0x0  }
0xb9: {  	s14 =	sand.u32 $0x1FFFFF80, s14;
	s4 =	ssub.s32 s4, s15  }
0xba: {  	s23 =	simm.s32 $0x7400;
	s14 =	sadd.s32 s1, s14;
	s4 =	sshll.u32 s4, $0x7  }
0xbb: {  	[tilespmem:s23], [sflag:$0x8] =	stream.strided.gather [hbm4b:s14+s18], $0x800, s17, s18, $0x38;
	[tilespmem:$0x10A80] =	vst v63  }
0xbc: {  	s4 =	sand.u32 $0x1FFFFF80, s4  }
0xbd: {  	s24 =	simm.s32 $0x7C00;
	s4 =	sadd.s32 s2, s4  }
0xbe: {  	[tilespmem:s24], [sflag:$0x8] =	stream.strided.gather [hbm4b:s4+s18], $0x800, s17, s18, $0x38;
	[tilespmem:$0x10A80] =	vst v63  }
0xbf: {  	v16 =	vld.idx.msk [tilespmem:v7+s13+$0x0], $0xffff;
	_ =	sdelay $0x1  }
0xc0: {  	v17 =	vld.idx.msk [tilespmem:v7+s6+$0x0], $0xffff;
	_ =	sdelay $0x2  }
0xc1: {  	(v2sf) =	vpush v16, $0x0;
	_ =	sdelay $0x1  }
0xc2: {  	(v2sf) =	vpush v17, $0x0;
	_ =	sdelay $0xc  }
0xc3: {  	s25 =	spop (v2sf)  }
0xc4: {  	s20 =	sshra.s32 s25, $0x1F  }
0xc5: {  	s21 =	spop (v2sf);
	p3 =	slt.s32 s25, $0x1;
	s24 =	sand.u32 $0x7F, s25  }
0xc6: {  	s14 =	sshrl.u32 s20, $0x19;
	s22 =	sand.u32 $0x7F, s21;
	s23 =	sshra.s32 s21, $0x1F  }
0xc7: {  	p4 =	slt.s32 s21, $0x1;
	p6 =	sne.s32 s24, $0x0;
	p5 =	sne.s32 s22, $0x0  }
0xc8: {  	s19 =	sshrl.u32 s23, $0x19;
	s4 =	sadd.s32 s14, s25;
	p1 =	por !p4, !p5  }
0xc9: {  	s15 =	sadd.s32 s19, s21;
	s19 =	simm.s32 $0x1;
	p1 =	por !p1, !p1  }
0xca: {  	p0 =	por !p3, !p6;
	s15 =	sshrl.u32 s15, $0x7;
	s19 =	simm.s32 @!p1 $0x0  }
0xcb: {  	p0 =	por !p0, !p0;
	s25 =	ssub.s32 s15, s19;
	s15 =	simm.s32 $0x1  }
0xcc: {  	s4 =	sshrl.u32 s4, $0x7;
	s14 =	sshll.u32 s25, $0x7;
	s15 =	simm.s32 @!p0 $0x0  }
0xcd: {  	s14 =	sand.u32 $0x1FFFFF80, s14;
	s4 =	ssub.s32 s4, s15  }
0xce: {  	s16 =	simm.s32 $0x8400;
	s14 =	sadd.s32 s1, s14;
	s4 =	sshll.u32 s4, $0x7  }
0xcf: {  	[tilespmem:s16], [sflag:$0x9] =	stream.strided.gather [hbm4b:s14+s18], $0x800, s17, s18, $0x38;
	[tilespmem:$0x10A80] =	vst v63  }
0xd0: {  	s4 =	sand.u32 $0x1FFFFF80, s4  }
0xd1: {  	s19 =	simm.s32 $0x8C00;
	s4 =	sadd.s32 s2, s4  }
0xd2: {  	[tilespmem:s19], [sflag:$0x9] =	stream.strided.gather [hbm4b:s4+s18], $0x800, s17, s18, $0x38;
	[tilespmem:$0x10A80] =	vst v63  }
0xd3: {  	v16 =	vld.idx.msk [tilespmem:v8+s13+$0x0], $0xffff;
	_ =	sdelay $0x1  }
0xd4: {  	v17 =	vld.idx.msk [tilespmem:v8+s6+$0x0], $0xffff;
	_ =	sdelay $0x2  }
0xd5: {  	(v2sf) =	vpush v16, $0x0;
	_ =	sdelay $0x1  }
0xd6: {  	(v2sf) =	vpush v17, $0x0;
	_ =	sdelay $0xc  }
0xd7: {  	s20 =	spop (v2sf)  }
0xd8: {  	s21 =	sshra.s32 s20, $0x1F  }
0xd9: {  	s22 =	spop (v2sf);
	p3 =	slt.s32 s20, $0x1;
	s25 =	sand.u32 $0x7F, s20  }
0xda: {  	s14 =	sshrl.u32 s21, $0x19;
	s23 =	sand.u32 $0x7F, s22;
	s24 =	sshra.s32 s22, $0x1F  }
0xdb: {  	p4 =	slt.s32 s22, $0x1;
	p6 =	sne.s32 s25, $0x0;
	p5 =	sne.s32 s23, $0x0  }
0xdc: {  	s19 =	sshrl.u32 s24, $0x19;
	s4 =	sadd.s32 s14, s20;
	p1 =	por !p4, !p5  }
0xdd: {  	s15 =	sadd.s32 s19, s22;
	s19 =	simm.s32 $0x1;
	p1 =	por !p1, !p1  }
0xde: {  	p0 =	por !p3, !p6;
	s15 =	sshrl.u32 s15, $0x7;
	s19 =	simm.s32 @!p1 $0x0  }
0xdf: {  	p0 =	por !p0, !p0;
	s20 =	ssub.s32 s15, s19;
	s15 =	simm.s32 $0x1  }
0xe0: {  	s4 =	sshrl.u32 s4, $0x7;
	s14 =	sshll.u32 s20, $0x7;
	s15 =	simm.s32 @!p0 $0x0  }
0xe1: {  	s14 =	sand.u32 $0x1FFFFF80, s14;
	s4 =	ssub.s32 s4, s15  }
0xe2: {  	s21 =	simm.s32 $0x9400;
	s14 =	sadd.s32 s1, s14;
	s4 =	sshll.u32 s4, $0x7  }
0xe3: {  	[tilespmem:s21], [sflag:$0xA] =	stream.strided.gather [hbm4b:s14+s18], $0x800, s17, s18, $0x38;
	[tilespmem:$0x10A80] =	vst v63  }
0xe4: {  	s4 =	sand.u32 $0x1FFFFF80, s4  }
0xe5: {  	s22 =	simm.s32 $0x9C00;
	s4 =	sadd.s32 s2, s4  }
0xe6: {  	[tilespmem:s22], [sflag:$0xA] =	stream.strided.gather [hbm4b:s4+s18], $0x800, s17, s18, $0x38;
	[tilespmem:$0x10A80] =	vst v63  }
0xe7: {  	v16 =	vld.idx.msk [tilespmem:v9+s13+$0x0], $0xffff;
	_ =	sdelay $0x1  }
0xe8: {  	v17 =	vld.idx.msk [tilespmem:v9+s6+$0x0], $0xffff;
	_ =	sdelay $0x2  }
0xe9: {  	(v2sf) =	vpush v16, $0x0;
	_ =	sdelay $0x1  }
0xea: {  	(v2sf) =	vpush v17, $0x0;
	_ =	sdelay $0xc  }
0xeb: {  	s23 =	spop (v2sf)  }
0xec: {  	s24 =	sshra.s32 s23, $0x1F  }
0xed: {  	s25 =	spop (v2sf);
	p3 =	slt.s32 s23, $0x1;
	s21 =	sand.u32 $0x7F, s23  }
0xee: {  	s14 =	sshrl.u32 s24, $0x19;
	s19 =	sand.u32 $0x7F, s25;
	s20 =	sshra.s32 s25, $0x1F  }
0xef: {  	p4 =	slt.s32 s25, $0x1;
	p6 =	sne.s32 s21, $0x0;
	p5 =	sne.s32 s19, $0x0  }
0xf0: {  	s19 =	sshrl.u32 s20, $0x19;
	s4 =	sadd.s32 s14, s23;
	p1 =	por !p4, !p5  }
0xf1: {  	s15 =	sadd.s32 s19, s25;
	s19 =	simm.s32 $0x1;
	p1 =	por !p1, !p1  }
0xf2: {  	p0 =	por !p3, !p6;
	s15 =	sshrl.u32 s15, $0x7;
	s19 =	simm.s32 @!p1 $0x0  }
0xf3: {  	p0 =	por !p0, !p0;
	s22 =	ssub.s32 s15, s19;
	s15 =	simm.s32 $0x1  }
0xf4: {  	s4 =	sshrl.u32 s4, $0x7;
	s14 =	sshll.u32 s22, $0x7;
	s15 =	simm.s32 @!p0 $0x0  }
0xf5: {  	s14 =	sand.u32 $0x1FFFFF80, s14;
	s4 =	ssub.s32 s4, s15  }
0xf6: {  	s23 =	simm.s32 $0xA400;
	s14 =	sadd.s32 s1, s14;
	s4 =	sshll.u32 s4, $0x7  }
0xf7: {  	[tilespmem:s23], [sflag:$0xB] =	stream.strided.gather [hbm4b:s14+s18], $0x800, s17, s18, $0x38;
	[tilespmem:$0x10A80] =	vst v63  }
0xf8: {  	s4 =	sand.u32 $0x1FFFFF80, s4  }
0xf9: {  	s24 =	simm.s32 $0xAC00;
	s4 =	sadd.s32 s2, s4  }
0xfa: {  	[tilespmem:s24], [sflag:$0xB] =	stream.strided.gather [hbm4b:s4+s18], $0x800, s17, s18, $0x38;
	[tilespmem:$0x10A80] =	vst v63  }
0xfb: {  	v16 =	vld.idx.msk [tilespmem:v10+s13+$0x0], $0xffff;
	_ =	sdelay $0x1  }
0xfc: {  	v17 =	vld.idx.msk [tilespmem:v10+s6+$0x0], $0xffff;
	_ =	sdelay $0x2  }
0xfd: {  	(v2sf) =	vpush v16, $0x0;
	_ =	sdelay $0x1  }
0xfe: {  	(v2sf) =	vpush v17, $0x0;
	_ =	sdelay $0xc  }
0xff: {  	s25 =	spop (v2sf)  }
0x100: {  	s20 =	sshra.s32 s25, $0x1F  }
0x101: {  	s21 =	spop (v2sf);
	p3 =	slt.s32 s25, $0x1;
	s24 =	sand.u32 $0x7F, s25  }
0x102: {  	s14 =	sshrl.u32 s20, $0x19;
	s22 =	sand.u32 $0x7F, s21;
	s23 =	sshra.s32 s21, $0x1F  }
0x103: {  	p4 =	slt.s32 s21, $0x1;
	p6 =	sne.s32 s24, $0x0;
	p5 =	sne.s32 s22, $0x0  }
0x104: {  	s19 =	sshrl.u32 s23, $0x19;
	s4 =	sadd.s32 s14, s25;
	p1 =	por !p4, !p5  }
0x105: {  	s15 =	sadd.s32 s19, s21;
	s19 =	simm.s32 $0x1;
	p1 =	por !p1, !p1  }
0x106: {  	p0 =	por !p3, !p6;
	s15 =	sshrl.u32 s15, $0x7;
	s19 =	simm.s32 @!p1 $0x0  }
0x107: {  	p0 =	por !p0, !p0;
	s25 =	ssub.s32 s15, s19;
	s15 =	simm.s32 $0x1  }
0x108: {  	s4 =	sshrl.u32 s4, $0x7;
	s14 =	sshll.u32 s25, $0x7;
	s15 =	simm.s32 @!p0 $0x0  }
0x109: {  	s14 =	sand.u32 $0x1FFFFF80, s14;
	s4 =	ssub.s32 s4, s15  }
0x10a: {  	s16 =	simm.s32 $0xB400;
	s14 =	sadd.s32 s1, s14;
	s4 =	sshll.u32 s4, $0x7  }
0x10b: {  	[tilespmem:s16], [sflag:$0xC] =	stream.strided.gather [hbm4b:s14+s18], $0x800, s17, s18, $0x38;
	[tilespmem:$0x10A80] =	vst v63  }
0x10c: {  	s4 =	sand.u32 $0x1FFFFF80, s4  }
0x10d: {  	s19 =	simm.s32 $0xBC00;
	s4 =	sadd.s32 s2, s4  }
0x10e: {  	[tilespmem:s19], [sflag:$0xC] =	stream.strided.gather [hbm4b:s4+s18], $0x800, s17, s18, $0x38;
	[tilespmem:$0x10A80] =	vst v63  }
0x10f: {  	v16 =	vld.idx.msk [tilespmem:v11+s13+$0x0], $0xffff;
	_ =	sdelay $0x1  }
0x110: {  	v17 =	vld.idx.msk [tilespmem:v11+s6+$0x0], $0xffff;
	_ =	sdelay $0x2  }
0x111: {  	(v2sf) =	vpush v16, $0x0;
	_ =	sdelay $0x1  }
0x112: {  	(v2sf) =	vpush v17, $0x0;
	_ =	sdelay $0xc  }
0x113: {  	s20 =	spop (v2sf)  }
0x114: {  	s21 =	sshra.s32 s20, $0x1F  }
0x115: {  	s22 =	spop (v2sf);
	p3 =	slt.s32 s20, $0x1;
	s25 =	sand.u32 $0x7F, s20  }
0x116: {  	s14 =	sshrl.u32 s21, $0x19;
	s23 =	sand.u32 $0x7F, s22;
	s24 =	sshra.s32 s22, $0x1F  }
0x117: {  	p4 =	slt.s32 s22, $0x1;
	p6 =	sne.s32 s25, $0x0;
	p5 =	sne.s32 s23, $0x0  }
0x118: {  	s19 =	sshrl.u32 s24, $0x19;
	s4 =	sadd.s32 s14, s20;
	p1 =	por !p4, !p5  }
0x119: {  	s15 =	sadd.s32 s19, s22;
	s19 =	simm.s32 $0x1;
	p1 =	por !p1, !p1  }
0x11a: {  	p0 =	por !p3, !p6;
	s15 =	sshrl.u32 s15, $0x7;
	s19 =	simm.s32 @!p1 $0x0  }
0x11b: {  	p0 =	por !p0, !p0;
	s16 =	ssub.s32 s15, s19;
	s15 =	simm.s32 $0x1  }
0x11c: {  	s4 =	sshrl.u32 s4, $0x7;
	s14 =	sshll.u32 s16, $0x7;
	s15 =	simm.s32 @!p0 $0x0  }
0x11d: {  	s14 =	sand.u32 $0x1FFFFF80, s14;
	s4 =	ssub.s32 s4, s15  }
0x11e: {  	s19 =	simm.s32 $0xC400;
	s14 =	sadd.s32 s1, s14;
	s4 =	sshll.u32 s4, $0x7  }
0x11f: {  	[tilespmem:s19], [sflag:$0xD] =	stream.strided.gather [hbm4b:s14+s18], $0x800, s17, s18, $0x38;
	[tilespmem:$0x10A80] =	vst v63  }
0x120: {  	s4 =	sand.u32 $0x1FFFFF80, s4  }
0x121: {  	s20 =	simm.s32 $0xCC00;
	s4 =	sadd.s32 s2, s4  }
0x122: {  	[tilespmem:s20], [sflag:$0xD] =	stream.strided.gather [hbm4b:s4+s18], $0x800, s17, s18, $0x38;
	[tilespmem:$0x10A80] =	vst v63  }
0x123: {  	v16 =	vld.idx.msk [tilespmem:v12+s13+$0x0], $0xffff;
	_ =	sdelay $0x1  }
0x124: {  	v17 =	vld.idx.msk [tilespmem:v12+s6+$0x0], $0xffff;
	_ =	sdelay $0x2  }
0x125: {  	(v2sf) =	vpush v16, $0x0;
	_ =	sdelay $0x1  }
0x126: {  	(v2sf) =	vpush v17, $0x0;
	_ =	sdelay $0xc  }
0x127: {  	s21 =	spop (v2sf)  }
0x128: {  	s22 =	sshra.s32 s21, $0x1F  }
0x129: {  	s23 =	spop (v2sf);
	p3 =	slt.s32 s21, $0x1;
	s20 =	sand.u32 $0x7F, s21  }
0x12a: {  	s14 =	sshrl.u32 s22, $0x19;
	s24 =	sand.u32 $0x7F, s23;
	s25 =	sshra.s32 s23, $0x1F  }
0x12b: {  	p4 =	slt.s32 s23, $0x1;
	p6 =	sne.s32 s20, $0x0;
	p5 =	sne.s32 s24, $0x0  }
0x12c: {  	s19 =	sshrl.u32 s25, $0x19;
	s4 =	sadd.s32 s14, s21;
	p1 =	por !p4, !p5  }
0x12d: {  	s15 =	sadd.s32 s19, s23;
	s19 =	simm.s32 $0x1;
	p1 =	por !p1, !p1  }
0x12e: {  	p0 =	por !p3, !p6;
	s15 =	sshrl.u32 s15, $0x7;
	s19 =	simm.s32 @!p1 $0x0  }
0x12f: {  	p0 =	por !p0, !p0;
	s21 =	ssub.s32 s15, s19;
	s15 =	simm.s32 $0x1  }
0x130: {  	s4 =	sshrl.u32 s4, $0x7;
	s14 =	sshll.u32 s21, $0x7;
	s15 =	simm.s32 @!p0 $0x0  }
0x131: {  	s14 =	sand.u32 $0x1FFFFF80, s14;
	s4 =	ssub.s32 s4, s15  }
0x132: {  	s22 =	simm.s32 $0xD400;
	s14 =	sadd.s32 s1, s14;
	s4 =	sshll.u32 s4, $0x7  }
0x133: {  	[tilespmem:s22], [sflag:$0xE] =	stream.strided.gather [hbm4b:s14+s18], $0x800, s17, s18, $0x38;
	[tilespmem:$0x10A80] =	vst v63  }
0x134: {  	s4 =	sand.u32 $0x1FFFFF80, s4  }
0x135: {  	s4 =	sadd.s32 s2, s4  }
0x136: {  	[tilespmem:s26], [sflag:$0xE] =	stream.strided.gather [hbm4b:s4+s18], $0x800, s17, s18, $0x38;
	[tilespmem:$0x10A80] =	vst v63  }
0x137: {  	v16 =	vld.idx.msk [tilespmem:v13+s13+$0x0], $0xffff;
	_ =	sdelay $0x1  }
0x138: {  	v17 =	vld.idx.msk [tilespmem:v13+s6+$0x0], $0xffff;
	_ =	sdelay $0x2  }
0x139: {  	(v2sf) =	vpush v16, $0x0;
	_ =	sdelay $0x1  }
0x13a: {  	(v2sf) =	vpush v17, $0x0;
	_ =	sdelay $0xc  }
0x13b: {  	s23 =	spop (v2sf)  }
0x13c: {  	s24 =	sshra.s32 s23, $0x1F  }
0x13d: {  	s25 =	spop (v2sf);
	p3 =	slt.s32 s23, $0x1;
	s21 =	sand.u32 $0x7F, s23  }
0x13e: {  	s14 =	sshrl.u32 s24, $0x19;
	s19 =	sand.u32 $0x7F, s25;
	s20 =	sshra.s32 s25, $0x1F  }
0x13f: {  	p4 =	slt.s32 s25, $0x1;
	p6 =	sne.s32 s21, $0x0;
	p5 =	sne.s32 s19, $0x0  }
0x140: {  	s19 =	sshrl.u32 s20, $0x19;
	s4 =	sadd.s32 s14, s23;
	p1 =	por !p4, !p5  }
0x141: {  	s15 =	sadd.s32 s19, s25;
	s19 =	simm.s32 $0x1;
	p1 =	por !p1, !p1  }
0x142: {  	p0 =	por !p3, !p6;
	s15 =	sshrl.u32 s15, $0x7;
	s19 =	simm.s32 @!p1 $0x0  }
0x143: {  	p0 =	por !p0, !p0;
	s22 =	ssub.s32 s15, s19;
	s15 =	simm.s32 $0x1  }
0x144: {  	s4 =	sshrl.u32 s4, $0x7;
	s14 =	sshll.u32 s22, $0x7;
	s15 =	simm.s32 @!p0 $0x0  }
0x145: {  	s14 =	sand.u32 $0x1FFFFF80, s14;
	s4 =	ssub.s32 s4, s15  }
0x146: {  	s14 =	sadd.s32 s1, s14;
	s4 =	sshll.u32 s4, $0x7  }
0x147: {  	[tilespmem:s28], [sflag:$0xF] =	stream.strided.gather [hbm4b:s14+s18], $0x800, s17, s18, $0x38;
	[tilespmem:$0x10A80] =	vst v63  }
0x148: {  	s4 =	sand.u32 $0x1FFFFF80, s4  }
0x149: {  	s4 =	sadd.s32 s2, s4  }
0x14a: {  	[tilespmem:s29], [sflag:$0xF] =	stream.strided.gather [hbm4b:s4+s18], $0x800, s17, s18, $0x38;
	[tilespmem:$0x10A80] =	vst v63  }
0x14b: {  	v16 =	vld.idx.msk [tilespmem:v14+s13+$0x0], $0xffff;
	_ =	sdelay $0x1  }
0x14c: {  	v17 =	vld.idx.msk [tilespmem:v14+s6+$0x0], $0xffff;
	_ =	sdelay $0x2  }
0x14d: {  	(v2sf) =	vpush v16, $0x0;
	_ =	sdelay $0x1  }
0x14e: {  	(v2sf) =	vpush v17, $0x0;
	_ =	sdelay $0xc  }
0x14f: {  	s23 =	spop (v2sf)  }
0x150: {  	s24 =	sshra.s32 s23, $0x1F  }
0x151: {  	s25 =	spop (v2sf);
	p3 =	slt.s32 s23, $0x1;
	s21 =	sand.u32 $0x7F, s23  }
0x152: {  	s14 =	sshrl.u32 s24, $0x19;
	s19 =	sand.u32 $0x7F, s25;
	s20 =	sshra.s32 s25, $0x1F  }
0x153: {  	p4 =	slt.s32 s25, $0x1;
	p6 =	sne.s32 s21, $0x0;
	p5 =	sne.s32 s19, $0x0  }
0x154: {  	s19 =	sshrl.u32 s20, $0x19;
	s4 =	sadd.s32 s14, s23;
	p1 =	por !p4, !p5  }
0x155: {  	s15 =	sadd.s32 s19, s25;
	s19 =	simm.s32 $0x1;
	p1 =	por !p1, !p1  }
0x156: {  	p0 =	por !p3, !p6;
	s15 =	sshrl.u32 s15, $0x7;
	s19 =	simm.s32 @!p1 $0x0  }
0x157: {  	p0 =	por !p0, !p0;
	s22 =	ssub.s32 s15, s19;
	s15 =	simm.s32 $0x1  }
0x158: {  	s4 =	sshrl.u32 s4, $0x7;
	s14 =	sshll.u32 s22, $0x7;
	s15 =	simm.s32 @!p0 $0x0  }
0x159: {  	s14 =	sand.u32 $0x1FFFFF80, s14;
	s4 =	ssub.s32 s4, s15  }
0x15a: {  	v16 =	vmov s6;
	s14 =	sadd.s32 s1, s14;
	s4 =	sshll.u32 s4, $0x7  }
0x15b: {  	[tilespmem:s30], [sflag:$0x10] =	stream.strided.gather [hbm4b:s14+s18], $0x800, s17, s18, $0x38;
	[tilespmem:$0x10A80] =	vst v63  }
0x15c: {  	s4 =	sand.u32 $0x1FFFFF80, s4  }
0x15d: {  	s4 =	sadd.s32 s2, s4  }
0x15e: {  	[tilespmem:s31], [sflag:$0x10] =	stream.strided.gather [hbm4b:s4+s18], $0x800, s17, s18, $0x38;
	[tilespmem:$0x10A80] =	vst v63  }
0x15f: {  	v17 =	vld.idx.msk [tilespmem:v16+s13+$0x0], $0xffff  }
0x160: {  	v18 =	vld.idx.msk [tilespmem:v16+s6+$0x0], $0xffff  }
0x161: {  	s14 =	sand.u32 $0xF, s6  }
0x162: {  	s4 =	sadd.s32 $0x1, s14  }
0x163: {  	_ =	swait.ge [sflag:s4], $0x800  }
0x164: {  	(v2sf) =	vpush v17, $0x0  }
0x165: {  	(v2sf) =	vpush v18, $0x0;
	_ =	sdelay $0xc  }
0x166: {  	s23 =	sshll.u32 s14, $0xC  }
0x167: {  	v17 =	vmov s23;
	s24 =	spop (v2sf)  }
0x168: {  	v17 =	vor.u32 $0x800, v17;
	s16 =	sand.u32 $0x7F, s24;
	s25 =	spop (v2sf)  }
0x169: {  	s19 =	sand.u32 $0x7F, s25;
	v17 =	vor.u32 s16, v17  }
0x16a: {  	s15 =	sor.u32 s23, s19;
	v17 =	vbroadcast v17, $0x0  }
0x16b: {  	[sflag:s4] =	ssyncset.done $0x0;
	v18 =	vor.u32 s15, v15  }
0x16c: {  	[sflag:s4] =	ssyncadd.s32 $0xFFFFF800;
	v17 =	vor.u32 v15, v17  }
0x16d: {  	_ =	swait.ge [sflag:s4], $0x800  }
0x16e: {  	[sflag:s4] =	ssyncset.done $0x0  }
0x16f: {  	[sflag:s4] =	ssyncadd.s32 $0xFFFFF800  }
0x170: {  	v18 =	vld.idx.msk [tilespmem:v18+s18+$0x0], $0xffff  }
0x171: {  	v17 =	vld.idx.msk [tilespmem:v17+s18+$0x0], $0xffff;
	_ =	sdelay $0x4  }
0x172: {  	v17 =	vmul.f32 v17, v18;
	_ =	sdelay $0x1  }
0x173: {  	(xrf2) =	vadd.scan.msk.f32 $0xffff, v17;
	_ =	sdelay $0x6  }
0x174: {  	p0 =	por $0x0, $0x0  }
0x175: {  	s15 =	simm.s32 @!p0 $0x10  }
0x176: {  	v17 =	vmov @!p0 s15  }
0x177: {  	v18, _, _ =	vpop (xrf2)  }
0x178: {  	v18 =	vbroadcast v18, $0xF;
	_ =	sdelay $0x1  }
0x179: {  	s15 =	simm.s32 @!p0 $0x0;
	[tilespmem:v16+s0+$0x0] =	vst.idx.msk $0x1, v18  }
0x17a: {  	v16 =	vld.idx.msk @!p0 [tilespmem:v17+s15+$0x0], $0xffff  }
0x17b: {  	s15 =	simm.s32 @!p0 $0x200  }
0x17c: {  	v17 =	vld.idx.msk @!p0 [tilespmem:v17+s15+$0x0], $0xffff;
	_ =	sdelay $0x2  }
0x17d: {  	(v2sf) =	vpush @!p0 v16, $0x0;
	_ =	sdelay $0x1  }
0x17e: {  	(v2sf) =	vpush @!p0 v17, $0x0;
	_ =	sdelay $0xc  }
0x17f: {  	s16 =	sshll.u32 @!p0 s14, $0xC;
	s14 =	spop @!p0 (v2sf)  }
0x180: {  	s22 =	sor.u32 @!p0 $0x400, s16;
	s15 =	simm.s32 @!p0 $0x1;
	s19 =	sand.u32 @!p0 $0x7F, s14  }
0x181: {  	s20 =	spop @!p0 (v2sf);
	p2 =	slt.s32 @!p0 s14, $0x1;
	p1 =	sne.s32 @!p0 s19, $0x0  }
0x182: {  	s21 =	sshra.s32 @!p0 s14, $0x1F;
	s19 =	sand.u32 @!p0 $0x7F, s20;
	p1 =	por @!p0 !p2, !p1  }
0x183: {  	s21 =	sshrl.u32 @!p0 s21, $0x19;
	p3 =	sne.s32 @!p0 s19, $0x0;
	p1 =	por @!p0 !p1, !p1  }
0x184: {  	s14 =	sadd.s32 @!p0 s21, s14;
	s21 =	simm.s32 @!p0 $0x1;
	p1 =	por !p1, p0  }
0x185: {  	p2 =	slt.s32 @!p0 s20, $0x1;
	s14 =	sshrl.u32 @!p0 s14, $0x7;
	s21 =	simm.s32 @p1 $0x0  }
0x186: {  	s19 =	sshra.s32 @!p0 s20, $0x1F;
	p2 =	por @!p0 !p2, !p3;
	s14 =	ssub.s32 @!p0 s14, s21  }
0x187: {  	s19 =	sshrl.u32 @!p0 s19, $0x19;
	p2 =	por @!p0 !p2, !p2;
	s14 =	sshll.u32 @!p0 s14, $0x7  }
0x188: {  	s19 =	sadd.s32 @!p0 s19, s20;
	s20 =	simm.s32 @!p0 $0x7A1400;
	s14 =	sand.u32 @!p0 $0x1FFFFF80, s14  }
0x189: {  	p1 =	por !p2, p0;
	s21 =	simm.s32 @!p0 $0x400;
	s14 =	sadd.s32 @!p0 s1, s14  }
0x18a: {  	[tilespmem:s22], [sflag:s4] =	stream.strided.gather @!p0 [hbm4b:s14+s21], $0x800, s20, s21, $0x38;
	[tilespmem:$0x10A80] =	vst v63  }
0x18b: {  	s19 =	sshrl.u32 @!p0 s19, $0x7;
	s15 =	simm.s32 @p1 $0x0;
	s14 =	simm.s32 $0x1  }
0x18c: {  	s15 =	ssub.s32 @!p0 s19, s15;
	v16 =	vmov s14  }
0x18d: {  	s19 =	sshll.u32 @!p0 s15, $0x7  }
0x18e: {  	s16 =	sor.u32 @!p0 $0xC00, s16;
	s15 =	simm.s32 $0x2;
	s22 =	sand.u32 @!p0 $0x1FFFFF80, s19  }
.LBB2_2:
0x18f: {  	s19 =	sadd.s32 @!p0 s2, s22;
	s22 =	smov.u32 s15;
	s15 =	sadd.s32 $0x1, s15  }
0x190: {  	[tilespmem:s16], [sflag:s4] =	stream.strided.gather @!p0 [hbm4b:s19+s21], $0x800, s20, s21, $0x38;
	[tilespmem:$0x10A80] =	vst v63  }
0x191: {  	p1 =	sne.s32 s15, $0x200;
	s21 =	sand.u32 $0xF, s14;
	p0 =	sgt.u32 s14, $0x1EF;
	v17 =	vld.idx.msk [tilespmem:v16+s13+$0x0], $0xffff  }
0x192: {  	s4 =	sadd.s32 $0x1, s21;
	s16 =	sshll.u32 @!p0 s21, $0xC;
	s20 =	sadd.s32 @!p0 $0x10, s14;
	v18 =	vld.idx.msk [tilespmem:v16+s6+$0x0], $0xffff  }
0x193: {  	s19 =	sor.u32 @!p0 $0x400, s16;
	s16 =	sor.u32 @!p0 $0xC00, s16;
	_ =	swait.ge [sflag:s4], $0x800  }
0x194: {  	s14 =	smov.u32 s22;
	[sflag:s4] =	ssyncset.done $0x0  }
0x195: {  	[sflag:s4] =	ssyncadd.s32 $0xFFFFF800;
	_ =	sdelay $0x1  }
0x196: {  	(v2sf) =	vpush v17, $0x0  }
0x197: {  	(v2sf) =	vpush v18, $0x0;
	_ =	sdelay $0xc  }
0x198: {  	s21 =	sshll.u32 s21, $0xC  }
0x199: {  	v17 =	vmov s21;
	s22 =	spop (v2sf)  }
0x19a: {  	v17 =	vor.u32 $0x800, v17;
	s22 =	sand.u32 $0x7F, s22;
	s23 =	spop (v2sf)  }
0x19b: {  	s23 =	sand.u32 $0x7F, s23;
	v17 =	vor.u32 s22, v17  }
0x19c: {  	s21 =	sor.u32 s21, s23;
	v17 =	vbroadcast v17, $0x0  }
0x19d: {  	v18 =	vor.u32 s21, v15  }
0x19e: {  	v17 =	vor.u32 v15, v17  }
0x19f: {  	_ =	swait.ge [sflag:s4], $0x800  }
0x1a0: {  	[sflag:s4] =	ssyncset.done $0x0  }
0x1a1: {  	[sflag:s4] =	ssyncadd.s32 $0xFFFFF800  }
0x1a2: {  	v18 =	vld.idx.msk [tilespmem:v18+s18+$0x0], $0xffff  }
0x1a3: {  	v17 =	vld.idx.msk [tilespmem:v17+s18+$0x0], $0xffff;
	_ =	sdelay $0x5  }
0x1a4: {  	v17 =	vmul.f32 v17, v18;
	_ =	sdelay $0x1  }
0x1a5: {  	(xrf2) =	vadd.scan.msk.f32 $0xffff, v17;
	_ =	sdelay $0x8  }
0x1a6: {  	v17 =	vmov @!p0 s20  }
0x1a7: {  	v18, _, _ =	vpop (xrf2)  }
0x1a8: {  	v18 =	vbroadcast v18, $0xF;
	_ =	sdelay $0x1  }
0x1a9: {  	s20 =	simm.s32 @!p0 $0x0;
	[tilespmem:v16+s0+$0x0] =	vst.idx.msk $0x1, v18  }
0x1aa: {  	v16 =	vld.idx.msk @!p0 [tilespmem:v17+s20+$0x0], $0xffff  }
0x1ab: {  	s20 =	simm.s32 @!p0 $0x200  }
0x1ac: {  	v17 =	vld.idx.msk @!p0 [tilespmem:v17+s20+$0x0], $0xffff;
	_ =	sdelay $0x3  }
0x1ad: {  	(v2sf) =	vpush @!p0 v16, $0x0;
	_ =	sdelay $0x1  }
0x1ae: {  	(v2sf) =	vpush @!p0 v17, $0x0;
	_ =	sdelay $0xc  }
0x1af: {  	s20 =	simm.s32 @!p0 $0x1;
	s21 =	spop @!p0 (v2sf)  }
0x1b0: {  	s22 =	sshra.s32 @!p0 s21, $0x1F;
	p2 =	slt.s32 @!p0 s21, $0x1;
	s23 =	sand.u32 @!p0 $0x7F, s21  }
0x1b1: {  	p3 =	sne.s32 @!p0 s23, $0x0;
	s23 =	spop @!p0 (v2sf)  }
0x1b2: {  	s22 =	sshrl.u32 @!p0 s22, $0x19;
	s24 =	sshra.s32 @!p0 s23, $0x1F;
	s25 =	sand.u32 @!p0 $0x7F, s23  }
0x1b3: {  	p2 =	por @!p0 !p2, !p3;
	p3 =	slt.s32 @!p0 s23, $0x1;
	s21 =	sadd.s32 @!p0 s22, s21  }
0x1b4: {  	p4 =	sne.s32 @!p0 s25, $0x0;
	p2 =	por @!p0 !p2, !p2;
	s22 =	sshrl.u32 @!p0 s24, $0x19  }
0x1b5: {  	s21 =	sshrl.u32 @!p0 s21, $0x7;
	p3 =	por @!p0 !p3, !p4;
	p2 =	por !p2, p0  }
0x1b6: {  	s22 =	sadd.s32 @!p0 s22, s23;
	s23 =	simm.s32 @!p0 $0x1;
	p3 =	por @!p0 !p3, !p3  }
0x1b7: {  	s23 =	simm.s32 @p2 $0x0;
	s22 =	sshrl.u32 @!p0 s22, $0x7;
	p3 =	por !p3, p0  }
.Ltmp0:
0x1b8: {  	s21 =	ssub.s32 @!p0 s21, s23;
	s20 =	simm.s32 @p3 $0x0;
	(pc) =	sbr.rel @p1 .LBB2_2-.Ltmp0, $4  }
0x1b9: {  	s22 =	ssub.s32 @!p0 s22, s20;
	s20 =	sshll.u32 @!p0 s21, $0x7  }
0x1ba: {  	v16 =	vmov s14;
	s21 =	sand.u32 @!p0 $0x1FFFFF80, s20;
	s20 =	simm.s32 @!p0 $0x7A1400;
	s22 =	sshll.u32 @!p0 s22, $0x7  }
0x1bb: {  	s23 =	sadd.s32 @!p0 s1, s21;
	s21 =	simm.s32 @!p0 $0x400;
	s22 =	sand.u32 @!p0 $0x1FFFFF80, s22  }
0x1bc: {  	[tilespmem:s19], [sflag:s4] =	stream.strided.gather @!p0 [hbm4b:s23+s21], $0x800, s20, s21, $0x38;
	[tilespmem:$0x10A80] =	vst v63  }
0x1bd: {  	_ =	sdelay $0x1  }
0x1be: {  	s15 =	sadd.s32 @!p0 s2, s22  }
0x1bf: {  	[tilespmem:s16], [sflag:s4] =	stream.strided.gather @!p0 [hbm4b:s15+s21], $0x800, s20, s21, $0x38;
	[tilespmem:$0x10A80] =	vst v63  }
0x1c0: {  	v17 =	vld.idx.msk [tilespmem:v16+s13+$0x0], $0xffff  }
0x1c1: {  	v18 =	vld.idx.msk [tilespmem:v16+s6+$0x0], $0xffff  }
0x1c2: {  	s15 =	sand.u32 $0xF, s14  }
0x1c3: {  	s4 =	sadd.s32 $0x1, s15  }
0x1c4: {  	_ =	swait.ge [sflag:s4], $0x800  }
0x1c5: {  	(v2sf) =	vpush v17, $0x0  }
0x1c6: {  	(v2sf) =	vpush v18, $0x0;
	_ =	sdelay $0xc  }
0x1c7: {  	s24 =	sshll.u32 s15, $0xC  }
0x1c8: {  	v17 =	vmov s24;
	s19 =	spop (v2sf)  }
0x1c9: {  	v17 =	vor.u32 $0x800, v17;
	s19 =	sand.u32 $0x7F, s19;
	s25 =	spop (v2sf)  }
0x1ca: {  	s20 =	sand.u32 $0x7F, s25;
	v17 =	vor.u32 s19, v17  }
0x1cb: {  	s16 =	sor.u32 s24, s20;
	v17 =	vbroadcast v17, $0x0  }
0x1cc: {  	[sflag:s4] =	ssyncset.done $0x0;
	v31 =	vor.u32 s16, v15  }
0x1cd: {  	[sflag:s4] =	ssyncadd.s32 $0xFFFFF800;
	v17 =	vor.u32 v15, v17  }
0x1ce: {  	_ =	swait.ge [sflag:s4], $0x800  }
0x1cf: {  	[sflag:s4] =	ssyncset.done $0x0  }
0x1d0: {  	[sflag:s4] =	ssyncadd.s32 $0xFFFFF800  }
0x1d1: {  	v18 =	vld.idx.msk [tilespmem:v31+s18+$0x0], $0xffff  }
0x1d2: {  	v17 =	vld.idx.msk [tilespmem:v17+s18+$0x0], $0xffff;
	_ =	sdelay $0x4  }
0x1d3: {  	v17 =	vmul.f32 v17, v18;
	_ =	sdelay $0x1  }
0x1d4: {  	(xrf2) =	vadd.scan.msk.f32 $0xffff, v17;
	_ =	sdelay $0x6  }
0x1d5: {  	p0 =	sgt.u32 s14, $0x1EF  }
0x1d6: {  	s14 =	sadd.s32 @!p0 $0x10, s14  }
0x1d7: {  	v17 =	vmov @!p0 s14  }
0x1d8: {  	v32, _, _ =	vpop (xrf2)  }
0x1d9: {  	v18 =	vbroadcast v32, $0xF;
	_ =	sdelay $0x1  }
0x1da: {  	s14 =	simm.s32 @!p0 $0x0;
	[tilespmem:v16+s0+$0x0] =	vst.idx.msk $0x1, v18  }
0x1db: {  	v16 =	vld.idx.msk @!p0 [tilespmem:v17+s14+$0x0], $0xffff  }
0x1dc: {  	s14 =	simm.s32 @!p0 $0x200  }
0x1dd: {  	v17 =	vld.idx.msk @!p0 [tilespmem:v17+s14+$0x0], $0xffff;
	_ =	sdelay $0x2  }
0x1de: {  	(v2sf) =	vpush @!p0 v16, $0x0;
	_ =	sdelay $0x1  }
0x1df: {  	(v2sf) =	vpush @!p0 v17, $0x0;
	_ =	sdelay $0xc  }
0x1e0: {  	s14 =	spop @!p0 (v2sf)  }
0x1e1: {  	s15 =	sshll.u32 @!p0 s15, $0xC;
	s16 =	simm.s32 @!p0 $0x1;
	s19 =	sshra.s32 @!p0 s14, $0x1F  }
0x1e2: {  	p1 =	slt.s32 @!p0 s14, $0x1;
	s20 =	sand.u32 @!p0 $0x7F, s14;
	s21 =	spop @!p0 (v2sf)  }
0x1e3: {  	s19 =	sshrl.u32 @!p0 s19, $0x19;
	p2 =	sne.s32 @!p0 s20, $0x0;
	s20 =	sand.u32 @!p0 $0x7F, s21  }
0x1e4: {  	p1 =	por @!p0 !p1, !p2;
	p2 =	slt.s32 @!p0 s21, $0x1;
	p3 =	sne.s32 @!p0 s20, $0x0  }
0x1e5: {  	s20 =	sshra.s32 @!p0 s21, $0x1F;
	s14 =	sadd.s32 @!p0 s19, s14;
	p1 =	por @!p0 !p1, !p1  }
0x1e6: {  	p2 =	por @!p0 !p2, !p3;
	s19 =	sshrl.u32 @!p0 s20, $0x19;
	s14 =	sshrl.u32 @!p0 s14, $0x7  }
0x1e7: {  	s20 =	simm.s32 @!p0 $0x1;
	p1 =	por !p1, p0;
	p2 =	por @!p0 !p2, !p2  }
0x1e8: {  	s19 =	sadd.s32 @!p0 s19, s21;
	p2 =	por !p2, p0;
	s20 =	simm.s32 @p1 $0x0  }
0x1e9: {  	s19 =	sshrl.u32 @!p0 s19, $0x7;
	s16 =	simm.s32 @p2 $0x0;
	s14 =	ssub.s32 @!p0 s14, s20  }
0x1ea: {  	s21 =	simm.s32 @!p0 $0x400;
	s16 =	ssub.s32 @!p0 s19, s16;
	s14 =	sshll.u32 @!p0 s14, $0x7  }
0x1eb: {  	s20 =	sor.u32 @!p0 $0x400, s15;
	s14 =	sand.u32 @!p0 $0x1FFFFF80, s14;
	s16 =	sshll.u32 @!p0 s16, $0x7  }
0x1ec: {  	s19 =	simm.s32 @!p0 $0x7A1400;
	s14 =	sadd.s32 @!p0 s1, s14;
	s16 =	sand.u32 @!p0 $0x1FFFFF80, s16  }
0x1ed: {  	[tilespmem:s20], [sflag:s4] =	stream.strided.gather @!p0 [hbm4b:s14+s21], $0x800, s19, s21, $0x38;
	[tilespmem:$0x10A80] =	vst v63  }
0x1ee: {  	s14 =	sor.u32 @!p0 $0xC00, s15;
	s15 =	sadd.s32 @!p0 s2, s16  }
0x1ef: {  	[tilespmem:s14], [sflag:s4] =	stream.strided.gather @!p0 [hbm4b:s15+s21], $0x800, s19, s21, $0x38;
	[tilespmem:$0x10A80] =	vst v63  }
0x1f0: {  	_ =	swait.ge [sflag:s5], $0x200  }
0x1f1: {  	[sflag:s5] =	ssyncset.done $0x0  }
0x1f2: {  	[sflag:s5] =	ssyncadd.s32 $0xFFFFFE00  }
0x1f3: {  	_ =	swait.ge [sflag:s5], $0x200  }
0x1f4: {  	[sflag:s5] =	ssyncset.done $0x0  }
0x1f5: {  	[sflag:s5] =	ssyncadd.s32 $0xFFFFFE00  }
0x1f6: {  	v16 =	vld [tilespmem:$0x10600]  }
0x1f7: {  	v17 =	vld [tilespmem:$0x10400]  }
0x1f8: {  	v18 =	vld [tilespmem:$0x10680]  }
0x1f9: {  	v19 =	vld [tilespmem:$0x10880]  }
0x1fa: {  	v20 =	vld [tilespmem:$0x10410]  }
0x1fb: {  	v21 =	vld [tilespmem:$0x10690]  }
0x1fc: {  	v22 =	vld [tilespmem:$0x10890]  }
0x1fd: {  	v23 =	vld [tilespmem:$0x10420]  }
0x1fe: {  	v24 =	vld [tilespmem:$0x106A0]  }
0x1ff: {  	v25 =	vld [tilespmem:$0x108A0]  }
0x200: {  	v26 =	vld [tilespmem:$0x10430]  }
0x201: {  	v27 =	vld [tilespmem:$0x106B0]  }
0x202: {  	v28 =	vld [tilespmem:$0x108B0]  }
0x203: {  	v29 =	vld [tilespmem:$0x10440]  }
0x204: {  	v30 =	vld [tilespmem:$0x106C0]  }
0x205: {  	v31 =	vld [tilespmem:$0x108C0]  }
0x206: {  	v32 =	vld [tilespmem:$0x10450]  }
0x207: {  	v33 =	vld [tilespmem:$0x106D0]  }
0x208: {  	v34 =	vld [tilespmem:$0x108D0]  }
0x209: {  	v35 =	vld [tilespmem:$0x10460]  }
0x20a: {  	v36 =	vld [tilespmem:$0x106E0]  }
0x20b: {  	v37 =	vld [tilespmem:$0x108E0]  }
0x20c: {  	v38 =	vld [tilespmem:$0x10470]  }
0x20d: {  	v39 =	vld [tilespmem:$0x106F0]  }
0x20e: {  	v40 =	vld [tilespmem:$0x108F0]  }
0x20f: {  	v41 =	vld [tilespmem:$0x10480]  }
0x210: {  	v42 =	vld [tilespmem:$0x10700]  }
0x211: {  	v43 =	vld [tilespmem:$0x10900]  }
0x212: {  	v44 =	vld [tilespmem:$0x10490]  }
0x213: {  	v45 =	vld [tilespmem:$0x10710]  }
0x214: {  	v46 =	vld [tilespmem:$0x10910]  }
0x215: {  	v47 =	vld [tilespmem:$0x104A0]  }
0x216: {  	v48 =	vld [tilespmem:$0x10720]  }
0x217: {  	v49 =	vld [tilespmem:$0x10920]  }
0x218: {  	v50 =	vld [tilespmem:$0x104B0]  }
0x219: {  	v51 =	vld [tilespmem:$0x10730]  }
0x21a: {  	v52 =	vld [tilespmem:$0x10930]  }
0x21b: {  	v53 =	vld [tilespmem:$0x104C0]  }
0x21c: {  	v54 =	vld [tilespmem:$0x10740]  }
0x21d: {  	v55 =	vld [tilespmem:$0x10940]  }
0x21e: {  	v56 =	vld [tilespmem:$0x104D0]  }
0x21f: {  	v57 =	vld [tilespmem:$0x10750]  }
0x220: {  	v58 =	vld [tilespmem:$0x10950]  }
0x221: {  	v59 =	vld [tilespmem:$0x104E0]  }
0x222: {  	v60 =	vld [tilespmem:$0x10760]  }
0x223: {  	v61 =	vld [tilespmem:$0x10960]  }
0x224: {  	v62 =	vld [tilespmem:$0x104F0]  }
0x225: {  	v63 =	vld [tilespmem:$0x10770]  }
0x226: {  	v0 =	vld [tilespmem:$0x10970]  }
0x227: {  	v1 =	vld [tilespmem:$0x10500]  }
0x228: {  	v2 =	vld [tilespmem:$0x10780]  }
0x229: {  	v3 =	vld [tilespmem:$0x10980]  }
0x22a: {  	v4 =	vld [tilespmem:$0x10510]  }
0x22b: {  	v5 =	vld [tilespmem:$0x10790]  }
0x22c: {  	v17 =	vadd.f32 v18, v17;
	v18 =	vld [tilespmem:$0x10990]  }
0x22d: {  	v20 =	vadd.f32 v21, v20;
	v21 =	vld [tilespmem:$0x10520]  }
0x22e: {  	v33 =	vadd.f32 v33, v32;
	v36 =	vadd.f32 v36, v35;
	v32 =	vld [tilespmem:$0x10540]  }
0x22f: {  	v39 =	vadd.f32 v39, v38;
	v42 =	vadd.f32 v42, v41;
	v38 =	vld [tilespmem:$0x10550]  }
0x230: {  	v45 =	vadd.f32 v45, v44;
	v48 =	vadd.f32 v48, v47;
	v44 =	vld [tilespmem:$0x10560]  }
0x231: {  	v51 =	vadd.f32 v51, v50;
	v1 =	vadd.f32 v2, v1;
	v2 =	vld [tilespmem:$0x10570]  }
0x232: {  	v54 =	vadd.f32 v54, v53;
	v4 =	vadd.f32 v5, v4;
	v5 =	vld [tilespmem:$0x107F0]  }
0x233: {  	v57 =	vadd.f32 v57, v56;
	v59 =	vadd.f32 v60, v59;
	v47 =	vld [tilespmem:$0x10A00]  }
0x234: {  	v60 =	vadd.f32 v63, v62;
	v53 =	vld [tilespmem:$0x10A10];
	v17 =	vadd.f32 v19, v17  }
0x235: {  	v56 =	vld [tilespmem:$0x105A0];
	v19 =	vadd.f32 v24, v23;
	v20 =	vadd.f32 v22, v20  }
0x236: {  	v23 =	vld [tilespmem:$0x107A0];
	v22 =	vadd.f32 v27, v26;
	v27 =	vadd.f32 v34, v33  }
0x237: {  	v24 =	vld [tilespmem:$0x109A0];
	v33 =	vadd.f32 v43, v42;
	v35 =	vadd.f32 v46, v45  }
0x238: {  	v26 =	vld [tilespmem:$0x10530];
	v41 =	vadd.f32 v55, v54;
	v43 =	vadd.f32 v58, v57  }
0x239: {  	v34 =	vld [tilespmem:$0x107C0];
	v45 =	vadd.f32 v61, v59;
	v0 =	vadd.f32 v0, v60  }
0x23a: {  	v42 =	vld [tilespmem:$0x109D0];
	v1 =	vadd.f32 v3, v1;
	v19 =	vadd.f32 v25, v19  }
0x23b: {  	v46 =	vld [tilespmem:$0x107E0];
	v25 =	vadd.f32 v30, v29;
	v22 =	vadd.f32 v28, v22  }
0x23c: {  	v3 =	vld [tilespmem:$0x109F0];
	v29 =	vadd.f32 v37, v36;
	v37 =	vadd.f32 v49, v48  }
0x23d: {  	v57 =	vld [tilespmem:$0x10820];
	v17 =	vadd.f32 v17, v16;
	v20 =	vadd.f32 v20, v16  }
0x23e: {  	v61 =	vld [tilespmem:$0x105B0];
	v50 =	vadd.f32 v27, v16;
	v58 =	vadd.f32 v35, v16  }
0x23f: {  	v28 =	vld [tilespmem:$0x107B0];
	v0 =	vadd.f32 v0, v16;
	v1 =	vadd.f32 v1, v16  }
0x240: {  	v30 =	vld [tilespmem:$0x109B0];
	v4 =	vadd.f32 v18, v4;
	v2 =	vadd.f32 v5, v2;
	[tilespmem:$0x10400] =	vst v17  }
0x241: {  	v36 =	vld [tilespmem:$0x109C0];
	v25 =	vadd.f32 v31, v25;
	v31 =	vadd.f32 v40, v39;
	[tilespmem:$0x10410] =	vst v20  }
0x242: {  	v48 =	vld [tilespmem:$0x109E0];
	v39 =	vadd.f32 v52, v51;
	v17 =	vadd.f32 v19, v16;
	[tilespmem:$0x10450] =	vst v50  }
0x243: {  	v49 =	vld [tilespmem:$0x10590];
	v63 =	vadd.f32 v22, v16;
	[tilespmem:$0x10490] =	vst v58;
	v62 =	vadd.f32 v23, v21  }
0x244: {  	v18 =	vld [tilespmem:$0x10580];
	[tilespmem:$0x104F0] =	vst v0;
	v52 =	vadd.f32 v34, v32;
	v60 =	vadd.f32 v46, v44  }
0x245: {  	v5 =	vld [tilespmem:$0x10830];
	v2 =	vadd.f32 v3, v2;
	[tilespmem:$0x10420] =	vst v17;
	v17 =	vadd.f32 v25, v16  }
0x246: {  	v40 =	vld [tilespmem:$0x107D0];
	[tilespmem:$0x10500] =	vst v1;
	v54 =	vadd.f32 v31, v16;
	v28 =	vadd.f32 v28, v26  }
0x247: {  	v51 =	vld [tilespmem:$0x10810];
	[tilespmem:$0x10430] =	vst v63;
	v19 =	vadd.f32 v24, v62;
	v26 =	vadd.f32 v36, v52  }
0x248: {  	v21 =	vld [tilespmem:$0x10800];
	v62 =	vadd.f32 v39, v16;
	v32 =	vadd.f32 v48, v60;
	[tilespmem:$0x10440] =	vst v17  }
0x249: {  	v59 =	vld [tilespmem:$0x10A20];
	v36 =	vadd.f32 v43, v16;
	v17 =	vadd.f32 v29, v16;
	[tilespmem:$0x10470] =	vst v54  }
0x24a: {  	v50 =	vld [tilespmem:$0x10860];
	v5 =	vadd.f32 v5, v61;
	v22 =	vadd.f32 v30, v28;
	[tilespmem:$0x104B0] =	vst v62  }
0x24b: {  	v63 =	vld [tilespmem:$0x10A30];
	v55 =	vadd.f32 v40, v38;
	[tilespmem:$0x104D0] =	vst v36;
	v44 =	vadd.f32 v19, v16  }
0x24c: {  	v43 =	vld [tilespmem:$0x10850];
	v39 =	vadd.f32 v51, v49;
	[tilespmem:$0x10460] =	vst v17;
	v17 =	vadd.f32 v33, v16  }
0x24d: {  	v48 =	vld [tilespmem:$0x105E0];
	v49 =	vadd.f32 v26, v16;
	v18 =	vadd.f32 v21, v18;
	[tilespmem:$0x10520] =	vst v44  }
0x24e: {  	v52 =	vld [tilespmem:$0x105F0];
	v28 =	vadd.f32 v42, v55;
	[tilespmem:$0x10480] =	vst v17;
	v17 =	vadd.f32 v37, v16  }
0x24f: {  	v38 =	vld [tilespmem:$0x10840];
	v42 =	vadd.f32 v4, v16;
	v4 =	vadd.f32 v53, v39;
	[tilespmem:$0x10540] =	vst v49  }
0x250: {  	v5 =	vadd.f32 v63, v5;
	v37 =	vld [tilespmem:$0x105C0];
	[tilespmem:$0x104A0] =	vst v17;
	v17 =	vadd.f32 v41, v16  }
0x251: {  	v54 =	vld [tilespmem:$0x10870];
	v53 =	vadd.f32 v32, v16;
	v55 =	vadd.f32 v2, v16;
	[tilespmem:$0x10510] =	vst v42  }
0x252: {  	v61 =	vadd.f32 v50, v48;
	v41 =	vld [tilespmem:$0x105D0];
	[tilespmem:$0x104C0] =	vst v17;
	v17 =	vadd.f32 v45, v16  }
0x253: {  	v40 =	vld [tilespmem:$0x10A40];
	v51 =	vadd.f32 v28, v16;
	[tilespmem:$0x10560] =	vst v53;
	v60 =	vadd.f32 v4, v16  }
0x254: {  	v46 =	vld [tilespmem:$0x10A50];
	v5 =	vadd.f32 v5, v16;
	[tilespmem:$0x104E0] =	vst v17;
	v17 =	vadd.f32 v47, v18  }
0x255: {  	[tilespmem:$0x10570] =	vst v55;
	v45 =	vadd.f32 v57, v56;
	v57 =	vld [tilespmem:$0x10A60];
	v3 =	vadd.f32 v38, v37  }
0x256: {  	[tilespmem:$0x10550] =	vst v51;
	v47 =	vadd.f32 v22, v16;
	v58 =	vadd.f32 v17, v16;
	v17 =	vld [tilespmem:$0x10A70]  }
0x257: {  	[tilespmem:$0x10590] =	vst v60;
	v19 =	vadd.f32 v59, v45;
	v56 =	vadd.f32 v43, v41  }
0x258: {  	v62 =	vadd.f32 v54, v52;
	[tilespmem:$0x105B0] =	vst v5;
	v3 =	vadd.f32 v40, v3  }
0x259: {  	[tilespmem:$0x10530] =	vst v47;
	v4 =	vadd.f32 v19, v16;
	v59 =	vadd.f32 v46, v56  }
0x25a: {  	v1 =	vadd.f32 v57, v61;
	v3 =	vadd.f32 v3, v16;
	[tilespmem:$0x10580] =	vst v58  }
0x25b: {  	[tilespmem:$0x105A0] =	vst v4;
	v0 =	vadd.f32 v59, v16;
	v2 =	vadd.f32 v17, v62  }
0x25c: {  	[tilespmem:$0x105C0] =	vst v3;
	v1 =	vadd.f32 v1, v16  }
0x25d: {  	s3 =	sadd.s32 $0x1, s3;
	[tilespmem:$0x105D0] =	vst v0;
	v63 =	vadd.f32 v2, v16  }
0x25e: {  	p0 =	sne.s32 s3, s11;
	[tilespmem:$0x105E0] =	vst v1  }
.Ltmp1:
0x25f: {  	[tilespmem:$0x105F0] =	vst v63;
	(pc) =	sbr.rel @p0 .LBB2_1-.Ltmp1, $4  }
0x260: {  	[hbm4b:s10+s6] =	stream.linear.scatter [tilespmem:s0], [sflag:$0x12], $0x200, $0x38;
	[tilespmem:$0x10A80] =	vst v63  }
0x261: {  	_ =	swait.ge [sflag:s12], $0x200  }
0x262: {  	[sflag:s12] =	ssyncset.done $0x0  }
0x263: {  	[sflag:s12] =	ssyncadd.s32 $0xFFFFFE00  }
0x264: {  	_ =	sfence.sel $0x180000  }
0x265: {  	[bflag:$0x0] =	sbarrier.arrive $0xFFFF  }
0x266: {  	_ =	strace $0x90000047  }
0x267: {  	s0 =	stileid.u32;
	[bflag:$0x2] =	sbarrier.arrive $0xFFFF  }
0x268: {  	p0 =	sne.s32 s0, $0x0;
	s0 =	rddreg [dreg:$0x6]  }
0x269: {  	s0 =	sadd.s32 @!p0 $0x100000, s0  }
0x26a: {  	[sflag:s0] =	ssyncadd.tile.s32 @!p0 $0x1;
	_ =	shalt  }
.Lfunc_end2:
_tile_overlayer_lowered:
.L_overlay_start_2:
0x26b: {  	(tag) =	ssettag $0x2  }
0x26c: {  	s0 =	rddreg [dreg:$0x0];
	s2 =	stileid.u32  }
0x26d: {  	s1 =	rddreg [dreg:$0x1];
	p0 =	sne.s32 s2, $0x0  }
0x26e: {  	s3 =	rddreg [dreg:$0x2];
	[bflag:$0x3] =	sbarrier.arrive $0xFFFF;
	s2 =	simm.s32 @!p0 $0x1C12  }
0x26f: {  	[timem:s3], [sflag:s2] =	dma.local @!p0 [hbm:s0], s1  }
0x270: {  	s0 =	simm.s32 @!p0 $0x12  }
0x271: {  	_ =	swait.ge @!p0 [sflag:s0], s1  }
0x272: {  	s1 =	ssub.s32 @!p0 $0x0, s1;
	[sflag:s0] =	ssyncset.done @!p0 $0x0  }
0x273: {  	[sflag:s0] =	ssyncadd.s32 @!p0 s1  }
0x274: {  	[bflag:$0x3] =	sbarrier.arrive $0xFFFF  }
0x275: {  	_ =	shalt  }

</sc_bundles>
